<compile_context>
chip_gen: v7x
topology: tpu7x:2x2x1
jax: 0.10.2.dev20260603
libtpu: 0.0.44.dev20260713+nightly
codegen_flags: <defaults>
</compile_context>

<pallas_src>
import functools

import jax
import jax.numpy as jnp
from jax import lax
from jax.experimental import pallas as pl
from jax.experimental.pallas import tpu as pltpu
from jax.experimental.pallas import tpu_sc as plsc

N = 10000
E = 320000
D = 128
ED = 32
FIN = 64
L = 3

NC = 2
NS = 16
NW = NC * NS
LANES = 16

C = 128
NCHUNK = E // C
NKP = 80

NPAD = 10240
RPW = NPAD // NS
ZR = 128

_mesh = plsc.VectorSubcoreMesh(core_axis_name="c", subcore_axis_name="s")


def _leaky(v, slope):
    return jnp.where(v > 0, v, slope * v)



def _make_segsum(with_degree):
    if with_degree:
        out_type = (jax.ShapeDtypeStruct((NC, NPAD, D), jnp.float32),
                    jax.ShapeDtypeStruct((NC, NPAD, D), jnp.float32))
    else:
        out_type = jax.ShapeDtypeStruct((NC, NPAD, D), jnp.float32)

    @functools.partial(
        pl.kernel,
        out_type=out_type,
        mesh=_mesh,
        scratch_types=[
            pltpu.VMEM_SHARED((NPAD, D), jnp.float32),
            pltpu.VMEM((2, C), jnp.int32),
            pltpu.VMEM((2, C), jnp.int32),
            pltpu.VMEM((C, D), jnp.float32),
            pltpu.VMEM((C, D), jnp.float32),
            pltpu.SemaphoreType.DMA,
            pltpu.SemaphoreType.DMA,
            pltpu.SemaphoreType.DMA,
            pltpu.SemaphoreType.DMA,
        ],
    )
    def _segsum(h_hbm, ec_hbm, out_hbm, *rest):
        if with_degree:
            (wout_hbm, hagg, ibuf0, ibuf1, rows0, rows1,
             isem0, isem1, gsem0, gsem1) = rest
        else:
            (hagg, ibuf0, ibuf1, rows0, rows1,
             isem0, isem1, gsem0, gsem1) = rest
        cid = lax.axis_index("c")
        sid = lax.axis_index("s")
        wid = cid * NS + sid

        zero16 = jnp.zeros((LANES,), jnp.float32)

        def fill(buf, val):
            @pl.loop(0, ZR)
            def _(r):
                @pl.loop(0, D // LANES)
                def _(c):
                    buf[r, pl.ds(c * LANES, LANES)] = val

        def zero_own_rows(src):
            @pl.loop(0, RPW // ZR)
            def _(b):
                pltpu.sync_copy(src, hagg.at[pl.ds(sid * RPW + b * ZR, ZR)])

        def copy_out(dst):
            @pl.loop(0, RPW // ZR)
            def _(b):
                r0 = sid * RPW + b * ZR
                pltpu.sync_copy(hagg.at[pl.ds(r0, ZR)], dst.at[cid].at[pl.ds(r0, ZR)])

        fill(rows0, zero16)
        zero_own_rows(rows0)
        plsc.subcore_barrier()

        bufs = ((ibuf0, rows0, isem0, gsem0), (ibuf1, rows1, isem1, gsem1))

        pltpu.sync_copy(ec_hbm.at[wid], ibuf0)
        pltpu.async_copy(h_hbm.at[ibuf0.at[0]], rows0, gsem0)
        pltpu.async_copy(ec_hbm.at[wid + NW], ibuf1, isem1)

        @pl.loop(0, NKP, step=2)
        def _(j):
            for b in range(2):
                ib, rb, isem, gsem = bufs[b]
                ob, rob, oisem, ogsem = bufs[1 - b]
                cix = wid + (j + b) * NW
                cnext = cix + NW
                cpre = cix + 2 * NW

                @pl.when(cnext < NCHUNK)
                def _():
                    pltpu.make_async_copy(ec_hbm.at[cnext], ob, oisem).wait()
                    pltpu.async_copy(h_hbm.at[ob.at[0]], rob, ogsem)

                @pl.when(cix < NCHUNK)
                def _():
                    pltpu.make_async_copy(h_hbm.at[ib.at[0]], rb, gsem).wait()
                    pltpu.sync_copy(rb, hagg.at[ib.at[1]], add=True)

                @pl.when(cpre < NCHUNK)
                def _():
                    pltpu.async_copy(ec_hbm.at[cpre], ib, isem)

        plsc.subcore_barrier()
        copy_out(out_hbm)

        if with_degree:
            one16 = jnp.ones((LANES,), jnp.float32)
            fill(rows0, zero16)
            fill(rows1, one16)
            zero_own_rows(rows0)
            plsc.subcore_barrier()

            pltpu.async_copy(ec_hbm.at[wid], ibuf0, isem0)
            pltpu.async_copy(ec_hbm.at[wid + NW], ibuf1, isem1)

            @pl.loop(0, NKP, step=2)
            def _(j):
                for b in range(2):
                    ib, isem = bufs[b][0], bufs[b][2]
                    cix = wid + (j + b) * NW
                    cpre = cix + 2 * NW

                    @pl.when(cix < NCHUNK)
                    def _():
                        pltpu.make_async_copy(ec_hbm.at[cix], ib, isem).wait()
                        pltpu.sync_copy(rows1, hagg.at[ib.at[1]], add=True)

                    @pl.when(cpre < NCHUNK)
                    def _():
                        pltpu.async_copy(ec_hbm.at[cpre], ib, isem)

            plsc.subcore_barrier()
            copy_out(wout_hbm)

    return _segsum


_sc_segsum = _make_segsum(False)
_sc_segsum_deg = _make_segsum(True)


WL = 128



RB = 2000
GRID = N // RB


def _init_body(emb_ref, x_ref, ew_ref, eb_ref, pw_ref, pb_ref,
               d1_ref, b1_ref, d2_ref, b2_ref, o_ref):
    hemb = _leaky(
        jnp.dot(emb_ref[...], ew_ref[...], preferred_element_type=jnp.float32)
        + eb_ref[...], 0.1)
    extra = _leaky(
        jnp.dot(x_ref[...], pw_ref[...], preferred_element_type=jnp.float32)
        + pb_ref[...], 0.01)
    dd = _leaky(
        jnp.dot(extra, d1_ref[...], preferred_element_type=jnp.float32)
        + b1_ref[...], 0.1)
    dd = _leaky(
        jnp.dot(dd, d2_ref[...], preferred_element_type=jnp.float32)
        + b2_ref[...], 0.1)
    o_ref[...] = hemb + dd


_tc_init = pl.pallas_call(
    _init_body,
    grid=(GRID,),
    in_specs=[
        pl.BlockSpec((RB, ED), lambda i: (i, 0)),
        pl.BlockSpec((RB, FIN), lambda i: (i, 0)),
        pl.BlockSpec((ED, D), lambda i: (0, 0)),
        pl.BlockSpec((1, D), lambda i: (0, 0)),
        pl.BlockSpec((FIN, D), lambda i: (0, 0)),
        pl.BlockSpec((1, D), lambda i: (0, 0)),
        pl.BlockSpec((D, D), lambda i: (0, 0)),
        pl.BlockSpec((1, D), lambda i: (0, 0)),
        pl.BlockSpec((D, D), lambda i: (0, 0)),
        pl.BlockSpec((1, D), lambda i: (0, 0)),
    ],
    out_specs=pl.BlockSpec((RB, D), lambda i: (i, 0)),
    out_shape=jax.ShapeDtypeStruct((N, D), jnp.float32),
)


def _layer_body(h_ref, part_ref, wpart_ref, w1a_ref, w1b_ref, b1_ref,
                w2_ref, b2_ref, o_ref, *, last):
    w = wpart_ref[0, :, 0:1] + wpart_ref[1, :, 0:1]
    inv = 1.0 / jnp.maximum(w, 1.0)
    hmean = (part_ref[0] + part_ref[1]) * inv
    t = (jnp.dot(h_ref[...], w1a_ref[...], preferred_element_type=jnp.float32)
         + jnp.dot(hmean, w1b_ref[...], preferred_element_type=jnp.float32)
         + b1_ref[...])
    t = _leaky(t, 0.1)
    o = _leaky(
        jnp.dot(t, w2_ref[...], preferred_element_type=jnp.float32)
        + b2_ref[...], 0.1)
    if last:
        nrm = jnp.maximum(jnp.sqrt(jnp.sum(o * o, axis=1, keepdims=True)), 1e-6)
        o = o / nrm
    o_ref[...] = o


def _make_tc_layer(last):
    return pl.pallas_call(
        functools.partial(_layer_body, last=last),
        grid=(GRID,),
        in_specs=[
            pl.BlockSpec((RB, D), lambda i: (i, 0)),
            pl.BlockSpec((NC, RB, D), lambda i: (0, i, 0)),
            pl.BlockSpec((NC, RB, WL), lambda i: (0, i, 0)),
            pl.BlockSpec((D, D), lambda i: (0, 0)),
            pl.BlockSpec((D, D), lambda i: (0, 0)),
            pl.BlockSpec((1, D), lambda i: (0, 0)),
            pl.BlockSpec((D, D), lambda i: (0, 0)),
            pl.BlockSpec((1, D), lambda i: (0, 0)),
        ],
        out_specs=pl.BlockSpec((RB, D), lambda i: (i, 0)),
        out_shape=jax.ShapeDtypeStruct((N, D), jnp.float32),
    )


_tc_layer_mid = _make_tc_layer(False)
_tc_layer_last = _make_tc_layer(True)



def kernel(x, edge_index, node_emb, expansion_W, expansion_b, proj_W, proj_b,
           dense_W1, dense_b1, dense_W2, dense_b2,
           conv_W1, conv_b1, conv_W2, conv_b2):
    ec = edge_index.reshape(2, NCHUNK, C).transpose(1, 0, 2)
    emb = node_emb[1:]

    h = _tc_init(emb, x,
                 expansion_W, expansion_b.reshape(1, D),
                 proj_W, proj_b.reshape(1, D),
                 dense_W1, dense_b1.reshape(1, D),
                 dense_W2, dense_b2.reshape(1, D))

    wpart = None
    for i in range(L):
        if i == 0:
            part, wpart = _sc_segsum_deg(h, ec)
        else:
            part = _sc_segsum(h, ec)
        layer = _tc_layer_last if i == L - 1 else _tc_layer_mid
        h = layer(h, part, wpart,
                  conv_W1[i, :D], conv_W1[i, D:], conv_b1[i].reshape(1, D),
                  conv_W2[i], conv_b2[i].reshape(1, D))
    return h

# --- scband reference (transcript-rebuilt; emitter-appended) ---
"""Pipeline reference for scband-graph-sage-with-sampling-8074538516940 (READ-ONLY COPY).

The authoritative reference and input builder live on the scoring server;
editing this copy changes nothing except your own understanding.
"""

import jax, jax.numpy as jnp
import numpy as np

N = 10000
E = 320000
D = 128
ED = 32  # embedding_dim = 2**int(log2(128/4))
FIN = 64
L = 3


def leaky(v, slope=0.1):
    return jnp.where(v > 0, v, slope * v)


def setup_inputs(seed: int = 0) -> dict:
    key = jax.random.key(seed)
    ks = jax.random.split(key, 16)
    inp = {}
    inp["x"] = jax.random.normal(ks[0], (N, FIN), dtype=jnp.float32)
    inp["edge_index"] = jax.random.randint(ks[1], (2, E), 0, N, dtype=jnp.int32)
    # learned parameters
    inp["node_emb"] = jax.random.normal(ks[2], (N + 1, ED), dtype=jnp.float32) * (1.0 / ED)
    inp["expansion_W"] = jax.random.normal(ks[3], (ED, D), dtype=jnp.float32) * np.sqrt(2.0 / (ED + D))
    inp["expansion_b"] = jax.random.normal(ks[4], (D,), dtype=jnp.float32) * 0.001
    inp["proj_W"] = jax.random.normal(ks[5], (FIN, D), dtype=jnp.float32) * np.sqrt(2.0 / (FIN + D))
    inp["proj_b"] = jax.random.normal(ks[6], (D,), dtype=jnp.float32) * 0.001
    inp["dense_W1"] = jax.random.normal(ks[7], (D, D), dtype=jnp.float32) * np.sqrt(2.0 / (D + D))
    inp["dense_b1"] = jax.random.normal(ks[8], (D,), dtype=jnp.float32) * 0.001
    inp["dense_W2"] = jax.random.normal(ks[9], (D, D), dtype=jnp.float32) * np.sqrt(2.0 / (D + D))
    inp["dense_b2"] = jax.random.normal(ks[10], (D,), dtype=jnp.float32) * 0.001
    inp["conv_W1"] = jax.random.normal(ks[11], (L, 2 * D, D), dtype=jnp.float32) * np.sqrt(2.0 / (3 * D))
    inp["conv_b1"] = jax.random.normal(ks[12], (L, D), dtype=jnp.float32) * 0.001
    inp["conv_W2"] = jax.random.normal(ks[13], (L, D, D), dtype=jnp.float32) * np.sqrt(2.0 / (2 * D))
    inp["conv_b2"] = jax.random.normal(ks[14], (L, D), dtype=jnp.float32) * 0.001
    return inp


def reference(x, edge_index, node_emb, expansion_W, expansion_b, proj_W, proj_b,
              dense_W1, dense_b1, dense_W2, dense_b2,
              conv_W1, conv_b1, conv_W2, conv_b2):
    # node id embedding lookup (ids offset by +1 as in original), then expansion MLP
    nid = jnp.arange(N, dtype=jnp.int32) + 1
    h = leaky(jnp.take(node_emb, nid, axis=0) @ expansion_W + expansion_b, 0.1)
    # mix_embeddings: project float node features, then dense MLP, add into h
    extra = leaky(x @ proj_W + proj_b, 0.01)  # nn.LeakyReLU() default slope
    d = leaky(extra @ dense_W1 + dense_b1, 0.1)
    d = leaky(d @ dense_W2 + dense_b2, 0.1)
    h = h + d
    # message passing: sum of neighbor h plus neighbor count w (copy_src + sum reduce)
    src = edge_index[0]
    dst = edge_index[1]
    ones = jnp.ones((E,), dtype=jnp.float32)
    for i in range(L):
        h_agg = jax.ops.segment_sum(jnp.take(h, src, axis=0), dst, num_segments=N)
        w = jax.ops.segment_sum(ones, dst, num_segments=N)
        h_mean = h_agg / jnp.maximum(w, 1.0)[:, None]
        hc = jnp.concatenate([h, h_mean], axis=1)
        h_new = leaky(hc @ conv_W1[i] + conv_b1[i], 0.1)
        h_new = leaky(h_new @ conv_W2[i] + conv_b2[i], 0.1)
        if i == L - 1:
            nrm = jnp.maximum(jnp.linalg.norm(h_new, axis=1, keepdims=True), 1e-6)
            h_new = h_new / nrm
        h = h_new
    return h

if __name__ == "__main__":
    import jax
    _d = setup_inputs()
    print(jax.jit(kernel)(*tuple(_d.values())))

</pallas_src>

<mosaic_0001>
#map = affine_map<(d0, d1) -> (0, 0)>
#map1 = affine_map<(d0, d1) -> (0, 0, 0)>
module attributes {stable_mosaic.version = 14 : i64} {
  func.func @_segsum(%arg0: i32, %arg1: i32, %arg2: memref<10000x128xf32, #tpu.memory_space<hbm>>, %arg3: memref<2500x2x128xi32, #tpu.memory_space<hbm>>, %arg4: memref<2x10240x128xf32, #tpu.memory_space<hbm>>, %arg5: memref<10240x128xf32, #tpu.memory_space<vmem_shared>>, %arg6: memref<2x128xi32, #tpu.memory_space<vmem>>, %arg7: memref<2x128xi32, #tpu.memory_space<vmem>>, %arg8: memref<128x128xf32, #tpu.memory_space<vmem>>, %arg9: memref<128x128xf32, #tpu.memory_space<vmem>>, %arg10: memref<!tpu.dma_semaphore, #tpu.memory_space<semaphore_mem>>, %arg11: memref<!tpu.dma_semaphore, #tpu.memory_space<semaphore_mem>>, %arg12: memref<!tpu.dma_semaphore, #tpu.memory_space<semaphore_mem>>, %arg13: memref<!tpu.dma_semaphore, #tpu.memory_space<semaphore_mem>>) attributes {dimension_semantics = [#tpu.dimension_semantics<core_parallel>, #tpu.dimension_semantics<subcore_parallel>], iteration_bounds = array<i64: 2, 16>, scalar_prefetch = 0 : i64, scratch_operands = 9 : i64, tpu.core_type = #tpu.core_type<sc_vector_subcore>, window_params = [{transform_indices = #map}, {transform_indices = #map1}, {transform_indices = #map1}]} {
    %mul3A = arith.constant 16 : i32
    %mul3A_0 = arith.muli %arg0, %mul3A : i32
    %add3A = arith.addi %mul3A_0, %arg1 : i32
    %broadcast_in_dim3A = arith.constant 0.000000e+00 : f32
    %broadcast_in_dim3A_1 = vector.broadcast %broadcast_in_dim3A : f32 to vector<16xf32>
    %scan3A = arith.constant 0 : i32
    %scan3A_2 = arith.constant 128 : i32
    %scan3A_3 = arith.addi %scan3A, %scan3A_2 : i32
    %scan3A_4 = arith.constant 1 : i32
    scf.for %scan3A_38 = %scan3A to %scan3A_3 step %scan3A_4  : i32 {
      %mul3A_39 = arith.constant 1 : i32
      %mul3A_40 = arith.muli %scan3A_38, %mul3A_39 : i32
      %add3A_41 = arith.constant 0 : i32
      %add3A_42 = arith.addi %add3A_41, %mul3A_40 : i32
      %scan3A_43 = arith.constant 0 : i32
      %scan3A_44 = arith.constant 8 : i32
      %scan3A_45 = arith.addi %scan3A_43, %scan3A_44 : i32
      %scan3A_46 = arith.constant 1 : i32
      scf.for %scan3A_48 = %scan3A_43 to %scan3A_45 step %scan3A_46  : i32 {
        %mul3A_49 = arith.constant 1 : i32
        %mul3A_50 = arith.muli %scan3A_48, %mul3A_49 : i32
        %add3A_51 = arith.constant 0 : i32
        %add3A_52 = arith.addi %add3A_51, %mul3A_50 : i32
        %mul3A_53 = arith.constant 16 : i32
        %mul3A_54 = arith.muli %add3A_52, %mul3A_53 : i32
        %swap3A = arith.index_cast %add3A_42 : i32 to index
        %swap3A_55 = arith.index_cast %mul3A_54 : i32 to index
        %swap3A_56 = tpu.vector_load %arg8[%swap3A, %swap3A_55] {strides = array<i32>} : memref<128x128xf32, #tpu.memory_space<vmem>>, vector<1x16xf32>,
        %swap3A_57 = vector.shape_cast %swap3A_56 : vector<1x16xf32> to vector<16xf32>
        %swap3A_58 = vector.shape_cast %broadcast_in_dim3A_1 : vector<16xf32> to vector<1x16xf32>
        tpu.vector_store %arg8[%swap3A, %swap3A_55], %swap3A_58 {strides = array<i32>} : memref<128x128xf32, #tpu.memory_space<vmem>>, vector<1x16xf32>,
      }
      %scan3A_47 = arith.constant 8 : i32
    }
    %scan3A_5 = arith.constant 128 : i32
    %scan3A_6 = arith.constant 0 : i32
    %scan3A_7 = arith.constant 5 : i32
    %scan3A_8 = arith.addi %scan3A_6, %scan3A_7 : i32
    %scan3A_9 = arith.constant 1 : i32
    scf.for %scan3A_38 = %scan3A_6 to %scan3A_8 step %scan3A_9  : i32 {
      %mul3A_39 = arith.constant 1 : i32
      %mul3A_40 = arith.muli %scan3A_38, %mul3A_39 : i32
      %add3A_41 = arith.constant 0 : i32
      %add3A_42 = arith.addi %add3A_41, %mul3A_40 : i32
      %mul3A_43 = arith.constant 640 : i32
      %mul3A_44 = arith.muli %arg1, %mul3A_43 : i32
      %mul3A_45 = arith.constant 128 : i32
      %mul3A_46 = arith.muli %add3A_42, %mul3A_45 : i32
      %add3A_47 = arith.addi %mul3A_44, %mul3A_46 : i32
      "tpu.region"() ({
        %run_scoped3A = tpu.sem_alloc : memref<!tpu.dma_semaphore, #tpu.memory_space<semaphore_mem>>
        %dma_start3A_48 = arith.constant 0 : i32
        %dma_start3A_49 = tpu.memref_slice %arg5[%add3A_47, %dma_start3A_48] : memref<10240x128xf32, #tpu.memory_space<vmem_shared>> -> memref<128x128xf32, #tpu.memory_space<vmem_shared>>
        %dma_start3A_50 = arith.constant 0 : i32
        %dma_start3A_51 = tpu.memref_slice %arg5[%add3A_47, %dma_start3A_50] : memref<10240x128xf32, #tpu.memory_space<vmem_shared>> -> memref<128x128xf32, #tpu.memory_space<vmem_shared>>
        tpu.enqueue_dma source(%arg8 : memref<128x128xf32, #tpu.memory_space<vmem>>) target(%dma_start3A_51 : memref<128x128xf32, #tpu.memory_space<vmem_shared>>) target_semaphore(%run_scoped3A : memref<!tpu.dma_semaphore, #tpu.memory_space<semaphore_mem>>)
        %dma_wait3A = arith.constant 0 : i32
        %dma_wait3A_52 = tpu.memref_slice %arg5[%add3A_47, %dma_wait3A] : memref<10240x128xf32, #tpu.memory_space<vmem_shared>> -> memref<128x128xf32, #tpu.memory_space<vmem_shared>>
        %dma_wait3A_53 = arith.constant 0 : i32
        %dma_wait3A_54 = tpu.memref_slice %arg5[%add3A_47, %dma_wait3A_53] : memref<10240x128xf32, #tpu.memory_space<vmem_shared>> -> memref<128x128xf32, #tpu.memory_space<vmem_shared>>
        tpu.wait_dma2 semaphore(%run_scoped3A : memref<!tpu.dma_semaphore, #tpu.memory_space<semaphore_mem>>) src(%arg8 : memref<128x128xf32, #tpu.memory_space<vmem>>) dst(%dma_wait3A_54 : memref<128x128xf32, #tpu.memory_space<vmem_shared>>)
        tpu.yield
      }) : () -> ()
    }
    %scan3A_10 = arith.constant 5 : i32
    %barrier3A = arith.constant 0 : index
    tpu.barrier barrier_id(%barrier3A)
    "tpu.region"() ({
      %run_scoped3A = tpu.sem_alloc : memref<!tpu.dma_semaphore, #tpu.memory_space<semaphore_mem>>
      %dma_start3A_38 = arith.constant 0 : i32
      %dma_start3A_39 = arith.constant 0 : i32
      %dma_start3A_40 = tpu.memref_slice %arg3[%add3A, %dma_start3A_38, %dma_start3A_39] : memref<2500x2x128xi32, #tpu.memory_space<hbm>> -> memref<1x2x128xi32, #tpu.memory_space<hbm>>
      %dma_start3A_41 = tpu.memref_squeeze %dma_start3A_40 : memref<1x2x128xi32, #tpu.memory_space<hbm>> -> memref<2x128xi32, #tpu.memory_space<hbm>>
      %dma_start3A_42 = arith.constant 0 : i32
      %dma_start3A_43 = arith.constant 0 : i32
      %dma_start3A_44 = tpu.memref_slice %arg3[%add3A, %dma_start3A_42, %dma_start3A_43] : memref<2500x2x128xi32, #tpu.memory_space<hbm>> -> memref<1x2x128xi32, #tpu.memory_space<hbm>>
      %dma_start3A_45 = tpu.memref_squeeze %dma_start3A_44 : memref<1x2x128xi32, #tpu.memory_space<hbm>> -> memref<2x128xi32, #tpu.memory_space<hbm>>
      tpu.enqueue_dma source(%dma_start3A_45 : memref<2x128xi32, #tpu.memory_space<hbm>>) target(%arg6 : memref<2x128xi32, #tpu.memory_space<vmem>>) target_semaphore(%run_scoped3A : memref<!tpu.dma_semaphore, #tpu.memory_space<semaphore_mem>>)
      %dma_wait3A = arith.constant 0 : i32
      %dma_wait3A_46 = arith.constant 0 : i32
      %dma_wait3A_47 = tpu.memref_slice %arg3[%add3A, %dma_wait3A, %dma_wait3A_46] : memref<2500x2x128xi32, #tpu.memory_space<hbm>> -> memref<1x2x128xi32, #tpu.memory_space<hbm>>
      %dma_wait3A_48 = tpu.memref_squeeze %dma_wait3A_47 : memref<1x2x128xi32, #tpu.memory_space<hbm>> -> memref<2x128xi32, #tpu.memory_space<hbm>>
      %dma_wait3A_49 = arith.constant 0 : i32
      %dma_wait3A_50 = arith.constant 0 : i32
      %dma_wait3A_51 = tpu.memref_slice %arg3[%add3A, %dma_wait3A_49, %dma_wait3A_50] : memref<2500x2x128xi32, #tpu.memory_space<hbm>> -> memref<1x2x128xi32, #tpu.memory_space<hbm>>
      %dma_wait3A_52 = tpu.memref_squeeze %dma_wait3A_51 : memref<1x2x128xi32, #tpu.memory_space<hbm>> -> memref<2x128xi32, #tpu.memory_space<hbm>>
      tpu.wait_dma2 semaphore(%run_scoped3A : memref<!tpu.dma_semaphore, #tpu.memory_space<semaphore_mem>>) src(%dma_wait3A_52 : memref<2x128xi32, #tpu.memory_space<hbm>>) dst(%arg6 : memref<2x128xi32, #tpu.memory_space<vmem>>)
      tpu.yield
    }) : () -> ()
    %dma_start3A = arith.constant 0 : i32
    %dma_start3A_11 = arith.constant 0 : i32
    %dma_start3A_12 = tpu.memref_slice %arg6[%dma_start3A, %dma_start3A_11] : memref<2x128xi32, #tpu.memory_space<vmem>> -> memref<1x128xi32, #tpu.memory_space<vmem>>
    %dma_start3A_13 = tpu.memref_squeeze %dma_start3A_12 : memref<1x128xi32, #tpu.memory_space<vmem>> -> memref<128xi32, #tpu.memory_space<vmem>>
    %dma_start3A_14 = arith.constant 0 : i32
    %dma_start3A_15 = arith.constant 0 : i32
    %dma_start3A_16 = tpu.memref_slice %arg2[%dma_start3A_14, %dma_start3A_15] : memref<10000x128xf32, #tpu.memory_space<hbm>> -> memref<10000x128xf32, #tpu.memory_space<hbm>>
    tpu.enqueue_indirect_dma source(%dma_start3A_16 : memref<10000x128xf32, #tpu.memory_space<hbm>>) target(%arg8 : memref<128x128xf32, #tpu.memory_space<vmem>>) offsets(%dma_start3A_13 : memref<128xi32, #tpu.memory_space<vmem>>) semaphore(%arg12 : memref<!tpu.dma_semaphore, #tpu.memory_space<semaphore_mem>>)
    %add3A_17 = arith.constant 32 : i32
    %add3A_18 = arith.addi %add3A, %add3A_17 : i32
    %dma_start3A_19 = arith.constant 0 : i32
    %dma_start3A_20 = arith.constant 0 : i32
    %dma_start3A_21 = tpu.memref_slice %arg3[%add3A_18, %dma_start3A_19, %dma_start3A_20] : memref<2500x2x128xi32, #tpu.memory_space<hbm>> -> memref<1x2x128xi32, #tpu.memory_space<hbm>>
    %dma_start3A_22 = tpu.memref_squeeze %dma_start3A_21 : memref<1x2x128xi32, #tpu.memory_space<hbm>> -> memref<2x128xi32, #tpu.memory_space<hbm>>
    %dma_start3A_23 = arith.constant 0 : i32
    %dma_start3A_24 = arith.constant 0 : i32
    %dma_start3A_25 = tpu.memref_slice %arg3[%add3A_18, %dma_start3A_23, %dma_start3A_24] : memref<2500x2x128xi32, #tpu.memory_space<hbm>> -> memref<1x2x128xi32, #tpu.memory_space<hbm>>
    %dma_start3A_26 = tpu.memref_squeeze %dma_start3A_25 : memref<1x2x128xi32, #tpu.memory_space<hbm>> -> memref<2x128xi32, #tpu.memory_space<hbm>>
    tpu.enqueue_dma source(%dma_start3A_26 : memref<2x128xi32, #tpu.memory_space<hbm>>) target(%arg7 : memref<2x128xi32, #tpu.memory_space<vmem>>) target_semaphore(%arg11 : memref<!tpu.dma_semaphore, #tpu.memory_space<semaphore_mem>>)
    %scan3A_27 = arith.constant 0 : i32
    %scan3A_28 = arith.constant 40 : i32
    %scan3A_29 = arith.addi %scan3A_27, %scan3A_28 : i32
    %scan3A_30 = arith.constant 1 : i32
    scf.for %scan3A_38 = %scan3A_27 to %scan3A_29 step %scan3A_30  : i32 {
      %mul3A_39 = arith.constant 2 : i32
      %mul3A_40 = arith.muli %scan3A_38, %mul3A_39 : i32
      %add3A_41 = arith.constant 0 : i32
      %add3A_42 = arith.addi %add3A_41, %mul3A_40 : i32
      %add3A_43 = arith.constant 0 : i32
      %add3A_44 = arith.addi %add3A_42, %add3A_43 : i32
      %mul3A_45 = arith.constant 32 : i32
      %mul3A_46 = arith.muli %add3A_44, %mul3A_45 : i32
      %add3A_47 = arith.addi %add3A, %mul3A_46 : i32
      %add3A_48 = arith.constant 32 : i32
      %add3A_49 = arith.addi %add3A_47, %add3A_48 : i32
      %add3A_50 = arith.constant 64 : i32
      %add3A_51 = arith.addi %add3A_47, %add3A_50 : i32
      %lt3A = arith.constant 2500 : i32
      %lt3A_52 = arith.cmpi slt, %add3A_49, %lt3A : i32
      %convert_element_type3A = arith.extui %lt3A_52 : i1 to i32
      %cond3A = arith.constant 0 : i32
      %cond3A_53 = arith.cmpi ne, %convert_element_type3A, %cond3A : i32
      scf.if %cond3A_53 {
        %dma_wait3A = arith.constant 0 : i32
        %dma_wait3A_88 = arith.constant 0 : i32
        %dma_wait3A_89 = tpu.memref_slice %arg3[%add3A_49, %dma_wait3A, %dma_wait3A_88] : memref<2500x2x128xi32, #tpu.memory_space<hbm>> -> memref<1x2x128xi32, #tpu.memory_space<hbm>>
        %dma_wait3A_90 = tpu.memref_squeeze %dma_wait3A_89 : memref<1x2x128xi32, #tpu.memory_space<hbm>> -> memref<2x128xi32, #tpu.memory_space<hbm>>
        %dma_wait3A_91 = arith.constant 0 : i32
        %dma_wait3A_92 = arith.constant 0 : i32
        %dma_wait3A_93 = tpu.memref_slice %arg3[%add3A_49, %dma_wait3A_91, %dma_wait3A_92] : memref<2500x2x128xi32, #tpu.memory_space<hbm>> -> memref<1x2x128xi32, #tpu.memory_space<hbm>>
        %dma_wait3A_94 = tpu.memref_squeeze %dma_wait3A_93 : memref<1x2x128xi32, #tpu.memory_space<hbm>> -> memref<2x128xi32, #tpu.memory_space<hbm>>
        tpu.wait_dma2 semaphore(%arg11 : memref<!tpu.dma_semaphore, #tpu.memory_space<semaphore_mem>>) src(%dma_wait3A_94 : memref<2x128xi32, #tpu.memory_space<hbm>>) dst(%arg7 : memref<2x128xi32, #tpu.memory_space<vmem>>)
        %dma_start3A_95 = arith.constant 0 : i32
        %dma_start3A_96 = arith.constant 0 : i32
        %dma_start3A_97 = tpu.memref_slice %arg7[%dma_start3A_95, %dma_start3A_96] : memref<2x128xi32, #tpu.memory_space<vmem>> -> memref<1x128xi32, #tpu.memory_space<vmem>>
        %dma_start3A_98 = tpu.memref_squeeze %dma_start3A_97 : memref<1x128xi32, #tpu.memory_space<vmem>> -> memref<128xi32, #tpu.memory_space<vmem>>
        %dma_start3A_99 = arith.constant 0 : i32
        %dma_start3A_100 = arith.constant 0 : i32
        %dma_start3A_101 = tpu.memref_slice %arg2[%dma_start3A_99, %dma_start3A_100] : memref<10000x128xf32, #tpu.memory_space<hbm>> -> memref<10000x128xf32, #tpu.memory_space<hbm>>
        tpu.enqueue_indirect_dma source(%dma_start3A_101 : memref<10000x128xf32, #tpu.memory_space<hbm>>) target(%arg9 : memref<128x128xf32, #tpu.memory_space<vmem>>) offsets(%dma_start3A_98 : memref<128xi32, #tpu.memory_space<vmem>>) semaphore(%arg13 : memref<!tpu.dma_semaphore, #tpu.memory_space<semaphore_mem>>)
      } else {
      }
      %lt3A_54 = arith.constant 2500 : i32
      %lt3A_55 = arith.cmpi slt, %add3A_47, %lt3A_54 : i32
      %convert_element_type3A_56 = arith.extui %lt3A_55 : i1 to i32
      %cond3A_57 = arith.constant 0 : i32
      %cond3A_58 = arith.cmpi ne, %convert_element_type3A_56, %cond3A_57 : i32
      scf.if %cond3A_58 {
        %dma_wait3A = arith.constant 0 : i32
        %dma_wait3A_88 = arith.constant 0 : i32
        %dma_wait3A_89 = tpu.memref_slice %arg6[%dma_wait3A, %dma_wait3A_88] : memref<2x128xi32, #tpu.memory_space<vmem>> -> memref<1x128xi32, #tpu.memory_space<vmem>>
        %dma_wait3A_90 = tpu.memref_squeeze %dma_wait3A_89 : memref<1x128xi32, #tpu.memory_space<vmem>> -> memref<128xi32, #tpu.memory_space<vmem>>
        %dma_wait3A_91 = arith.constant 0 : i32
        %dma_wait3A_92 = arith.constant 0 : i32
        %dma_wait3A_93 = tpu.memref_slice %arg2[%dma_wait3A_91, %dma_wait3A_92] : memref<10000x128xf32, #tpu.memory_space<hbm>> -> memref<10000x128xf32, #tpu.memory_space<hbm>>
        tpu.wait_indirect_dma semaphore(%arg12 : memref<!tpu.dma_semaphore, #tpu.memory_space<semaphore_mem>>) src(%dma_wait3A_93 : memref<10000x128xf32, #tpu.memory_space<hbm>>) dst(%arg8 : memref<128x128xf32, #tpu.memory_space<vmem>>)
        %run_scoped3A = arith.constant 1 : i32
        "tpu.region"() ({
          %run_scoped3A_94 = tpu.sem_alloc : memref<!tpu.dma_semaphore, #tpu.memory_space<semaphore_mem>>
          %dma_start3A_95 = arith.constant 0 : i32
          %dma_start3A_96 = tpu.memref_slice %arg6[%run_scoped3A, %dma_start3A_95] : memref<2x128xi32, #tpu.memory_space<vmem>> -> memref<1x128xi32, #tpu.memory_space<vmem>>
          %dma_start3A_97 = tpu.memref_squeeze %dma_start3A_96 : memref<1x128xi32, #tpu.memory_space<vmem>> -> memref<128xi32, #tpu.memory_space<vmem>>
          %dma_start3A_98 = arith.constant 0 : i32
          %dma_start3A_99 = arith.constant 0 : i32
          %dma_start3A_100 = tpu.memref_slice %arg5[%dma_start3A_98, %dma_start3A_99] : memref<10240x128xf32, #tpu.memory_space<vmem_shared>> -> memref<10240x128xf32, #tpu.memory_space<vmem_shared>>
          tpu.enqueue_indirect_dma source(%arg8 : memref<128x128xf32, #tpu.memory_space<vmem>>) target(%dma_start3A_100 : memref<10240x128xf32, #tpu.memory_space<vmem_shared>>) offsets(%dma_start3A_97 : memref<128xi32, #tpu.memory_space<vmem>>) semaphore(%run_scoped3A_94 : memref<!tpu.dma_semaphore, #tpu.memory_space<semaphore_mem>>) {add = true}
          %dma_wait3A_101 = arith.constant 0 : i32
          %dma_wait3A_102 = tpu.memref_slice %arg6[%run_scoped3A, %dma_wait3A_101] : memref<2x128xi32, #tpu.memory_space<vmem>> -> memref<1x128xi32, #tpu.memory_space<vmem>>
          %dma_wait3A_103 = tpu.memref_squeeze %dma_wait3A_102 : memref<1x128xi32, #tpu.memory_space<vmem>> -> memref<128xi32, #tpu.memory_space<vmem>>
          %dma_wait3A_104 = arith.constant 0 : i32
          %dma_wait3A_105 = arith.constant 0 : i32
          %dma_wait3A_106 = tpu.memref_slice %arg5[%dma_wait3A_104, %dma_wait3A_105] : memref<10240x128xf32, #tpu.memory_space<vmem_shared>> -> memref<10240x128xf32, #tpu.memory_space<vmem_shared>>
          tpu.wait_indirect_dma semaphore(%run_scoped3A_94 : memref<!tpu.dma_semaphore, #tpu.memory_space<semaphore_mem>>) src(%arg8 : memref<128x128xf32, #tpu.memory_space<vmem>>) dst(%dma_wait3A_106 : memref<10240x128xf32, #tpu.memory_space<vmem_shared>>)
          tpu.yield
        }) : () -> ()
      } else {
      }
      %lt3A_59 = arith.constant 2500 : i32
      %lt3A_60 = arith.cmpi slt, %add3A_51, %lt3A_59 : i32
      %convert_element_type3A_61 = arith.extui %lt3A_60 : i1 to i32
      %cond3A_62 = arith.constant 0 : i32
      %cond3A_63 = arith.cmpi ne, %convert_element_type3A_61, %cond3A_62 : i32
      scf.if %cond3A_63 {
        %dma_start3A_88 = arith.constant 0 : i32
        %dma_start3A_89 = arith.constant 0 : i32
        %dma_start3A_90 = tpu.memref_slice %arg3[%add3A_51, %dma_start3A_88, %dma_start3A_89] : memref<2500x2x128xi32, #tpu.memory_space<hbm>> -> memref<1x2x128xi32, #tpu.memory_space<hbm>>
        %dma_start3A_91 = tpu.memref_squeeze %dma_start3A_90 : memref<1x2x128xi32, #tpu.memory_space<hbm>> -> memref<2x128xi32, #tpu.memory_space<hbm>>
        %dma_start3A_92 = arith.constant 0 : i32
        %dma_start3A_93 = arith.constant 0 : i32
        %dma_start3A_94 = tpu.memref_slice %arg3[%add3A_51, %dma_start3A_92, %dma_start3A_93] : memref<2500x2x128xi32, #tpu.memory_space<hbm>> -> memref<1x2x128xi32, #tpu.memory_space<hbm>>
        %dma_start3A_95 = tpu.memref_squeeze %dma_start3A_94 : memref<1x2x128xi32, #tpu.memory_space<hbm>> -> memref<2x128xi32, #tpu.memory_space<hbm>>
        tpu.enqueue_dma source(%dma_start3A_95 : memref<2x128xi32, #tpu.memory_space<hbm>>) target(%arg6 : memref<2x128xi32, #tpu.memory_space<vmem>>) target_semaphore(%arg10 : memref<!tpu.dma_semaphore, #tpu.memory_space<semaphore_mem>>)
      } else {
      }
      %add3A_64 = arith.constant 1 : i32
      %add3A_65 = arith.addi %add3A_42, %add3A_64 : i32
      %mul3A_66 = arith.constant 32 : i32
      %mul3A_67 = arith.muli %add3A_65, %mul3A_66 : i32
      %add3A_68 = arith.addi %add3A, %mul3A_67 : i32
      %add3A_69 = arith.constant 32 : i32
      %add3A_70 = arith.addi %add3A_68, %add3A_69 : i32
      %add3A_71 = arith.constant 64 : i32
      %add3A_72 = arith.addi %add3A_68, %add3A_71 : i32
      %lt3A_73 = arith.constant 2500 : i32
      %lt3A_74 = arith.cmpi slt, %add3A_70, %lt3A_73 : i32
      %convert_element_type3A_75 = arith.extui %lt3A_74 : i1 to i32
      %cond3A_76 = arith.constant 0 : i32
      %cond3A_77 = arith.cmpi ne, %convert_element_type3A_75, %cond3A_76 : i32
      scf.if %cond3A_77 {
        %dma_wait3A = arith.constant 0 : i32
        %dma_wait3A_88 = arith.constant 0 : i32
        %dma_wait3A_89 = tpu.memref_slice %arg3[%add3A_70, %dma_wait3A, %dma_wait3A_88] : memref<2500x2x128xi32, #tpu.memory_space<hbm>> -> memref<1x2x128xi32, #tpu.memory_space<hbm>>
        %dma_wait3A_90 = tpu.memref_squeeze %dma_wait3A_89 : memref<1x2x128xi32, #tpu.memory_space<hbm>> -> memref<2x128xi32, #tpu.memory_space<hbm>>
        %dma_wait3A_91 = arith.constant 0 : i32
        %dma_wait3A_92 = arith.constant 0 : i32
        %dma_wait3A_93 = tpu.memref_slice %arg3[%add3A_70, %dma_wait3A_91, %dma_wait3A_92] : memref<2500x2x128xi32, #tpu.memory_space<hbm>> -> memref<1x2x128xi32, #tpu.memory_space<hbm>>
        %dma_wait3A_94 = tpu.memref_squeeze %dma_wait3A_93 : memref<1x2x128xi32, #tpu.memory_space<hbm>> -> memref<2x128xi32, #tpu.memory_space<hbm>>
        tpu.wait_dma2 semaphore(%arg10 : memref<!tpu.dma_semaphore, #tpu.memory_space<semaphore_mem>>) src(%dma_wait3A_94 : memref<2x128xi32, #tpu.memory_space<hbm>>) dst(%arg6 : memref<2x128xi32, #tpu.memory_space<vmem>>)
        %dma_start3A_95 = arith.constant 0 : i32
        %dma_start3A_96 = arith.constant 0 : i32
        %dma_start3A_97 = tpu.memref_slice %arg6[%dma_start3A_95, %dma_start3A_96] : memref<2x128xi32, #tpu.memory_space<vmem>> -> memref<1x128xi32, #tpu.memory_space<vmem>>
        %dma_start3A_98 = tpu.memref_squeeze %dma_start3A_97 : memref<1x128xi32, #tpu.memory_space<vmem>> -> memref<128xi32, #tpu.memory_space<vmem>>
        %dma_start3A_99 = arith.constant 0 : i32
        %dma_start3A_100 = arith.constant 0 : i32
        %dma_start3A_101 = tpu.memref_slice %arg2[%dma_start3A_99, %dma_start3A_100] : memref<10000x128xf32, #tpu.memory_space<hbm>> -> memref<10000x128xf32, #tpu.memory_space<hbm>>
        tpu.enqueue_indirect_dma source(%dma_start3A_101 : memref<10000x128xf32, #tpu.memory_space<hbm>>) target(%arg8 : memref<128x128xf32, #tpu.memory_space<vmem>>) offsets(%dma_start3A_98 : memref<128xi32, #tpu.memory_space<vmem>>) semaphore(%arg12 : memref<!tpu.dma_semaphore, #tpu.memory_space<semaphore_mem>>)
      } else {
      }
      %lt3A_78 = arith.constant 2500 : i32
      %lt3A_79 = arith.cmpi slt, %add3A_68, %lt3A_78 : i32
      %convert_element_type3A_80 = arith.extui %lt3A_79 : i1 to i32
      %cond3A_81 = arith.constant 0 : i32
      %cond3A_82 = arith.cmpi ne, %convert_element_type3A_80, %cond3A_81 : i32
      scf.if %cond3A_82 {
        %dma_wait3A = arith.constant 0 : i32
        %dma_wait3A_88 = arith.constant 0 : i32
        %dma_wait3A_89 = tpu.memref_slice %arg7[%dma_wait3A, %dma_wait3A_88] : memref<2x128xi32, #tpu.memory_space<vmem>> -> memref<1x128xi32, #tpu.memory_space<vmem>>
        %dma_wait3A_90 = tpu.memref_squeeze %dma_wait3A_89 : memref<1x128xi32, #tpu.memory_space<vmem>> -> memref<128xi32, #tpu.memory_space<vmem>>
        %dma_wait3A_91 = arith.constant 0 : i32
        %dma_wait3A_92 = arith.constant 0 : i32
        %dma_wait3A_93 = tpu.memref_slice %arg2[%dma_wait3A_91, %dma_wait3A_92] : memref<10000x128xf32, #tpu.memory_space<hbm>> -> memref<10000x128xf32, #tpu.memory_space<hbm>>
        tpu.wait_indirect_dma semaphore(%arg13 : memref<!tpu.dma_semaphore, #tpu.memory_space<semaphore_mem>>) src(%dma_wait3A_93 : memref<10000x128xf32, #tpu.memory_space<hbm>>) dst(%arg9 : memref<128x128xf32, #tpu.memory_space<vmem>>)
        %run_scoped3A = arith.constant 1 : i32
        "tpu.region"() ({
          %run_scoped3A_94 = tpu.sem_alloc : memref<!tpu.dma_semaphore, #tpu.memory_space<semaphore_mem>>
          %dma_start3A_95 = arith.constant 0 : i32
          %dma_start3A_96 = tpu.memref_slice %arg7[%run_scoped3A, %dma_start3A_95] : memref<2x128xi32, #tpu.memory_space<vmem>> -> memref<1x128xi32, #tpu.memory_space<vmem>>
          %dma_start3A_97 = tpu.memref_squeeze %dma_start3A_96 : memref<1x128xi32, #tpu.memory_space<vmem>> -> memref<128xi32, #tpu.memory_space<vmem>>
          %dma_start3A_98 = arith.constant 0 : i32
          %dma_start3A_99 = arith.constant 0 : i32
          %dma_start3A_100 = tpu.memref_slice %arg5[%dma_start3A_98, %dma_start3A_99] : memref<10240x128xf32, #tpu.memory_space<vmem_shared>> -> memref<10240x128xf32, #tpu.memory_space<vmem_shared>>
          tpu.enqueue_indirect_dma source(%arg9 : memref<128x128xf32, #tpu.memory_space<vmem>>) target(%dma_start3A_100 : memref<10240x128xf32, #tpu.memory_space<vmem_shared>>) offsets(%dma_start3A_97 : memref<128xi32, #tpu.memory_space<vmem>>) semaphore(%run_scoped3A_94 : memref<!tpu.dma_semaphore, #tpu.memory_space<semaphore_mem>>) {add = true}
          %dma_wait3A_101 = arith.constant 0 : i32
          %dma_wait3A_102 = tpu.memref_slice %arg7[%run_scoped3A, %dma_wait3A_101] : memref<2x128xi32, #tpu.memory_space<vmem>> -> memref<1x128xi32, #tpu.memory_space<vmem>>
          %dma_wait3A_103 = tpu.memref_squeeze %dma_wait3A_102 : memref<1x128xi32, #tpu.memory_space<vmem>> -> memref<128xi32, #tpu.memory_space<vmem>>
          %dma_wait3A_104 = arith.constant 0 : i32
          %dma_wait3A_105 = arith.constant 0 : i32
          %dma_wait3A_106 = tpu.memref_slice %arg5[%dma_wait3A_104, %dma_wait3A_105] : memref<10240x128xf32, #tpu.memory_space<vmem_shared>> -> memref<10240x128xf32, #tpu.memory_space<vmem_shared>>
          tpu.wait_indirect_dma semaphore(%run_scoped3A_94 : memref<!tpu.dma_semaphore, #tpu.memory_space<semaphore_mem>>) src(%arg9 : memref<128x128xf32, #tpu.memory_space<vmem>>) dst(%dma_wait3A_106 : memref<10240x128xf32, #tpu.memory_space<vmem_shared>>)
          tpu.yield
        }) : () -> ()
      } else {
      }
      %lt3A_83 = arith.constant 2500 : i32
      %lt3A_84 = arith.cmpi slt, %add3A_72, %lt3A_83 : i32
      %convert_element_type3A_85 = arith.extui %lt3A_84 : i1 to i32
      %cond3A_86 = arith.constant 0 : i32
      %cond3A_87 = arith.cmpi ne, %convert_element_type3A_85, %cond3A_86 : i32
      scf.if %cond3A_87 {
        %dma_start3A_88 = arith.constant 0 : i32
        %dma_start3A_89 = arith.constant 0 : i32
        %dma_start3A_90 = tpu.memref_slice %arg3[%add3A_72, %dma_start3A_88, %dma_start3A_89] : memref<2500x2x128xi32, #tpu.memory_space<hbm>> -> memref<1x2x128xi32, #tpu.memory_space<hbm>>
        %dma_start3A_91 = tpu.memref_squeeze %dma_start3A_90 : memref<1x2x128xi32, #tpu.memory_space<hbm>> -> memref<2x128xi32, #tpu.memory_space<hbm>>
        %dma_start3A_92 = arith.constant 0 : i32
        %dma_start3A_93 = arith.constant 0 : i32
        %dma_start3A_94 = tpu.memref_slice %arg3[%add3A_72, %dma_start3A_92, %dma_start3A_93] : memref<2500x2x128xi32, #tpu.memory_space<hbm>> -> memref<1x2x128xi32, #tpu.memory_space<hbm>>
        %dma_start3A_95 = tpu.memref_squeeze %dma_start3A_94 : memref<1x2x128xi32, #tpu.memory_space<hbm>> -> memref<2x128xi32, #tpu.memory_space<hbm>>
        tpu.enqueue_dma source(%dma_start3A_95 : memref<2x128xi32, #tpu.memory_space<hbm>>) target(%arg7 : memref<2x128xi32, #tpu.memory_space<vmem>>) target_semaphore(%arg11 : memref<!tpu.dma_semaphore, #tpu.memory_space<semaphore_mem>>)
      } else {
      }
    }
    %scan3A_31 = arith.constant 40 : i32
    %barrier3A_32 = arith.constant 0 : index
    tpu.barrier barrier_id(%barrier3A_32)
    %scan3A_33 = arith.constant 0 : i32
    %scan3A_34 = arith.constant 5 : i32
    %scan3A_35 = arith.addi %scan3A_33, %scan3A_34 : i32
    %scan3A_36 = arith.constant 1 : i32
    scf.for %scan3A_38 = %scan3A_33 to %scan3A_35 step %scan3A_36  : i32 {
      %mul3A_39 = arith.constant 1 : i32
      %mul3A_40 = arith.muli %scan3A_38, %mul3A_39 : i32
      %add3A_41 = arith.constant 0 : i32
      %add3A_42 = arith.addi %add3A_41, %mul3A_40 : i32
      %mul3A_43 = arith.constant 640 : i32
      %mul3A_44 = arith.muli %arg1, %mul3A_43 : i32
      %mul3A_45 = arith.constant 128 : i32
      %mul3A_46 = arith.muli %add3A_42, %mul3A_45 : i32
      %add3A_47 = arith.addi %mul3A_44, %mul3A_46 : i32
      "tpu.region"() ({
        %run_scoped3A = tpu.sem_alloc : memref<!tpu.dma_semaphore, #tpu.memory_space<semaphore_mem>>
        %dma_start3A_48 = arith.constant 0 : i32
        %dma_start3A_49 = arith.constant 0 : i32
        %dma_start3A_50 = tpu.memref_slice %arg4[%arg0, %dma_start3A_48, %dma_start3A_49] : memref<2x10240x128xf32, #tpu.memory_space<hbm>> -> memref<1x10240x128xf32, #tpu.memory_space<hbm>>
        %dma_start3A_51 = tpu.memref_squeeze %dma_start3A_50 : memref<1x10240x128xf32, #tpu.memory_space<hbm>> -> memref<10240x128xf32, #tpu.memory_space<hbm>>
        %dma_start3A_52 = arith.constant 0 : i32
        %dma_start3A_53 = tpu.memref_slice %dma_start3A_51[%add3A_47, %dma_start3A_52] : memref<10240x128xf32, #tpu.memory_space<hbm>> -> memref<128x128xf32, #tpu.memory_space<hbm>>
        %dma_start3A_54 = arith.constant 0 : i32
        %dma_start3A_55 = tpu.memref_slice %arg5[%add3A_47, %dma_start3A_54] : memref<10240x128xf32, #tpu.memory_space<vmem_shared>> -> memref<128x128xf32, #tpu.memory_space<vmem_shared>>
        tpu.enqueue_dma source(%dma_start3A_55 : memref<128x128xf32, #tpu.memory_space<vmem_shared>>) target(%dma_start3A_53 : memref<128x128xf32, #tpu.memory_space<hbm>>) target_semaphore(%run_scoped3A : memref<!tpu.dma_semaphore, #tpu.memory_space<semaphore_mem>>)
        %dma_wait3A = arith.constant 0 : i32
        %dma_wait3A_56 = arith.constant 0 : i32
        %dma_wait3A_57 = tpu.memref_slice %arg4[%arg0, %dma_wait3A, %dma_wait3A_56] : memref<2x10240x128xf32, #tpu.memory_space<hbm>> -> memref<1x10240x128xf32, #tpu.memory_space<hbm>>
        %dma_wait3A_58 = tpu.memref_squeeze %dma_wait3A_57 : memref<1x10240x128xf32, #tpu.memory_space<hbm>> -> memref<10240x128xf32, #tpu.memory_space<hbm>>
        %dma_wait3A_59 = arith.constant 0 : i32
        %dma_wait3A_60 = tpu.memref_slice %dma_wait3A_58[%add3A_47, %dma_wait3A_59] : memref<10240x128xf32, #tpu.memory_space<hbm>> -> memref<128x128xf32, #tpu.memory_space<hbm>>
        %dma_wait3A_61 = arith.constant 0 : i32
        %dma_wait3A_62 = tpu.memref_slice %arg5[%add3A_47, %dma_wait3A_61] : memref<10240x128xf32, #tpu.memory_space<vmem_shared>> -> memref<128x128xf32, #tpu.memory_space<vmem_shared>>
        tpu.wait_dma2 semaphore(%run_scoped3A : memref<!tpu.dma_semaphore, #tpu.memory_space<semaphore_mem>>) src(%dma_wait3A_62 : memref<128x128xf32, #tpu.memory_space<vmem_shared>>) dst(%dma_wait3A_60 : memref<128x128xf32, #tpu.memory_space<hbm>>)
        tpu.yield
      }) : () -> ()
    }
    %scan3A_37 = arith.constant 5 : i32
    return
  }
}

#map = affine_map<(d0, d1) -> (0, 0)>
#map1 = affine_map<(d0, d1) -> (0, 0, 0)>
module attributes {stable_mosaic.version = 14 : i64} {
  func.func @_segsum(%arg0: i32, %arg1: i32, %arg2: memref<10000x128xf32, #tpu.memory_space<hbm>>, %arg3: memref<2500x2x128xi32, #tpu.memory_space<hbm>>, %arg4: memref<2x10240x128xf32, #tpu.memory_space<hbm>>, %arg5: memref<10240x128xf32, #tpu.memory_space<vmem_shared>>, %arg6: memref<2x128xi32, #tpu.memory_space<vmem>>, %arg7: memref<2x128xi32, #tpu.memory_space<vmem>>, %arg8: memref<128x128xf32, #tpu.memory_space<vmem>>, %arg9: memref<128x128xf32, #tpu.memory_space<vmem>>, %arg10: memref<!tpu.dma_semaphore, #tpu.memory_space<semaphore_mem>>, %arg11: memref<!tpu.dma_semaphore, #tpu.memory_space<semaphore_mem>>, %arg12: memref<!tpu.dma_semaphore, #tpu.memory_space<semaphore_mem>>, %arg13: memref<!tpu.dma_semaphore, #tpu.memory_space<semaphore_mem>>) attributes {dimension_semantics = [#tpu.dimension_semantics<core_parallel>, #tpu.dimension_semantics<subcore_parallel>], iteration_bounds = array<i64: 2, 16>, scalar_prefetch = 0 : i64, scratch_operands = 9 : i64, tpu.core_type = #tpu.core_type<sc_vector_subcore>, window_params = [{transform_indices = #map}, {transform_indices = #map1}, {transform_indices = #map1}]} {
    %mul3A = arith.constant 16 : i32
    %mul3A_0 = arith.muli %arg0, %mul3A : i32
    %add3A = arith.addi %mul3A_0, %arg1 : i32
    %broadcast_in_dim3A = arith.constant 0.000000e+00 : f32
    %broadcast_in_dim3A_1 = vector.broadcast %broadcast_in_dim3A : f32 to vector<16xf32>
    %scan3A = arith.constant 0 : i32
    %scan3A_2 = arith.constant 128 : i32
    %scan3A_3 = arith.addi %scan3A, %scan3A_2 : i32
    %scan3A_4 = arith.constant 1 : i32
    scf.for %scan3A_38 = %scan3A to %scan3A_3 step %scan3A_4  : i32 {
      %mul3A_39 = arith.constant 1 : i32
      %mul3A_40 = arith.muli %scan3A_38, %mul3A_39 : i32
      %add3A_41 = arith.constant 0 : i32
      %add3A_42 = arith.addi %add3A_41, %mul3A_40 : i32
      %scan3A_43 = arith.constant 0 : i32
      %scan3A_44 = arith.constant 8 : i32
      %scan3A_45 = arith.addi %scan3A_43, %scan3A_44 : i32
      %scan3A_46 = arith.constant 1 : i32
      scf.for %scan3A_48 = %scan3A_43 to %scan3A_45 step %scan3A_46  : i32 {
        %mul3A_49 = arith.constant 1 : i32
        %mul3A_50 = arith.muli %scan3A_48, %mul3A_49 : i32
        %add3A_51 = arith.constant 0 : i32
        %add3A_52 = arith.addi %add3A_51, %mul3A_50 : i32
        %mul3A_53 = arith.constant 16 : i32
        %mul3A_54 = arith.muli %add3A_52, %mul3A_53 : i32
        %swap3A = arith.index_cast %add3A_42 : i32 to index
        %swap3A_55 = arith.index_cast %mul3A_54 : i32 to index
        %swap3A_56 = tpu.vector_load %arg8[%swap3A, %swap3A_55] {strides = array<i32>} : memref<128x128xf32, #tpu.memory_space<vmem>>, vector<1x16xf32>,
        %swap3A_57 = vector.shape_cast %swap3A_56 : vector<1x16xf32> to vector<16xf32>
        %swap3A_58 = vector.shape_cast %broadcast_in_dim3A_1 : vector<16xf32> to vector<1x16xf32>
        tpu.vector_store %arg8[%swap3A, %swap3A_55], %swap3A_58 {strides = array<i32>} : memref<128x128xf32, #tpu.memory_space<vmem>>, vector<1x16xf32>,
      }
      %scan3A_47 = arith.constant 8 : i32
    }
    %scan3A_5 = arith.constant 128 : i32
    %scan3A_6 = arith.constant 0 : i32
    %scan3A_7 = arith.constant 5 : i32
    %scan3A_8 = arith.addi %scan3A_6, %scan3A_7 : i32
    %scan3A_9 = arith.constant 1 : i32
    scf.for %scan3A_38 = %scan3A_6 to %scan3A_8 step %scan3A_9  : i32 {
      %mul3A_39 = arith.constant 1 : i32
      %mul3A_40 = arith.muli %scan3A_38, %mul3A_39 : i32
      %add3A_41 = arith.constant 0 : i32
      %add3A_42 = arith.addi %add3A_41, %mul3A_40 : i32
      %mul3A_43 = arith.constant 640 : i32
      %mul3A_44 = arith.muli %arg1, %mul3A_43 : i32
      %mul3A_45 = arith.constant 128 : i32
      %mul3A_46 = arith.muli %add3A_42, %mul3A_45 : i32
      %add3A_47 = arith.addi %mul3A_44, %mul3A_46 : i32
      "tpu.region"() ({
        %run_scoped3A = tpu.sem_alloc : memref<!tpu.dma_semaphore, #tpu.memory_space<semaphore_mem>>
        %dma_start3A_48 = arith.constant 0 : i32
        %dma_start3A_49 = tpu.memref_slice %arg5[%add3A_47, %dma_start3A_48] : memref<10240x128xf32, #tpu.memory_space<vmem_shared>> -> memref<128x128xf32, #tpu.memory_space<vmem_shared>>
        %dma_start3A_50 = arith.constant 0 : i32
        %dma_start3A_51 = tpu.memref_slice %arg5[%add3A_47, %dma_start3A_50] : memref<10240x128xf32, #tpu.memory_space<vmem_shared>> -> memref<128x128xf32, #tpu.memory_space<vmem_shared>>
        tpu.enqueue_dma source(%arg8 : memref<128x128xf32, #tpu.memory_space<vmem>>) target(%dma_start3A_51 : memref<128x128xf32, #tpu.memory_space<vmem_shared>>) target_semaphore(%run_scoped3A : memref<!tpu.dma_semaphore, #tpu.memory_space<semaphore_mem>>)
        %dma_wait3A = arith.constant 0 : i32
        %dma_wait3A_52 = tpu.memref_slice %arg5[%add3A_47, %dma_wait3A] : memref<10240x128xf32, #tpu.memory_space<vmem_shared>> -> memref<128x128xf32, #tpu.memory_space<vmem_shared>>
        %dma_wait3A_53 = arith.constant 0 : i32
        %dma_wait3A_54 = tpu.memref_slice %arg5[%add3A_47, %dma_wait3A_53] : memref<10240x128xf32, #tpu.memory_space<vmem_shared>> -> memref<128x128xf32, #tpu.memory_space<vmem_shared>>
        tpu.wait_dma2 semaphore(%run_scoped3A : memref<!tpu.dma_semaphore, #tpu.memory_space<semaphore_mem>>) src(%arg8 : memref<128x128xf32, #tpu.memory_space<vmem>>) dst(%dma_wait3A_54 : memref<128x128xf32, #tpu.memory_space<vmem_shared>>)
        tpu.yield
      }) : () -> ()
    }
    %scan3A_10 = arith.constant 5 : i32
    %barrier3A = arith.constant 0 : index
    tpu.barrier barrier_id(%barrier3A)
    "tpu.region"() ({
      %run_scoped3A = tpu.sem_alloc : memref<!tpu.dma_semaphore, #tpu.memory_space<semaphore_mem>>
      %dma_start3A_38 = arith.constant 0 : i32
      %dma_start3A_39 = arith.constant 0 : i32
      %dma_start3A_40 = tpu.memref_slice %arg3[%add3A, %dma_start3A_38, %dma_start3A_39] : memref<2500x2x128xi32, #tpu.memory_space<hbm>> -> memref<1x2x128xi32, #tpu.memory_space<hbm>>
      %dma_start3A_41 = tpu.memref_squeeze %dma_start3A_40 : memref<1x2x128xi32, #tpu.memory_space<hbm>> -> memref<2x128xi32, #tpu.memory_space<hbm>>
      %dma_start3A_42 = arith.constant 0 : i32
      %dma_start3A_43 = arith.constant 0 : i32
      %dma_start3A_44 = tpu.memref_slice %arg3[%add3A, %dma_start3A_42, %dma_start3A_43] : memref<2500x2x128xi32, #tpu.memory_space<hbm>> -> memref<1x2x128xi32, #tpu.memory_space<hbm>>
      %dma_start3A_45 = tpu.memref_squeeze %dma_start3A_44 : memref<1x2x128xi32, #tpu.memory_space<hbm>> -> memref<2x128xi32, #tpu.memory_space<hbm>>
      tpu.enqueue_dma source(%dma_start3A_45 : memref<2x128xi32, #tpu.memory_space<hbm>>) target(%arg6 : memref<2x128xi32, #tpu.memory_space<vmem>>) target_semaphore(%run_scoped3A : memref<!tpu.dma_semaphore, #tpu.memory_space<semaphore_mem>>)
      %dma_wait3A = arith.constant 0 : i32
      %dma_wait3A_46 = arith.constant 0 : i32
      %dma_wait3A_47 = tpu.memref_slice %arg3[%add3A, %dma_wait3A, %dma_wait3A_46] : memref<2500x2x128xi32, #tpu.memory_space<hbm>> -> memref<1x2x128xi32, #tpu.memory_space<hbm>>
      %dma_wait3A_48 = tpu.memref_squeeze %dma_wait3A_47 : memref<1x2x128xi32, #tpu.memory_space<hbm>> -> memref<2x128xi32, #tpu.memory_space<hbm>>
      %dma_wait3A_49 = arith.constant 0 : i32
      %dma_wait3A_50 = arith.constant 0 : i32
      %dma_wait3A_51 = tpu.memref_slice %arg3[%add3A, %dma_wait3A_49, %dma_wait3A_50] : memref<2500x2x128xi32, #tpu.memory_space<hbm>> -> memref<1x2x128xi32, #tpu.memory_space<hbm>>
      %dma_wait3A_52 = tpu.memref_squeeze %dma_wait3A_51 : memref<1x2x128xi32, #tpu.memory_space<hbm>> -> memref<2x128xi32, #tpu.memory_space<hbm>>
      tpu.wait_dma2 semaphore(%run_scoped3A : memref<!tpu.dma_semaphore, #tpu.memory_space<semaphore_mem>>) src(%dma_wait3A_52 : memref<2x128xi32, #tpu.memory_space<hbm>>) dst(%arg6 : memref<2x128xi32, #tpu.memory_space<vmem>>)
      tpu.yield
    }) : () -> ()
    %dma_start3A = arith.constant 0 : i32
    %dma_start3A_11 = arith.constant 0 : i32
    %dma_start3A_12 = tpu.memref_slice %arg6[%dma_start3A, %dma_start3A_11] : memref<2x128xi32, #tpu.memory_space<vmem>> -> memref<1x128xi32, #tpu.memory_space<vmem>>
    %dma_start3A_13 = tpu.memref_squeeze %dma_start3A_12 : memref<1x128xi32, #tpu.memory_space<vmem>> -> memref<128xi32, #tpu.memory_space<vmem>>
    %dma_start3A_14 = arith.constant 0 : i32
    %dma_start3A_15 = arith.constant 0 : i32
    %dma_start3A_16 = tpu.memref_slice %arg2[%dma_start3A_14, %dma_start3A_15] : memref<10000x128xf32, #tpu.memory_space<hbm>> -> memref<10000x128xf32, #tpu.memory_space<hbm>>
    tpu.enqueue_indirect_dma source(%dma_start3A_16 : memref<10000x128xf32, #tpu.memory_space<hbm>>) target(%arg8 : memref<128x128xf32, #tpu.memory_space<vmem>>) offsets(%dma_start3A_13 : memref<128xi32, #tpu.memory_space<vmem>>) semaphore(%arg12 : memref<!tpu.dma_semaphore, #tpu.memory_space<semaphore_mem>>)
    %add3A_17 = arith.constant 32 : i32
    %add3A_18 = arith.addi %add3A, %add3A_17 : i32
    %dma_start3A_19 = arith.constant 0 : i32
    %dma_start3A_20 = arith.constant 0 : i32
    %dma_start3A_21 = tpu.memref_slice %arg3[%add3A_18, %dma_start3A_19, %dma_start3A_20] : memref<2500x2x128xi32, #tpu.memory_space<hbm>> -> memref<1x2x128xi32, #tpu.memory_space<hbm>>
    %dma_start3A_22 = tpu.memref_squeeze %dma_start3A_21 : memref<1x2x128xi32, #tpu.memory_space<hbm>> -> memref<2x128xi32, #tpu.memory_space<hbm>>
    %dma_start3A_23 = arith.constant 0 : i32
    %dma_start3A_24 = arith.constant 0 : i32
    %dma_start3A_25 = tpu.memref_slice %arg3[%add3A_18, %dma_start3A_23, %dma_start3A_24] : memref<2500x2x128xi32, #tpu.memory_space<hbm>> -> memref<1x2x128xi32, #tpu.memory_space<hbm>>
    %dma_start3A_26 = tpu.memref_squeeze %dma_start3A_25 : memref<1x2x128xi32, #tpu.memory_space<hbm>> -> memref<2x128xi32, #tpu.memory_space<hbm>>
    tpu.enqueue_dma source(%dma_start3A_26 : memref<2x128xi32, #tpu.memory_space<hbm>>) target(%arg7 : memref<2x128xi32, #tpu.memory_space<vmem>>) target_semaphore(%arg11 : memref<!tpu.dma_semaphore, #tpu.memory_space<semaphore_mem>>)
    %scan3A_27 = arith.constant 0 : i32
    %scan3A_28 = arith.constant 40 : i32
    %scan3A_29 = arith.addi %scan3A_27, %scan3A_28 : i32
    %scan3A_30 = arith.constant 1 : i32
    scf.for %scan3A_38 = %scan3A_27 to %scan3A_29 step %scan3A_30  : i32 {
      %mul3A_39 = arith.constant 2 : i32
      %mul3A_40 = arith.muli %scan3A_38, %mul3A_39 : i32
      %add3A_41 = arith.constant 0 : i32
      %add3A_42 = arith.addi %add3A_41, %mul3A_40 : i32
      %add3A_43 = arith.constant 0 : i32
      %add3A_44 = arith.addi %add3A_42, %add3A_43 : i32
      %mul3A_45 = arith.constant 32 : i32
      %mul3A_46 = arith.muli %add3A_44, %mul3A_45 : i32
      %add3A_47 = arith.addi %add3A, %mul3A_46 : i32
      %add3A_48 = arith.constant 32 : i32
      %add3A_49 = arith.addi %add3A_47, %add3A_48 : i32
      %add3A_50 = arith.constant 64 : i32
      %add3A_51 = arith.addi %add3A_47, %add3A_50 : i32
      %lt3A = arith.constant 2500 : i32
      %lt3A_52 = arith.cmpi slt, %add3A_49, %lt3A : i32
      %convert_element_type3A = arith.extui %lt3A_52 : i1 to i32
      %cond3A = arith.constant 0 : i32
      %cond3A_53 = arith.cmpi ne, %convert_element_type3A, %cond3A : i32
      scf.if %cond3A_53 {
        %dma_wait3A = arith.constant 0 : i32
        %dma_wait3A_88 = arith.constant 0 : i32
        %dma_wait3A_89 = tpu.memref_slice %arg3[%add3A_49, %dma_wait3A, %dma_wait3A_88] : memref<2500x2x128xi32, #tpu.memory_space<hbm>> -> memref<1x2x128xi32, #tpu.memory_space<hbm>>
        %dma_wait3A_90 = tpu.memref_squeeze %dma_wait3A_89 : memref<1x2x128xi32, #tpu.memory_space<hbm>> -> memref<2x128xi32, #tpu.memory_space<hbm>>
        %dma_wait3A_91 = arith.constant 0 : i32
        %dma_wait3A_92 = arith.constant 0 : i32
        %dma_wait3A_93 = tpu.memref_slice %arg3[%add3A_49, %dma_wait3A_91, %dma_wait3A_92] : memref<2500x2x128xi32, #tpu.memory_space<hbm>> -> memref<1x2x128xi32, #tpu.memory_space<hbm>>
        %dma_wait3A_94 = tpu.memref_squeeze %dma_wait3A_93 : memref<1x2x128xi32, #tpu.memory_space<hbm>> -> memref<2x128xi32, #tpu.memory_space<hbm>>
        tpu.wait_dma2 semaphore(%arg11 : memref<!tpu.dma_semaphore, #tpu.memory_space<semaphore_mem>>) src(%dma_wait3A_94 : memref<2x128xi32, #tpu.memory_space<hbm>>) dst(%arg7 : memref<2x128xi32, #tpu.memory_space<vmem>>)
        %dma_start3A_95 = arith.constant 0 : i32
        %dma_start3A_96 = arith.constant 0 : i32
        %dma_start3A_97 = tpu.memref_slice %arg7[%dma_start3A_95, %dma_start3A_96] : memref<2x128xi32, #tpu.memory_space<vmem>> -> memref<1x128xi32, #tpu.memory_space<vmem>>
        %dma_start3A_98 = tpu.memref_squeeze %dma_start3A_97 : memref<1x128xi32, #tpu.memory_space<vmem>> -> memref<128xi32, #tpu.memory_space<vmem>>
        %dma_start3A_99 = arith.constant 0 : i32
        %dma_start3A_100 = arith.constant 0 : i32
        %dma_start3A_101 = tpu.memref_slice %arg2[%dma_start3A_99, %dma_start3A_100] : memref<10000x128xf32, #tpu.memory_space<hbm>> -> memref<10000x128xf32, #tpu.memory_space<hbm>>
        tpu.enqueue_indirect_dma source(%dma_start3A_101 : memref<10000x128xf32, #tpu.memory_space<hbm>>) target(%arg9 : memref<128x128xf32, #tpu.memory_space<vmem>>) offsets(%dma_start3A_98 : memref<128xi32, #tpu.memory_space<vmem>>) semaphore(%arg13 : memref<!tpu.dma_semaphore, #tpu.memory_space<semaphore_mem>>)
      } else {
      }
      %lt3A_54 = arith.constant 2500 : i32
      %lt3A_55 = arith.cmpi slt, %add3A_47, %lt3A_54 : i32
      %convert_element_type3A_56 = arith.extui %lt3A_55 : i1 to i32
      %cond3A_57 = arith.constant 0 : i32
      %cond3A_58 = arith.cmpi ne, %convert_element_type3A_56, %cond3A_57 : i32
      scf.if %cond3A_58 {
        %dma_wait3A = arith.constant 0 : i32
        %dma_wait3A_88 = arith.constant 0 : i32
        %dma_wait3A_89 = tpu.memref_slice %arg6[%dma_wait3A, %dma_wait3A_88] : memref<2x128xi32, #tpu.memory_space<vmem>> -> memref<1x128xi32, #tpu.memory_space<vmem>>
        %dma_wait3A_90 = tpu.memref_squeeze %dma_wait3A_89 : memref<1x128xi32, #tpu.memory_space<vmem>> -> memref<128xi32, #tpu.memory_space<vmem>>
        %dma_wait3A_91 = arith.constant 0 : i32
        %dma_wait3A_92 = arith.constant 0 : i32
        %dma_wait3A_93 = tpu.memref_slice %arg2[%dma_wait3A_91, %dma_wait3A_92] : memref<10000x128xf32, #tpu.memory_space<hbm>> -> memref<10000x128xf32, #tpu.memory_space<hbm>>
        tpu.wait_indirect_dma semaphore(%arg12 : memref<!tpu.dma_semaphore, #tpu.memory_space<semaphore_mem>>) src(%dma_wait3A_93 : memref<10000x128xf32, #tpu.memory_space<hbm>>) dst(%arg8 : memref<128x128xf32, #tpu.memory_space<vmem>>)
        %run_scoped3A = arith.constant 1 : i32
        "tpu.region"() ({
          %run_scoped3A_94 = tpu.sem_alloc : memref<!tpu.dma_semaphore, #tpu.memory_space<semaphore_mem>>
          %dma_start3A_95 = arith.constant 0 : i32
          %dma_start3A_96 = tpu.memref_slice %arg6[%run_scoped3A, %dma_start3A_95] : memref<2x128xi32, #tpu.memory_space<vmem>> -> memref<1x128xi32, #tpu.memory_space<vmem>>
          %dma_start3A_97 = tpu.memref_squeeze %dma_start3A_96 : memref<1x128xi32, #tpu.memory_space<vmem>> -> memref<128xi32, #tpu.memory_space<vmem>>
          %dma_start3A_98 = arith.constant 0 : i32
          %dma_start3A_99 = arith.constant 0 : i32
          %dma_start3A_100 = tpu.memref_slice %arg5[%dma_start3A_98, %dma_start3A_99] : memref<10240x128xf32, #tpu.memory_space<vmem_shared>> -> memref<10240x128xf32, #tpu.memory_space<vmem_shared>>
          tpu.enqueue_indirect_dma source(%arg8 : memref<128x128xf32, #tpu.memory_space<vmem>>) target(%dma_start3A_100 : memref<10240x128xf32, #tpu.memory_space<vmem_shared>>) offsets(%dma_start3A_97 : memref<128xi32, #tpu.memory_space<vmem>>) semaphore(%run_scoped3A_94 : memref<!tpu.dma_semaphore, #tpu.memory_space<semaphore_mem>>) {add = true}
          %dma_wait3A_101 = arith.constant 0 : i32
          %dma_wait3A_102 = tpu.memref_slice %arg6[%run_scoped3A, %dma_wait3A_101] : memref<2x128xi32, #tpu.memory_space<vmem>> -> memref<1x128xi32, #tpu.memory_space<vmem>>
          %dma_wait3A_103 = tpu.memref_squeeze %dma_wait3A_102 : memref<1x128xi32, #tpu.memory_space<vmem>> -> memref<128xi32, #tpu.memory_space<vmem>>
          %dma_wait3A_104 = arith.constant 0 : i32
          %dma_wait3A_105 = arith.constant 0 : i32
          %dma_wait3A_106 = tpu.memref_slice %arg5[%dma_wait3A_104, %dma_wait3A_105] : memref<10240x128xf32, #tpu.memory_space<vmem_shared>> -> memref<10240x128xf32, #tpu.memory_space<vmem_shared>>
          tpu.wait_indirect_dma semaphore(%run_scoped3A_94 : memref<!tpu.dma_semaphore, #tpu.memory_space<semaphore_mem>>) src(%arg8 : memref<128x128xf32, #tpu.memory_space<vmem>>) dst(%dma_wait3A_106 : memref<10240x128xf32, #tpu.memory_space<vmem_shared>>)
          tpu.yield
        }) : () -> ()
      } else {
      }
      %lt3A_59 = arith.constant 2500 : i32
      %lt3A_60 = arith.cmpi slt, %add3A_51, %lt3A_59 : i32
      %convert_element_type3A_61 = arith.extui %lt3A_60 : i1 to i32
      %cond3A_62 = arith.constant 0 : i32
      %cond3A_63 = arith.cmpi ne, %convert_element_type3A_61, %cond3A_62 : i32
      scf.if %cond3A_63 {
        %dma_start3A_88 = arith.constant 0 : i32
        %dma_start3A_89 = arith.constant 0 : i32
        %dma_start3A_90 = tpu.memref_slice %arg3[%add3A_51, %dma_start3A_88, %dma_start3A_89] : memref<2500x2x128xi32, #tpu.memory_space<hbm>> -> memref<1x2x128xi32, #tpu.memory_space<hbm>>
        %dma_start3A_91 = tpu.memref_squeeze %dma_start3A_90 : memref<1x2x128xi32, #tpu.memory_space<hbm>> -> memref<2x128xi32, #tpu.memory_space<hbm>>
        %dma_start3A_92 = arith.constant 0 : i32
        %dma_start3A_93 = arith.constant 0 : i32
        %dma_start3A_94 = tpu.memref_slice %arg3[%add3A_51, %dma_start3A_92, %dma_start3A_93] : memref<2500x2x128xi32, #tpu.memory_space<hbm>> -> memref<1x2x128xi32, #tpu.memory_space<hbm>>
        %dma_start3A_95 = tpu.memref_squeeze %dma_start3A_94 : memref<1x2x128xi32, #tpu.memory_space<hbm>> -> memref<2x128xi32, #tpu.memory_space<hbm>>
        tpu.enqueue_dma source(%dma_start3A_95 : memref<2x128xi32, #tpu.memory_space<hbm>>) target(%arg6 : memref<2x128xi32, #tpu.memory_space<vmem>>) target_semaphore(%arg10 : memref<!tpu.dma_semaphore, #tpu.memory_space<semaphore_mem>>)
      } else {
      }
      %add3A_64 = arith.constant 1 : i32
      %add3A_65 = arith.addi %add3A_42, %add3A_64 : i32
      %mul3A_66 = arith.constant 32 : i32
      %mul3A_67 = arith.muli %add3A_65, %mul3A_66 : i32
      %add3A_68 = arith.addi %add3A, %mul3A_67 : i32
      %add3A_69 = arith.constant 32 : i32
      %add3A_70 = arith.addi %add3A_68, %add3A_69 : i32
      %add3A_71 = arith.constant 64 : i32
      %add3A_72 = arith.addi %add3A_68, %add3A_71 : i32
      %lt3A_73 = arith.constant 2500 : i32
      %lt3A_74 = arith.cmpi slt, %add3A_70, %lt3A_73 : i32
      %convert_element_type3A_75 = arith.extui %lt3A_74 : i1 to i32
      %cond3A_76 = arith.constant 0 : i32
      %cond3A_77 = arith.cmpi ne, %convert_element_type3A_75, %cond3A_76 : i32
      scf.if %cond3A_77 {
        %dma_wait3A = arith.constant 0 : i32
        %dma_wait3A_88 = arith.constant 0 : i32
        %dma_wait3A_89 = tpu.memref_slice %arg3[%add3A_70, %dma_wait3A, %dma_wait3A_88] : memref<2500x2x128xi32, #tpu.memory_space<hbm>> -> memref<1x2x128xi32, #tpu.memory_space<hbm>>
        %dma_wait3A_90 = tpu.memref_squeeze %dma_wait3A_89 : memref<1x2x128xi32, #tpu.memory_space<hbm>> -> memref<2x128xi32, #tpu.memory_space<hbm>>
        %dma_wait3A_91 = arith.constant 0 : i32
        %dma_wait3A_92 = arith.constant 0 : i32
        %dma_wait3A_93 = tpu.memref_slice %arg3[%add3A_70, %dma_wait3A_91, %dma_wait3A_92] : memref<2500x2x128xi32, #tpu.memory_space<hbm>> -> memref<1x2x128xi32, #tpu.memory_space<hbm>>
        %dma_wait3A_94 = tpu.memref_squeeze %dma_wait3A_93 : memref<1x2x128xi32, #tpu.memory_space<hbm>> -> memref<2x128xi32, #tpu.memory_space<hbm>>
        tpu.wait_dma2 semaphore(%arg10 : memref<!tpu.dma_semaphore, #tpu.memory_space<semaphore_mem>>) src(%dma_wait3A_94 : memref<2x128xi32, #tpu.memory_space<hbm>>) dst(%arg6 : memref<2x128xi32, #tpu.memory_space<vmem>>)
        %dma_start3A_95 = arith.constant 0 : i32
        %dma_start3A_96 = arith.constant 0 : i32
        %dma_start3A_97 = tpu.memref_slice %arg6[%dma_start3A_95, %dma_start3A_96] : memref<2x128xi32, #tpu.memory_space<vmem>> -> memref<1x128xi32, #tpu.memory_space<vmem>>
        %dma_start3A_98 = tpu.memref_squeeze %dma_start3A_97 : memref<1x128xi32, #tpu.memory_space<vmem>> -> memref<128xi32, #tpu.memory_space<vmem>>
        %dma_start3A_99 = arith.constant 0 : i32
        %dma_start3A_100 = arith.constant 0 : i32
        %dma_start3A_101 = tpu.memref_slice %arg2[%dma_start3A_99, %dma_start3A_100] : memref<10000x128xf32, #tpu.memory_space<hbm>> -> memref<10000x128xf32, #tpu.memory_space<hbm>>
        tpu.enqueue_indirect_dma source(%dma_start3A_101 : memref<10000x128xf32, #tpu.memory_space<hbm>>) target(%arg8 : memref<128x128xf32, #tpu.memory_space<vmem>>) offsets(%dma_start3A_98 : memref<128xi32, #tpu.memory_space<vmem>>) semaphore(%arg12 : memref<!tpu.dma_semaphore, #tpu.memory_space<semaphore_mem>>)
      } else {
      }
      %lt3A_78 = arith.constant 2500 : i32
      %lt3A_79 = arith.cmpi slt, %add3A_68, %lt3A_78 : i32
      %convert_element_type3A_80 = arith.extui %lt3A_79 : i1 to i32
      %cond3A_81 = arith.constant 0 : i32
      %cond3A_82 = arith.cmpi ne, %convert_element_type3A_80, %cond3A_81 : i32
      scf.if %cond3A_82 {
        %dma_wait3A = arith.constant 0 : i32
        %dma_wait3A_88 = arith.constant 0 : i32
        %dma_wait3A_89 = tpu.memref_slice %arg7[%dma_wait3A, %dma_wait3A_88] : memref<2x128xi32, #tpu.memory_space<vmem>> -> memref<1x128xi32, #tpu.memory_space<vmem>>
        %dma_wait3A_90 = tpu.memref_squeeze %dma_wait3A_89 : memref<1x128xi32, #tpu.memory_space<vmem>> -> memref<128xi32, #tpu.memory_space<vmem>>
        %dma_wait3A_91 = arith.constant 0 : i32
        %dma_wait3A_92 = arith.constant 0 : i32
        %dma_wait3A_93 = tpu.memref_slice %arg2[%dma_wait3A_91, %dma_wait3A_92] : memref<10000x128xf32, #tpu.memory_space<hbm>> -> memref<10000x128xf32, #tpu.memory_space<hbm>>
        tpu.wait_indirect_dma semaphore(%arg13 : memref<!tpu.dma_semaphore, #tpu.memory_space<semaphore_mem>>) src(%dma_wait3A_93 : memref<10000x128xf32, #tpu.memory_space<hbm>>) dst(%arg9 : memref<128x128xf32, #tpu.memory_space<vmem>>)
        %run_scoped3A = arith.constant 1 : i32
        "tpu.region"() ({
          %run_scoped3A_94 = tpu.sem_alloc : memref<!tpu.dma_semaphore, #tpu.memory_space<semaphore_mem>>
          %dma_start3A_95 = arith.constant 0 : i32
          %dma_start3A_96 = tpu.memref_slice %arg7[%run_scoped3A, %dma_start3A_95] : memref<2x128xi32, #tpu.memory_space<vmem>> -> memref<1x128xi32, #tpu.memory_space<vmem>>
          %dma_start3A_97 = tpu.memref_squeeze %dma_start3A_96 : memref<1x128xi32, #tpu.memory_space<vmem>> -> memref<128xi32, #tpu.memory_space<vmem>>
          %dma_start3A_98 = arith.constant 0 : i32
          %dma_start3A_99 = arith.constant 0 : i32
          %dma_start3A_100 = tpu.memref_slice %arg5[%dma_start3A_98, %dma_start3A_99] : memref<10240x128xf32, #tpu.memory_space<vmem_shared>> -> memref<10240x128xf32, #tpu.memory_space<vmem_shared>>
          tpu.enqueue_indirect_dma source(%arg9 : memref<128x128xf32, #tpu.memory_space<vmem>>) target(%dma_start3A_100 : memref<10240x128xf32, #tpu.memory_space<vmem_shared>>) offsets(%dma_start3A_97 : memref<128xi32, #tpu.memory_space<vmem>>) semaphore(%run_scoped3A_94 : memref<!tpu.dma_semaphore, #tpu.memory_space<semaphore_mem>>) {add = true}
          %dma_wait3A_101 = arith.constant 0 : i32
          %dma_wait3A_102 = tpu.memref_slice %arg7[%run_scoped3A, %dma_wait3A_101] : memref<2x128xi32, #tpu.memory_space<vmem>> -> memref<1x128xi32, #tpu.memory_space<vmem>>
          %dma_wait3A_103 = tpu.memref_squeeze %dma_wait3A_102 : memref<1x128xi32, #tpu.memory_space<vmem>> -> memref<128xi32, #tpu.memory_space<vmem>>
          %dma_wait3A_104 = arith.constant 0 : i32
          %dma_wait3A_105 = arith.constant 0 : i32
          %dma_wait3A_106 = tpu.memref_slice %arg5[%dma_wait3A_104, %dma_wait3A_105] : memref<10240x128xf32, #tpu.memory_space<vmem_shared>> -> memref<10240x128xf32, #tpu.memory_space<vmem_shared>>
          tpu.wait_indirect_dma semaphore(%run_scoped3A_94 : memref<!tpu.dma_semaphore, #tpu.memory_space<semaphore_mem>>) src(%arg9 : memref<128x128xf32, #tpu.memory_space<vmem>>) dst(%dma_wait3A_106 : memref<10240x128xf32, #tpu.memory_space<vmem_shared>>)
          tpu.yield
        }) : () -> ()
      } else {
      }
      %lt3A_83 = arith.constant 2500 : i32
      %lt3A_84 = arith.cmpi slt, %add3A_72, %lt3A_83 : i32
      %convert_element_type3A_85 = arith.extui %lt3A_84 : i1 to i32
      %cond3A_86 = arith.constant 0 : i32
      %cond3A_87 = arith.cmpi ne, %convert_element_type3A_85, %cond3A_86 : i32
      scf.if %cond3A_87 {
        %dma_start3A_88 = arith.constant 0 : i32
        %dma_start3A_89 = arith.constant 0 : i32
        %dma_start3A_90 = tpu.memref_slice %arg3[%add3A_72, %dma_start3A_88, %dma_start3A_89] : memref<2500x2x128xi32, #tpu.memory_space<hbm>> -> memref<1x2x128xi32, #tpu.memory_space<hbm>>
        %dma_start3A_91 = tpu.memref_squeeze %dma_start3A_90 : memref<1x2x128xi32, #tpu.memory_space<hbm>> -> memref<2x128xi32, #tpu.memory_space<hbm>>
        %dma_start3A_92 = arith.constant 0 : i32
        %dma_start3A_93 = arith.constant 0 : i32
        %dma_start3A_94 = tpu.memref_slice %arg3[%add3A_72, %dma_start3A_92, %dma_start3A_93] : memref<2500x2x128xi32, #tpu.memory_space<hbm>> -> memref<1x2x128xi32, #tpu.memory_space<hbm>>
        %dma_start3A_95 = tpu.memref_squeeze %dma_start3A_94 : memref<1x2x128xi32, #tpu.memory_space<hbm>> -> memref<2x128xi32, #tpu.memory_space<hbm>>
        tpu.enqueue_dma source(%dma_start3A_95 : memref<2x128xi32, #tpu.memory_space<hbm>>) target(%arg7 : memref<2x128xi32, #tpu.memory_space<vmem>>) target_semaphore(%arg11 : memref<!tpu.dma_semaphore, #tpu.memory_space<semaphore_mem>>)
      } else {
      }
    }
    %scan3A_31 = arith.constant 40 : i32
    %barrier3A_32 = arith.constant 0 : index
    tpu.barrier barrier_id(%barrier3A_32)
    %scan3A_33 = arith.constant 0 : i32
    %scan3A_34 = arith.constant 5 : i32
    %scan3A_35 = arith.addi %scan3A_33, %scan3A_34 : i32
    %scan3A_36 = arith.constant 1 : i32
    scf.for %scan3A_38 = %scan3A_33 to %scan3A_35 step %scan3A_36  : i32 {
      %mul3A_39 = arith.constant 1 : i32
      %mul3A_40 = arith.muli %scan3A_38, %mul3A_39 : i32
      %add3A_41 = arith.constant 0 : i32
      %add3A_42 = arith.addi %add3A_41, %mul3A_40 : i32
      %mul3A_43 = arith.constant 640 : i32
      %mul3A_44 = arith.muli %arg1, %mul3A_43 : i32
      %mul3A_45 = arith.constant 128 : i32
      %mul3A_46 = arith.muli %add3A_42, %mul3A_45 : i32
      %add3A_47 = arith.addi %mul3A_44, %mul3A_46 : i32
      "tpu.region"() ({
        %run_scoped3A = tpu.sem_alloc : memref<!tpu.dma_semaphore, #tpu.memory_space<semaphore_mem>>
        %dma_start3A_48 = arith.constant 0 : i32
        %dma_start3A_49 = arith.constant 0 : i32
        %dma_start3A_50 = tpu.memref_slice %arg4[%arg0, %dma_start3A_48, %dma_start3A_49] : memref<2x10240x128xf32, #tpu.memory_space<hbm>> -> memref<1x10240x128xf32, #tpu.memory_space<hbm>>
        %dma_start3A_51 = tpu.memref_squeeze %dma_start3A_50 : memref<1x10240x128xf32, #tpu.memory_space<hbm>> -> memref<10240x128xf32, #tpu.memory_space<hbm>>
        %dma_start3A_52 = arith.constant 0 : i32
        %dma_start3A_53 = tpu.memref_slice %dma_start3A_51[%add3A_47, %dma_start3A_52] : memref<10240x128xf32, #tpu.memory_space<hbm>> -> memref<128x128xf32, #tpu.memory_space<hbm>>
        %dma_start3A_54 = arith.constant 0 : i32
        %dma_start3A_55 = tpu.memref_slice %arg5[%add3A_47, %dma_start3A_54] : memref<10240x128xf32, #tpu.memory_space<vmem_shared>> -> memref<128x128xf32, #tpu.memory_space<vmem_shared>>
        tpu.enqueue_dma source(%dma_start3A_55 : memref<128x128xf32, #tpu.memory_space<vmem_shared>>) target(%dma_start3A_53 : memref<128x128xf32, #tpu.memory_space<hbm>>) target_semaphore(%run_scoped3A : memref<!tpu.dma_semaphore, #tpu.memory_space<semaphore_mem>>)
        %dma_wait3A = arith.constant 0 : i32
        %dma_wait3A_56 = arith.constant 0 : i32
        %dma_wait3A_57 = tpu.memref_slice %arg4[%arg0, %dma_wait3A, %dma_wait3A_56] : memref<2x10240x128xf32, #tpu.memory_space<hbm>> -> memref<1x10240x128xf32, #tpu.memory_space<hbm>>
        %dma_wait3A_58 = tpu.memref_squeeze %dma_wait3A_57 : memref<1x10240x128xf32, #tpu.memory_space<hbm>> -> memref<10240x128xf32, #tpu.memory_space<hbm>>
        %dma_wait3A_59 = arith.constant 0 : i32
        %dma_wait3A_60 = tpu.memref_slice %dma_wait3A_58[%add3A_47, %dma_wait3A_59] : memref<10240x128xf32, #tpu.memory_space<hbm>> -> memref<128x128xf32, #tpu.memory_space<hbm>>
        %dma_wait3A_61 = arith.constant 0 : i32
        %dma_wait3A_62 = tpu.memref_slice %arg5[%add3A_47, %dma_wait3A_61] : memref<10240x128xf32, #tpu.memory_space<vmem_shared>> -> memref<128x128xf32, #tpu.memory_space<vmem_shared>>
        tpu.wait_dma2 semaphore(%run_scoped3A : memref<!tpu.dma_semaphore, #tpu.memory_space<semaphore_mem>>) src(%dma_wait3A_62 : memref<128x128xf32, #tpu.memory_space<vmem_shared>>) dst(%dma_wait3A_60 : memref<128x128xf32, #tpu.memory_space<hbm>>)
        tpu.yield
      }) : () -> ()
    }
    %scan3A_37 = arith.constant 5 : i32
    return
  }
}

#map = affine_map<(d0, d1) -> (0, 0)>
#map1 = affine_map<(d0, d1) -> (0, 0, 0)>
module attributes {stable_mosaic.version = 14 : i64} {
  func.func @_segsum(%arg0: i32, %arg1: i32, %arg2: memref<10000x128xf32, #tpu.memory_space<hbm>>, %arg3: memref<2500x2x128xi32, #tpu.memory_space<hbm>>, %arg4: memref<2x10240x128xf32, #tpu.memory_space<hbm>>, %arg5: memref<2x10240x128xf32, #tpu.memory_space<hbm>>, %arg6: memref<10240x128xf32, #tpu.memory_space<vmem_shared>>, %arg7: memref<2x128xi32, #tpu.memory_space<vmem>>, %arg8: memref<2x128xi32, #tpu.memory_space<vmem>>, %arg9: memref<128x128xf32, #tpu.memory_space<vmem>>, %arg10: memref<128x128xf32, #tpu.memory_space<vmem>>, %arg11: memref<!tpu.dma_semaphore, #tpu.memory_space<semaphore_mem>>, %arg12: memref<!tpu.dma_semaphore, #tpu.memory_space<semaphore_mem>>, %arg13: memref<!tpu.dma_semaphore, #tpu.memory_space<semaphore_mem>>, %arg14: memref<!tpu.dma_semaphore, #tpu.memory_space<semaphore_mem>>) attributes {dimension_semantics = [#tpu.dimension_semantics<core_parallel>, #tpu.dimension_semantics<subcore_parallel>], iteration_bounds = array<i64: 2, 16>, scalar_prefetch = 0 : i64, scratch_operands = 9 : i64, tpu.core_type = #tpu.core_type<sc_vector_subcore>, window_params = [{transform_indices = #map}, {transform_indices = #map1}, {transform_indices = #map1}, {transform_indices = #map1}]} {
    %mul3A = arith.constant 16 : i32
    %mul3A_0 = arith.muli %arg0, %mul3A : i32
    %add3A = arith.addi %mul3A_0, %arg1 : i32
    %broadcast_in_dim3A = arith.constant 0.000000e+00 : f32
    %broadcast_in_dim3A_1 = vector.broadcast %broadcast_in_dim3A : f32 to vector<16xf32>
    %scan3A = arith.constant 0 : i32
    %scan3A_2 = arith.constant 128 : i32
    %scan3A_3 = arith.addi %scan3A, %scan3A_2 : i32
    %scan3A_4 = arith.constant 1 : i32
    scf.for %scan3A_85 = %scan3A to %scan3A_3 step %scan3A_4  : i32 {
      %mul3A_86 = arith.constant 1 : i32
      %mul3A_87 = arith.muli %scan3A_85, %mul3A_86 : i32
      %add3A_88 = arith.constant 0 : i32
      %add3A_89 = arith.addi %add3A_88, %mul3A_87 : i32
      %scan3A_90 = arith.constant 0 : i32
      %scan3A_91 = arith.constant 8 : i32
      %scan3A_92 = arith.addi %scan3A_90, %scan3A_91 : i32
      %scan3A_93 = arith.constant 1 : i32
      scf.for %scan3A_95 = %scan3A_90 to %scan3A_92 step %scan3A_93  : i32 {
        %mul3A_96 = arith.constant 1 : i32
        %mul3A_97 = arith.muli %scan3A_95, %mul3A_96 : i32
        %add3A_98 = arith.constant 0 : i32
        %add3A_99 = arith.addi %add3A_98, %mul3A_97 : i32
        %mul3A_100 = arith.constant 16 : i32
        %mul3A_101 = arith.muli %add3A_99, %mul3A_100 : i32
        %swap3A = arith.index_cast %add3A_89 : i32 to index
        %swap3A_102 = arith.index_cast %mul3A_101 : i32 to index
        %swap3A_103 = tpu.vector_load %arg9[%swap3A, %swap3A_102] {strides = array<i32>} : memref<128x128xf32, #tpu.memory_space<vmem>>, vector<1x16xf32>,
        %swap3A_104 = vector.shape_cast %swap3A_103 : vector<1x16xf32> to vector<16xf32>
        %swap3A_105 = vector.shape_cast %broadcast_in_dim3A_1 : vector<16xf32> to vector<1x16xf32>
        tpu.vector_store %arg9[%swap3A, %swap3A_102], %swap3A_105 {strides = array<i32>} : memref<128x128xf32, #tpu.memory_space<vmem>>, vector<1x16xf32>,
      }
      %scan3A_94 = arith.constant 8 : i32
    }
    %scan3A_5 = arith.constant 128 : i32
    %scan3A_6 = arith.constant 0 : i32
    %scan3A_7 = arith.constant 5 : i32
    %scan3A_8 = arith.addi %scan3A_6, %scan3A_7 : i32
    %scan3A_9 = arith.constant 1 : i32
    scf.for %scan3A_85 = %scan3A_6 to %scan3A_8 step %scan3A_9  : i32 {
      %mul3A_86 = arith.constant 1 : i32
      %mul3A_87 = arith.muli %scan3A_85, %mul3A_86 : i32
      %add3A_88 = arith.constant 0 : i32
      %add3A_89 = arith.addi %add3A_88, %mul3A_87 : i32
      %mul3A_90 = arith.constant 640 : i32
      %mul3A_91 = arith.muli %arg1, %mul3A_90 : i32
      %mul3A_92 = arith.constant 128 : i32
      %mul3A_93 = arith.muli %add3A_89, %mul3A_92 : i32
      %add3A_94 = arith.addi %mul3A_91, %mul3A_93 : i32
      "tpu.region"() ({
        %run_scoped3A = tpu.sem_alloc : memref<!tpu.dma_semaphore, #tpu.memory_space<semaphore_mem>>
        %dma_start3A_95 = arith.constant 0 : i32
        %dma_start3A_96 = tpu.memref_slice %arg6[%add3A_94, %dma_start3A_95] : memref<10240x128xf32, #tpu.memory_space<vmem_shared>> -> memref<128x128xf32, #tpu.memory_space<vmem_shared>>
        %dma_start3A_97 = arith.constant 0 : i32
        %dma_start3A_98 = tpu.memref_slice %arg6[%add3A_94, %dma_start3A_97] : memref<10240x128xf32, #tpu.memory_space<vmem_shared>> -> memref<128x128xf32, #tpu.memory_space<vmem_shared>>
        tpu.enqueue_dma source(%arg9 : memref<128x128xf32, #tpu.memory_space<vmem>>) target(%dma_start3A_98 : memref<128x128xf32, #tpu.memory_space<vmem_shared>>) target_semaphore(%run_scoped3A : memref<!tpu.dma_semaphore, #tpu.memory_space<semaphore_mem>>)
        %dma_wait3A = arith.constant 0 : i32
        %dma_wait3A_99 = tpu.memref_slice %arg6[%add3A_94, %dma_wait3A] : memref<10240x128xf32, #tpu.memory_space<vmem_shared>> -> memref<128x128xf32, #tpu.memory_space<vmem_shared>>
        %dma_wait3A_100 = arith.constant 0 : i32
        %dma_wait3A_101 = tpu.memref_slice %arg6[%add3A_94, %dma_wait3A_100] : memref<10240x128xf32, #tpu.memory_space<vmem_shared>> -> memref<128x128xf32, #tpu.memory_space<vmem_shared>>
        tpu.wait_dma2 semaphore(%run_scoped3A : memref<!tpu.dma_semaphore, #tpu.memory_space<semaphore_mem>>) src(%arg9 : memref<128x128xf32, #tpu.memory_space<vmem>>) dst(%dma_wait3A_101 : memref<128x128xf32, #tpu.memory_space<vmem_shared>>)
        tpu.yield
      }) : () -> ()
    }
    %scan3A_10 = arith.constant 5 : i32
    %barrier3A = arith.constant 0 : index
    tpu.barrier barrier_id(%barrier3A)
    "tpu.region"() ({
      %run_scoped3A = tpu.sem_alloc : memref<!tpu.dma_semaphore, #tpu.memory_space<semaphore_mem>>
      %dma_start3A_85 = arith.constant 0 : i32
      %dma_start3A_86 = arith.constant 0 : i32
      %dma_start3A_87 = tpu.memref_slice %arg3[%add3A, %dma_start3A_85, %dma_start3A_86] : memref<2500x2x128xi32, #tpu.memory_space<hbm>> -> memref<1x2x128xi32, #tpu.memory_space<hbm>>
      %dma_start3A_88 = tpu.memref_squeeze %dma_start3A_87 : memref<1x2x128xi32, #tpu.memory_space<hbm>> -> memref<2x128xi32, #tpu.memory_space<hbm>>
      %dma_start3A_89 = arith.constant 0 : i32
      %dma_start3A_90 = arith.constant 0 : i32
      %dma_start3A_91 = tpu.memref_slice %arg3[%add3A, %dma_start3A_89, %dma_start3A_90] : memref<2500x2x128xi32, #tpu.memory_space<hbm>> -> memref<1x2x128xi32, #tpu.memory_space<hbm>>
      %dma_start3A_92 = tpu.memref_squeeze %dma_start3A_91 : memref<1x2x128xi32, #tpu.memory_space<hbm>> -> memref<2x128xi32, #tpu.memory_space<hbm>>
      tpu.enqueue_dma source(%dma_start3A_92 : memref<2x128xi32, #tpu.memory_space<hbm>>) target(%arg7 : memref<2x128xi32, #tpu.memory_space<vmem>>) target_semaphore(%run_scoped3A : memref<!tpu.dma_semaphore, #tpu.memory_space<semaphore_mem>>)
      %dma_wait3A = arith.constant 0 : i32
      %dma_wait3A_93 = arith.constant 0 : i32
      %dma_wait3A_94 = tpu.memref_slice %arg3[%add3A, %dma_wait3A, %dma_wait3A_93] : memref<2500x2x128xi32, #tpu.memory_space<hbm>> -> memref<1x2x128xi32, #tpu.memory_space<hbm>>
      %dma_wait3A_95 = tpu.memref_squeeze %dma_wait3A_94 : memref<1x2x128xi32, #tpu.memory_space<hbm>> -> memref<2x128xi32, #tpu.memory_space<hbm>>
      %dma_wait3A_96 = arith.constant 0 : i32
      %dma_wait3A_97 = arith.constant 0 : i32
      %dma_wait3A_98 = tpu.memref_slice %arg3[%add3A, %dma_wait3A_96, %dma_wait3A_97] : memref<2500x2x128xi32, #tpu.memory_space<hbm>> -> memref<1x2x128xi32, #tpu.memory_space<hbm>>
      %dma_wait3A_99 = tpu.memref_squeeze %dma_wait3A_98 : memref<1x2x128xi32, #tpu.memory_space<hbm>> -> memref<2x128xi32, #tpu.memory_space<hbm>>
      tpu.wait_dma2 semaphore(%run_scoped3A : memref<!tpu.dma_semaphore, #tpu.memory_space<semaphore_mem>>) src(%dma_wait3A_99 : memref<2x128xi32, #tpu.memory_space<hbm>>) dst(%arg7 : memref<2x128xi32, #tpu.memory_space<vmem>>)
      tpu.yield
    }) : () -> ()
    %dma_start3A = arith.constant 0 : i32
    %dma_start3A_11 = arith.constant 0 : i32
    %dma_start3A_12 = tpu.memref_slice %arg7[%dma_start3A, %dma_start3A_11] : memref<2x128xi32, #tpu.memory_space<vmem>> -> memref<1x128xi32, #tpu.memory_space<vmem>>
    %dma_start3A_13 = tpu.memref_squeeze %dma_start3A_12 : memref<1x128xi32, #tpu.memory_space<vmem>> -> memref<128xi32, #tpu.memory_space<vmem>>
    %dma_start3A_14 = arith.constant 0 : i32
    %dma_start3A_15 = arith.constant 0 : i32
    %dma_start3A_16 = tpu.memref_slice %arg2[%dma_start3A_14, %dma_start3A_15] : memref<10000x128xf32, #tpu.memory_space<hbm>> -> memref<10000x128xf32, #tpu.memory_space<hbm>>
    tpu.enqueue_indirect_dma source(%dma_start3A_16 : memref<10000x128xf32, #tpu.memory_space<hbm>>) target(%arg9 : memref<128x128xf32, #tpu.memory_space<vmem>>) offsets(%dma_start3A_13 : memref<128xi32, #tpu.memory_space<vmem>>) semaphore(%arg13 : memref<!tpu.dma_semaphore, #tpu.memory_space<semaphore_mem>>)
    %add3A_17 = arith.constant 32 : i32
    %add3A_18 = arith.addi %add3A, %add3A_17 : i32
    %dma_start3A_19 = arith.constant 0 : i32
    %dma_start3A_20 = arith.constant 0 : i32
    %dma_start3A_21 = tpu.memref_slice %arg3[%add3A_18, %dma_start3A_19, %dma_start3A_20] : memref<2500x2x128xi32, #tpu.memory_space<hbm>> -> memref<1x2x128xi32, #tpu.memory_space<hbm>>
    %dma_start3A_22 = tpu.memref_squeeze %dma_start3A_21 : memref<1x2x128xi32, #tpu.memory_space<hbm>> -> memref<2x128xi32, #tpu.memory_space<hbm>>
    %dma_start3A_23 = arith.constant 0 : i32
    %dma_start3A_24 = arith.constant 0 : i32
    %dma_start3A_25 = tpu.memref_slice %arg3[%add3A_18, %dma_start3A_23, %dma_start3A_24] : memref<2500x2x128xi32, #tpu.memory_space<hbm>> -> memref<1x2x128xi32, #tpu.memory_space<hbm>>
    %dma_start3A_26 = tpu.memref_squeeze %dma_start3A_25 : memref<1x2x128xi32, #tpu.memory_space<hbm>> -> memref<2x128xi32, #tpu.memory_space<hbm>>
    tpu.enqueue_dma source(%dma_start3A_26 : memref<2x128xi32, #tpu.memory_space<hbm>>) target(%arg8 : memref<2x128xi32, #tpu.memory_space<vmem>>) target_semaphore(%arg12 : memref<!tpu.dma_semaphore, #tpu.memory_space<semaphore_mem>>)
    %scan3A_27 = arith.constant 0 : i32
    %scan3A_28 = arith.constant 40 : i32
    %scan3A_29 = arith.addi %scan3A_27, %scan3A_28 : i32
    %scan3A_30 = arith.constant 1 : i32
    scf.for %scan3A_85 = %scan3A_27 to %scan3A_29 step %scan3A_30  : i32 {
      %mul3A_86 = arith.constant 2 : i32
      %mul3A_87 = arith.muli %scan3A_85, %mul3A_86 : i32
      %add3A_88 = arith.constant 0 : i32
      %add3A_89 = arith.addi %add3A_88, %mul3A_87 : i32
      %add3A_90 = arith.constant 0 : i32
      %add3A_91 = arith.addi %add3A_89, %add3A_90 : i32
      %mul3A_92 = arith.constant 32 : i32
      %mul3A_93 = arith.muli %add3A_91, %mul3A_92 : i32
      %add3A_94 = arith.addi %add3A, %mul3A_93 : i32
      %add3A_95 = arith.constant 32 : i32
      %add3A_96 = arith.addi %add3A_94, %add3A_95 : i32
      %add3A_97 = arith.constant 64 : i32
      %add3A_98 = arith.addi %add3A_94, %add3A_97 : i32
      %lt3A = arith.constant 2500 : i32
      %lt3A_99 = arith.cmpi slt, %add3A_96, %lt3A : i32
      %convert_element_type3A = arith.extui %lt3A_99 : i1 to i32
      %cond3A = arith.constant 0 : i32
      %cond3A_100 = arith.cmpi ne, %convert_element_type3A, %cond3A : i32
      scf.if %cond3A_100 {
        %dma_wait3A = arith.constant 0 : i32
        %dma_wait3A_135 = arith.constant 0 : i32
        %dma_wait3A_136 = tpu.memref_slice %arg3[%add3A_96, %dma_wait3A, %dma_wait3A_135] : memref<2500x2x128xi32, #tpu.memory_space<hbm>> -> memref<1x2x128xi32, #tpu.memory_space<hbm>>
        %dma_wait3A_137 = tpu.memref_squeeze %dma_wait3A_136 : memref<1x2x128xi32, #tpu.memory_space<hbm>> -> memref<2x128xi32, #tpu.memory_space<hbm>>
        %dma_wait3A_138 = arith.constant 0 : i32
        %dma_wait3A_139 = arith.constant 0 : i32
        %dma_wait3A_140 = tpu.memref_slice %arg3[%add3A_96, %dma_wait3A_138, %dma_wait3A_139] : memref<2500x2x128xi32, #tpu.memory_space<hbm>> -> memref<1x2x128xi32, #tpu.memory_space<hbm>>
        %dma_wait3A_141 = tpu.memref_squeeze %dma_wait3A_140 : memref<1x2x128xi32, #tpu.memory_space<hbm>> -> memref<2x128xi32, #tpu.memory_space<hbm>>
        tpu.wait_dma2 semaphore(%arg12 : memref<!tpu.dma_semaphore, #tpu.memory_space<semaphore_mem>>) src(%dma_wait3A_141 : memref<2x128xi32, #tpu.memory_space<hbm>>) dst(%arg8 : memref<2x128xi32, #tpu.memory_space<vmem>>)
        %dma_start3A_142 = arith.constant 0 : i32
        %dma_start3A_143 = arith.constant 0 : i32
        %dma_start3A_144 = tpu.memref_slice %arg8[%dma_start3A_142, %dma_start3A_143] : memref<2x128xi32, #tpu.memory_space<vmem>> -> memref<1x128xi32, #tpu.memory_space<vmem>>
        %dma_start3A_145 = tpu.memref_squeeze %dma_start3A_144 : memref<1x128xi32, #tpu.memory_space<vmem>> -> memref<128xi32, #tpu.memory_space<vmem>>
        %dma_start3A_146 = arith.constant 0 : i32
        %dma_start3A_147 = arith.constant 0 : i32
        %dma_start3A_148 = tpu.memref_slice %arg2[%dma_start3A_146, %dma_start3A_147] : memref<10000x128xf32, #tpu.memory_space<hbm>> -> memref<10000x128xf32, #tpu.memory_space<hbm>>
        tpu.enqueue_indirect_dma source(%dma_start3A_148 : memref<10000x128xf32, #tpu.memory_space<hbm>>) target(%arg10 : memref<128x128xf32, #tpu.memory_space<vmem>>) offsets(%dma_start3A_145 : memref<128xi32, #tpu.memory_space<vmem>>) semaphore(%arg14 : memref<!tpu.dma_semaphore, #tpu.memory_space<semaphore_mem>>)
      } else {
      }
      %lt3A_101 = arith.constant 2500 : i32
      %lt3A_102 = arith.cmpi slt, %add3A_94, %lt3A_101 : i32
      %convert_element_type3A_103 = arith.extui %lt3A_102 : i1 to i32
      %cond3A_104 = arith.constant 0 : i32
      %cond3A_105 = arith.cmpi ne, %convert_element_type3A_103, %cond3A_104 : i32
      scf.if %cond3A_105 {
        %dma_wait3A = arith.constant 0 : i32
        %dma_wait3A_135 = arith.constant 0 : i32
        %dma_wait3A_136 = tpu.memref_slice %arg7[%dma_wait3A, %dma_wait3A_135] : memref<2x128xi32, #tpu.memory_space<vmem>> -> memref<1x128xi32, #tpu.memory_space<vmem>>
        %dma_wait3A_137 = tpu.memref_squeeze %dma_wait3A_136 : memref<1x128xi32, #tpu.memory_space<vmem>> -> memref<128xi32, #tpu.memory_space<vmem>>
        %dma_wait3A_138 = arith.constant 0 : i32
        %dma_wait3A_139 = arith.constant 0 : i32
        %dma_wait3A_140 = tpu.memref_slice %arg2[%dma_wait3A_138, %dma_wait3A_139] : memref<10000x128xf32, #tpu.memory_space<hbm>> -> memref<10000x128xf32, #tpu.memory_space<hbm>>
        tpu.wait_indirect_dma semaphore(%arg13 : memref<!tpu.dma_semaphore, #tpu.memory_space<semaphore_mem>>) src(%dma_wait3A_140 : memref<10000x128xf32, #tpu.memory_space<hbm>>) dst(%arg9 : memref<128x128xf32, #tpu.memory_space<vmem>>)
        %run_scoped3A = arith.constant 1 : i32
        "tpu.region"() ({
          %run_scoped3A_141 = tpu.sem_alloc : memref<!tpu.dma_semaphore, #tpu.memory_space<semaphore_mem>>
          %dma_start3A_142 = arith.constant 0 : i32
          %dma_start3A_143 = tpu.memref_slice %arg7[%run_scoped3A, %dma_start3A_142] : memref<2x128xi32, #tpu.memory_space<vmem>> -> memref<1x128xi32, #tpu.memory_space<vmem>>
          %dma_start3A_144 = tpu.memref_squeeze %dma_start3A_143 : memref<1x128xi32, #tpu.memory_space<vmem>> -> memref<128xi32, #tpu.memory_space<vmem>>
          %dma_start3A_145 = arith.constant 0 : i32
          %dma_start3A_146 = arith.constant 0 : i32
          %dma_start3A_147 = tpu.memref_slice %arg6[%dma_start3A_145, %dma_start3A_146] : memref<10240x128xf32, #tpu.memory_space<vmem_shared>> -> memref<10240x128xf32, #tpu.memory_space<vmem_shared>>
          tpu.enqueue_indirect_dma source(%arg9 : memref<128x128xf32, #tpu.memory_space<vmem>>) target(%dma_start3A_147 : memref<10240x128xf32, #tpu.memory_space<vmem_shared>>) offsets(%dma_start3A_144 : memref<128xi32, #tpu.memory_space<vmem>>) semaphore(%run_scoped3A_141 : memref<!tpu.dma_semaphore, #tpu.memory_space<semaphore_mem>>) {add = true}
          %dma_wait3A_148 = arith.constant 0 : i32
          %dma_wait3A_149 = tpu.memref_slice %arg7[%run_scoped3A, %dma_wait3A_148] : memref<2x128xi32, #tpu.memory_space<vmem>> -> memref<1x128xi32, #tpu.memory_space<vmem>>
          %dma_wait3A_150 = tpu.memref_squeeze %dma_wait3A_149 : memref<1x128xi32, #tpu.memory_space<vmem>> -> memref<128xi32, #tpu.memory_space<vmem>>
          %dma_wait3A_151 = arith.constant 0 : i32
          %dma_wait3A_152 = arith.constant 0 : i32
          %dma_wait3A_153 = tpu.memref_slice %arg6[%dma_wait3A_151, %dma_wait3A_152] : memref<10240x128xf32, #tpu.memory_space<vmem_shared>> -> memref<10240x128xf32, #tpu.memory_space<vmem_shared>>
          tpu.wait_indirect_dma semaphore(%run_scoped3A_141 : memref<!tpu.dma_semaphore, #tpu.memory_space<semaphore_mem>>) src(%arg9 : memref<128x128xf32, #tpu.memory_space<vmem>>) dst(%dma_wait3A_153 : memref<10240x128xf32, #tpu.memory_space<vmem_shared>>)
          tpu.yield
        }) : () -> ()
      } else {
      }
      %lt3A_106 = arith.constant 2500 : i32
      %lt3A_107 = arith.cmpi slt, %add3A_98, %lt3A_106 : i32
      %convert_element_type3A_108 = arith.extui %lt3A_107 : i1 to i32
      %cond3A_109 = arith.constant 0 : i32
      %cond3A_110 = arith.cmpi ne, %convert_element_type3A_108, %cond3A_109 : i32
      scf.if %cond3A_110 {
        %dma_start3A_135 = arith.constant 0 : i32
        %dma_start3A_136 = arith.constant 0 : i32
        %dma_start3A_137 = tpu.memref_slice %arg3[%add3A_98, %dma_start3A_135, %dma_start3A_136] : memref<2500x2x128xi32, #tpu.memory_space<hbm>> -> memref<1x2x128xi32, #tpu.memory_space<hbm>>
        %dma_start3A_138 = tpu.memref_squeeze %dma_start3A_137 : memref<1x2x128xi32, #tpu.memory_space<hbm>> -> memref<2x128xi32, #tpu.memory_space<hbm>>
        %dma_start3A_139 = arith.constant 0 : i32
        %dma_start3A_140 = arith.constant 0 : i32
        %dma_start3A_141 = tpu.memref_slice %arg3[%add3A_98, %dma_start3A_139, %dma_start3A_140] : memref<2500x2x128xi32, #tpu.memory_space<hbm>> -> memref<1x2x128xi32, #tpu.memory_space<hbm>>
        %dma_start3A_142 = tpu.memref_squeeze %dma_start3A_141 : memref<1x2x128xi32, #tpu.memory_space<hbm>> -> memref<2x128xi32, #tpu.memory_space<hbm>>
        tpu.enqueue_dma source(%dma_start3A_142 : memref<2x128xi32, #tpu.memory_space<hbm>>) target(%arg7 : memref<2x128xi32, #tpu.memory_space<vmem>>) target_semaphore(%arg11 : memref<!tpu.dma_semaphore, #tpu.memory_space<semaphore_mem>>)
      } else {
      }
      %add3A_111 = arith.constant 1 : i32
      %add3A_112 = arith.addi %add3A_89, %add3A_111 : i32
      %mul3A_113 = arith.constant 32 : i32
      %mul3A_114 = arith.muli %add3A_112, %mul3A_113 : i32
      %add3A_115 = arith.addi %add3A, %mul3A_114 : i32
      %add3A_116 = arith.constant 32 : i32
      %add3A_117 = arith.addi %add3A_115, %add3A_116 : i32
      %add3A_118 = arith.constant 64 : i32
      %add3A_119 = arith.addi %add3A_115, %add3A_118 : i32
      %lt3A_120 = arith.constant 2500 : i32
      %lt3A_121 = arith.cmpi slt, %add3A_117, %lt3A_120 : i32
      %convert_element_type3A_122 = arith.extui %lt3A_121 : i1 to i32
      %cond3A_123 = arith.constant 0 : i32
      %cond3A_124 = arith.cmpi ne, %convert_element_type3A_122, %cond3A_123 : i32
      scf.if %cond3A_124 {
        %dma_wait3A = arith.constant 0 : i32
        %dma_wait3A_135 = arith.constant 0 : i32
        %dma_wait3A_136 = tpu.memref_slice %arg3[%add3A_117, %dma_wait3A, %dma_wait3A_135] : memref<2500x2x128xi32, #tpu.memory_space<hbm>> -> memref<1x2x128xi32, #tpu.memory_space<hbm>>
        %dma_wait3A_137 = tpu.memref_squeeze %dma_wait3A_136 : memref<1x2x128xi32, #tpu.memory_space<hbm>> -> memref<2x128xi32, #tpu.memory_space<hbm>>
        %dma_wait3A_138 = arith.constant 0 : i32
        %dma_wait3A_139 = arith.constant 0 : i32
        %dma_wait3A_140 = tpu.memref_slice %arg3[%add3A_117, %dma_wait3A_138, %dma_wait3A_139] : memref<2500x2x128xi32, #tpu.memory_space<hbm>> -> memref<1x2x128xi32, #tpu.memory_space<hbm>>
        %dma_wait3A_141 = tpu.memref_squeeze %dma_wait3A_140 : memref<1x2x128xi32, #tpu.memory_space<hbm>> -> memref<2x128xi32, #tpu.memory_space<hbm>>
        tpu.wait_dma2 semaphore(%arg11 : memref<!tpu.dma_semaphore, #tpu.memory_space<semaphore_mem>>) src(%dma_wait3A_141 : memref<2x128xi32, #tpu.memory_space<hbm>>) dst(%arg7 : memref<2x128xi32, #tpu.memory_space<vmem>>)
        %dma_start3A_142 = arith.constant 0 : i32
        %dma_start3A_143 = arith.constant 0 : i32
        %dma_start3A_144 = tpu.memref_slice %arg7[%dma_start3A_142, %dma_start3A_143] : memref<2x128xi32, #tpu.memory_space<vmem>> -> memref<1x128xi32, #tpu.memory_space<vmem>>
        %dma_start3A_145 = tpu.memref_squeeze %dma_start3A_144 : memref<1x128xi32, #tpu.memory_space<vmem>> -> memref<128xi32, #tpu.memory_space<vmem>>
        %dma_start3A_146 = arith.constant 0 : i32
        %dma_start3A_147 = arith.constant 0 : i32
        %dma_start3A_148 = tpu.memref_slice %arg2[%dma_start3A_146, %dma_start3A_147] : memref<10000x128xf32, #tpu.memory_space<hbm>> -> memref<10000x128xf32, #tpu.memory_space<hbm>>
        tpu.enqueue_indirect_dma source(%dma_start3A_148 : memref<10000x128xf32, #tpu.memory_space<hbm>>) target(%arg9 : memref<128x128xf32, #tpu.memory_space<vmem>>) offsets(%dma_start3A_145 : memref<128xi32, #tpu.memory_space<vmem>>) semaphore(%arg13 : memref<!tpu.dma_semaphore, #tpu.memory_space<semaphore_mem>>)
      } else {
      }
      %lt3A_125 = arith.constant 2500 : i32
      %lt3A_126 = arith.cmpi slt, %add3A_115, %lt3A_125 : i32
      %convert_element_type3A_127 = arith.extui %lt3A_126 : i1 to i32
      %cond3A_128 = arith.constant 0 : i32
      %cond3A_129 = arith.cmpi ne, %convert_element_type3A_127, %cond3A_128 : i32
      scf.if %cond3A_129 {
        %dma_wait3A = arith.constant 0 : i32
        %dma_wait3A_135 = arith.constant 0 : i32
        %dma_wait3A_136 = tpu.memref_slice %arg8[%dma_wait3A, %dma_wait3A_135] : memref<2x128xi32, #tpu.memory_space<vmem>> -> memref<1x128xi32, #tpu.memory_space<vmem>>
        %dma_wait3A_137 = tpu.memref_squeeze %dma_wait3A_136 : memref<1x128xi32, #tpu.memory_space<vmem>> -> memref<128xi32, #tpu.memory_space<vmem>>
        %dma_wait3A_138 = arith.constant 0 : i32
        %dma_wait3A_139 = arith.constant 0 : i32
        %dma_wait3A_140 = tpu.memref_slice %arg2[%dma_wait3A_138, %dma_wait3A_139] : memref<10000x128xf32, #tpu.memory_space<hbm>> -> memref<10000x128xf32, #tpu.memory_space<hbm>>
        tpu.wait_indirect_dma semaphore(%arg14 : memref<!tpu.dma_semaphore, #tpu.memory_space<semaphore_mem>>) src(%dma_wait3A_140 : memref<10000x128xf32, #tpu.memory_space<hbm>>) dst(%arg10 : memref<128x128xf32, #tpu.memory_space<vmem>>)
        %run_scoped3A = arith.constant 1 : i32
        "tpu.region"() ({
          %run_scoped3A_141 = tpu.sem_alloc : memref<!tpu.dma_semaphore, #tpu.memory_space<semaphore_mem>>
          %dma_start3A_142 = arith.constant 0 : i32
          %dma_start3A_143 = tpu.memref_slice %arg8[%run_scoped3A, %dma_start3A_142] : memref<2x128xi32, #tpu.memory_space<vmem>> -> memref<1x128xi32, #tpu.memory_space<vmem>>
          %dma_start3A_144 = tpu.memref_squeeze %dma_start3A_143 : memref<1x128xi32, #tpu.memory_space<vmem>> -> memref<128xi32, #tpu.memory_space<vmem>>
          %dma_start3A_145 = arith.constant 0 : i32
          %dma_start3A_146 = arith.constant 0 : i32
          %dma_start3A_147 = tpu.memref_slice %arg6[%dma_start3A_145, %dma_start3A_146] : memref<10240x128xf32, #tpu.memory_space<vmem_shared>> -> memref<10240x128xf32, #tpu.memory_space<vmem_shared>>
          tpu.enqueue_indirect_dma source(%arg10 : memref<128x128xf32, #tpu.memory_space<vmem>>) target(%dma_start3A_147 : memref<10240x128xf32, #tpu.memory_space<vmem_shared>>) offsets(%dma_start3A_144 : memref<128xi32, #tpu.memory_space<vmem>>) semaphore(%run_scoped3A_141 : memref<!tpu.dma_semaphore, #tpu.memory_space<semaphore_mem>>) {add = true}
          %dma_wait3A_148 = arith.constant 0 : i32
          %dma_wait3A_149 = tpu.memref_slice %arg8[%run_scoped3A, %dma_wait3A_148] : memref<2x128xi32, #tpu.memory_space<vmem>> -> memref<1x128xi32, #tpu.memory_space<vmem>>
          %dma_wait3A_150 = tpu.memref_squeeze %dma_wait3A_149 : memref<1x128xi32, #tpu.memory_space<vmem>> -> memref<128xi32, #tpu.memory_space<vmem>>
          %dma_wait3A_151 = arith.constant 0 : i32
          %dma_wait3A_152 = arith.constant 0 : i32
          %dma_wait3A_153 = tpu.memref_slice %arg6[%dma_wait3A_151, %dma_wait3A_152] : memref<10240x128xf32, #tpu.memory_space<vmem_shared>> -> memref<10240x128xf32, #tpu.memory_space<vmem_shared>>
          tpu.wait_indirect_dma semaphore(%run_scoped3A_141 : memref<!tpu.dma_semaphore, #tpu.memory_space<semaphore_mem>>) src(%arg10 : memref<128x128xf32, #tpu.memory_space<vmem>>) dst(%dma_wait3A_153 : memref<10240x128xf32, #tpu.memory_space<vmem_shared>>)
          tpu.yield
        }) : () -> ()
      } else {
      }
      %lt3A_130 = arith.constant 2500 : i32
      %lt3A_131 = arith.cmpi slt, %add3A_119, %lt3A_130 : i32
      %convert_element_type3A_132 = arith.extui %lt3A_131 : i1 to i32
      %cond3A_133 = arith.constant 0 : i32
      %cond3A_134 = arith.cmpi ne, %convert_element_type3A_132, %cond3A_133 : i32
      scf.if %cond3A_134 {
        %dma_start3A_135 = arith.constant 0 : i32
        %dma_start3A_136 = arith.constant 0 : i32
        %dma_start3A_137 = tpu.memref_slice %arg3[%add3A_119, %dma_start3A_135, %dma_start3A_136] : memref<2500x2x128xi32, #tpu.memory_space<hbm>> -> memref<1x2x128xi32, #tpu.memory_space<hbm>>
        %dma_start3A_138 = tpu.memref_squeeze %dma_start3A_137 : memref<1x2x128xi32, #tpu.memory_space<hbm>> -> memref<2x128xi32, #tpu.memory_space<hbm>>
        %dma_start3A_139 = arith.constant 0 : i32
        %dma_start3A_140 = arith.constant 0 : i32
        %dma_start3A_141 = tpu.memref_slice %arg3[%add3A_119, %dma_start3A_139, %dma_start3A_140] : memref<2500x2x128xi32, #tpu.memory_space<hbm>> -> memref<1x2x128xi32, #tpu.memory_space<hbm>>
        %dma_start3A_142 = tpu.memref_squeeze %dma_start3A_141 : memref<1x2x128xi32, #tpu.memory_space<hbm>> -> memref<2x128xi32, #tpu.memory_space<hbm>>
        tpu.enqueue_dma source(%dma_start3A_142 : memref<2x128xi32, #tpu.memory_space<hbm>>) target(%arg8 : memref<2x128xi32, #tpu.memory_space<vmem>>) target_semaphore(%arg12 : memref<!tpu.dma_semaphore, #tpu.memory_space<semaphore_mem>>)
      } else {
      }
    }
    %scan3A_31 = arith.constant 40 : i32
    %barrier3A_32 = arith.constant 0 : index
    tpu.barrier barrier_id(%barrier3A_32)
    %scan3A_33 = arith.constant 0 : i32
    %scan3A_34 = arith.constant 5 : i32
    %scan3A_35 = arith.addi %scan3A_33, %scan3A_34 : i32
    %scan3A_36 = arith.constant 1 : i32
    scf.for %scan3A_85 = %scan3A_33 to %scan3A_35 step %scan3A_36  : i32 {
      %mul3A_86 = arith.constant 1 : i32
      %mul3A_87 = arith.muli %scan3A_85, %mul3A_86 : i32
      %add3A_88 = arith.constant 0 : i32
      %add3A_89 = arith.addi %add3A_88, %mul3A_87 : i32
      %mul3A_90 = arith.constant 640 : i32
      %mul3A_91 = arith.muli %arg1, %mul3A_90 : i32
      %mul3A_92 = arith.constant 128 : i32
      %mul3A_93 = arith.muli %add3A_89, %mul3A_92 : i32
      %add3A_94 = arith.addi %mul3A_91, %mul3A_93 : i32
      "tpu.region"() ({
        %run_scoped3A = tpu.sem_alloc : memref<!tpu.dma_semaphore, #tpu.memory_space<semaphore_mem>>
        %dma_start3A_95 = arith.constant 0 : i32
        %dma_start3A_96 = arith.constant 0 : i32
        %dma_start3A_97 = tpu.memref_slice %arg4[%arg0, %dma_start3A_95, %dma_start3A_96] : memref<2x10240x128xf32, #tpu.memory_space<hbm>> -> memref<1x10240x128xf32, #tpu.memory_space<hbm>>
        %dma_start3A_98 = tpu.memref_squeeze %dma_start3A_97 : memref<1x10240x128xf32, #tpu.memory_space<hbm>> -> memref<10240x128xf32, #tpu.memory_space<hbm>>
        %dma_start3A_99 = arith.constant 0 : i32
        %dma_start3A_100 = tpu.memref_slice %dma_start3A_98[%add3A_94, %dma_start3A_99] : memref<10240x128xf32, #tpu.memory_space<hbm>> -> memref<128x128xf32, #tpu.memory_space<hbm>>
        %dma_start3A_101 = arith.constant 0 : i32
        %dma_start3A_102 = tpu.memref_slice %arg6[%add3A_94, %dma_start3A_101] : memref<10240x128xf32, #tpu.memory_space<vmem_shared>> -> memref<128x128xf32, #tpu.memory_space<vmem_shared>>
        tpu.enqueue_dma source(%dma_start3A_102 : memref<128x128xf32, #tpu.memory_space<vmem_shared>>) target(%dma_start3A_100 : memref<128x128xf32, #tpu.memory_space<hbm>>) target_semaphore(%run_scoped3A : memref<!tpu.dma_semaphore, #tpu.memory_space<semaphore_mem>>)
        %dma_wait3A = arith.constant 0 : i32
        %dma_wait3A_103 = arith.constant 0 : i32
        %dma_wait3A_104 = tpu.memref_slice %arg4[%arg0, %dma_wait3A, %dma_wait3A_103] : memref<2x10240x128xf32, #tpu.memory_space<hbm>> -> memref<1x10240x128xf32, #tpu.memory_space<hbm>>
        %dma_wait3A_105 = tpu.memref_squeeze %dma_wait3A_104 : memref<1x10240x128xf32, #tpu.memory_space<hbm>> -> memref<10240x128xf32, #tpu.memory_space<hbm>>
        %dma_wait3A_106 = arith.constant 0 : i32
        %dma_wait3A_107 = tpu.memref_slice %dma_wait3A_105[%add3A_94, %dma_wait3A_106] : memref<10240x128xf32, #tpu.memory_space<hbm>> -> memref<128x128xf32, #tpu.memory_space<hbm>>
        %dma_wait3A_108 = arith.constant 0 : i32
        %dma_wait3A_109 = tpu.memref_slice %arg6[%add3A_94, %dma_wait3A_108] : memref<10240x128xf32, #tpu.memory_space<vmem_shared>> -> memref<128x128xf32, #tpu.memory_space<vmem_shared>>
        tpu.wait_dma2 semaphore(%run_scoped3A : memref<!tpu.dma_semaphore, #tpu.memory_space<semaphore_mem>>) src(%dma_wait3A_109 : memref<128x128xf32, #tpu.memory_space<vmem_shared>>) dst(%dma_wait3A_107 : memref<128x128xf32, #tpu.memory_space<hbm>>)
        tpu.yield
      }) : () -> ()
    }
    %scan3A_37 = arith.constant 5 : i32
    %broadcast_in_dim3A_38 = arith.constant 1.000000e+00 : f32
    %broadcast_in_dim3A_39 = vector.broadcast %broadcast_in_dim3A_38 : f32 to vector<16xf32>
    %scan3A_40 = arith.constant 0 : i32
    %scan3A_41 = arith.constant 128 : i32
    %scan3A_42 = arith.addi %scan3A_40, %scan3A_41 : i32
    %scan3A_43 = arith.constant 1 : i32
    scf.for %scan3A_85 = %scan3A_40 to %scan3A_42 step %scan3A_43  : i32 {
      %mul3A_86 = arith.constant 1 : i32
      %mul3A_87 = arith.muli %scan3A_85, %mul3A_86 : i32
      %add3A_88 = arith.constant 0 : i32
      %add3A_89 = arith.addi %add3A_88, %mul3A_87 : i32
      %scan3A_90 = arith.constant 0 : i32
      %scan3A_91 = arith.constant 8 : i32
      %scan3A_92 = arith.addi %scan3A_90, %scan3A_91 : i32
      %scan3A_93 = arith.constant 1 : i32
      scf.for %scan3A_95 = %scan3A_90 to %scan3A_92 step %scan3A_93  : i32 {
        %mul3A_96 = arith.constant 1 : i32
        %mul3A_97 = arith.muli %scan3A_95, %mul3A_96 : i32
        %add3A_98 = arith.constant 0 : i32
        %add3A_99 = arith.addi %add3A_98, %mul3A_97 : i32
        %mul3A_100 = arith.constant 16 : i32
        %mul3A_101 = arith.muli %add3A_99, %mul3A_100 : i32
        %swap3A = arith.index_cast %add3A_89 : i32 to index
        %swap3A_102 = arith.index_cast %mul3A_101 : i32 to index
        %swap3A_103 = tpu.vector_load %arg9[%swap3A, %swap3A_102] {strides = array<i32>} : memref<128x128xf32, #tpu.memory_space<vmem>>, vector<1x16xf32>,
        %swap3A_104 = vector.shape_cast %swap3A_103 : vector<1x16xf32> to vector<16xf32>
        %swap3A_105 = vector.shape_cast %broadcast_in_dim3A_1 : vector<16xf32> to vector<1x16xf32>
        tpu.vector_store %arg9[%swap3A, %swap3A_102], %swap3A_105 {strides = array<i32>} : memref<128x128xf32, #tpu.memory_space<vmem>>, vector<1x16xf32>,
      }
      %scan3A_94 = arith.constant 8 : i32
    }
    %scan3A_44 = arith.constant 128 : i32
    %scan3A_45 = arith.constant 0 : i32
    %scan3A_46 = arith.constant 128 : i32
    %scan3A_47 = arith.addi %scan3A_45, %scan3A_46 : i32
    %scan3A_48 = arith.constant 1 : i32
    scf.for %scan3A_85 = %scan3A_45 to %scan3A_47 step %scan3A_48  : i32 {
      %mul3A_86 = arith.constant 1 : i32
      %mul3A_87 = arith.muli %scan3A_85, %mul3A_86 : i32
      %add3A_88 = arith.constant 0 : i32
      %add3A_89 = arith.addi %add3A_88, %mul3A_87 : i32
      %scan3A_90 = arith.constant 0 : i32
      %scan3A_91 = arith.constant 8 : i32
      %scan3A_92 = arith.addi %scan3A_90, %scan3A_91 : i32
      %scan3A_93 = arith.constant 1 : i32
      scf.for %scan3A_95 = %scan3A_90 to %scan3A_92 step %scan3A_93  : i32 {
        %mul3A_96 = arith.constant 1 : i32
        %mul3A_97 = arith.muli %scan3A_95, %mul3A_96 : i32
        %add3A_98 = arith.constant 0 : i32
        %add3A_99 = arith.addi %add3A_98, %mul3A_97 : i32
        %mul3A_100 = arith.constant 16 : i32
        %mul3A_101 = arith.muli %add3A_99, %mul3A_100 : i32
        %swap3A = arith.index_cast %add3A_89 : i32 to index
        %swap3A_102 = arith.index_cast %mul3A_101 : i32 to index
        %swap3A_103 = tpu.vector_load %arg10[%swap3A, %swap3A_102] {strides = array<i32>} : memref<128x128xf32, #tpu.memory_space<vmem>>, vector<1x16xf32>,
        %swap3A_104 = vector.shape_cast %swap3A_103 : vector<1x16xf32> to vector<16xf32>
        %swap3A_105 = vector.shape_cast %broadcast_in_dim3A_39 : vector<16xf32> to vector<1x16xf32>
        tpu.vector_store %arg10[%swap3A, %swap3A_102], %swap3A_105 {strides = array<i32>} : memref<128x128xf32, #tpu.memory_space<vmem>>, vector<1x16xf32>,
      }
      %scan3A_94 = arith.constant 8 : i32
    }
    %scan3A_49 = arith.constant 128 : i32
    %scan3A_50 = arith.constant 0 : i32
    %scan3A_51 = arith.constant 5 : i32
    %scan3A_52 = arith.addi %scan3A_50, %scan3A_51 : i32
    %scan3A_53 = arith.constant 1 : i32
    scf.for %scan3A_85 = %scan3A_50 to %scan3A_52 step %scan3A_53  : i32 {
      %mul3A_86 = arith.constant 1 : i32
      %mul3A_87 = arith.muli %scan3A_85, %mul3A_86 : i32
      %add3A_88 = arith.constant 0 : i32
      %add3A_89 = arith.addi %add3A_88, %mul3A_87 : i32
      %mul3A_90 = arith.constant 640 : i32
      %mul3A_91 = arith.muli %arg1, %mul3A_90 : i32
      %mul3A_92 = arith.constant 128 : i32
      %mul3A_93 = arith.muli %add3A_89, %mul3A_92 : i32
      %add3A_94 = arith.addi %mul3A_91, %mul3A_93 : i32
      "tpu.region"() ({
        %run_scoped3A = tpu.sem_alloc : memref<!tpu.dma_semaphore, #tpu.memory_space<semaphore_mem>>
        %dma_start3A_95 = arith.constant 0 : i32
        %dma_start3A_96 = tpu.memref_slice %arg6[%add3A_94, %dma_start3A_95] : memref<10240x128xf32, #tpu.memory_space<vmem_shared>> -> memref<128x128xf32, #tpu.memory_space<vmem_shared>>
        %dma_start3A_97 = arith.constant 0 : i32
        %dma_start3A_98 = tpu.memref_slice %arg6[%add3A_94, %dma_start3A_97] : memref<10240x128xf32, #tpu.memory_space<vmem_shared>> -> memref<128x128xf32, #tpu.memory_space<vmem_shared>>
        tpu.enqueue_dma source(%arg9 : memref<128x128xf32, #tpu.memory_space<vmem>>) target(%dma_start3A_98 : memref<128x128xf32, #tpu.memory_space<vmem_shared>>) target_semaphore(%run_scoped3A : memref<!tpu.dma_semaphore, #tpu.memory_space<semaphore_mem>>)
        %dma_wait3A = arith.constant 0 : i32
        %dma_wait3A_99 = tpu.memref_slice %arg6[%add3A_94, %dma_wait3A] : memref<10240x128xf32, #tpu.memory_space<vmem_shared>> -> memref<128x128xf32, #tpu.memory_space<vmem_shared>>
        %dma_wait3A_100 = arith.constant 0 : i32
        %dma_wait3A_101 = tpu.memref_slice %arg6[%add3A_94, %dma_wait3A_100] : memref<10240x128xf32, #tpu.memory_space<vmem_shared>> -> memref<128x128xf32, #tpu.memory_space<vmem_shared>>
        tpu.wait_dma2 semaphore(%run_scoped3A : memref<!tpu.dma_semaphore, #tpu.memory_space<semaphore_mem>>) src(%arg9 : memref<128x128xf32, #tpu.memory_space<vmem>>) dst(%dma_wait3A_101 : memref<128x128xf32, #tpu.memory_space<vmem_shared>>)
        tpu.yield
      }) : () -> ()
    }
    %scan3A_54 = arith.constant 5 : i32
    %barrier3A_55 = arith.constant 0 : index
    tpu.barrier barrier_id(%barrier3A_55)
    %dma_start3A_56 = arith.constant 0 : i32
    %dma_start3A_57 = arith.constant 0 : i32
    %dma_start3A_58 = tpu.memref_slice %arg3[%add3A, %dma_start3A_56, %dma_start3A_57] : memref<2500x2x128xi32, #tpu.memory_space<hbm>> -> memref<1x2x128xi32, #tpu.memory_space<hbm>>
    %dma_start3A_59 = tpu.memref_squeeze %dma_start3A_58 : memref<1x2x128xi32, #tpu.memory_space<hbm>> -> memref<2x128xi32, #tpu.memory_space<hbm>>
    %dma_start3A_60 = arith.constant 0 : i32
    %dma_start3A_61 = arith.constant 0 : i32
    %dma_start3A_62 = tpu.memref_slice %arg3[%add3A, %dma_start3A_60, %dma_start3A_61] : memref<2500x2x128xi32, #tpu.memory_space<hbm>> -> memref<1x2x128xi32, #tpu.memory_space<hbm>>
    %dma_start3A_63 = tpu.memref_squeeze %dma_start3A_62 : memref<1x2x128xi32, #tpu.memory_space<hbm>> -> memref<2x128xi32, #tpu.memory_space<hbm>>
    tpu.enqueue_dma source(%dma_start3A_63 : memref<2x128xi32, #tpu.memory_space<hbm>>) target(%arg7 : memref<2x128xi32, #tpu.memory_space<vmem>>) target_semaphore(%arg11 : memref<!tpu.dma_semaphore, #tpu.memory_space<semaphore_mem>>)
    %add3A_64 = arith.constant 32 : i32
    %add3A_65 = arith.addi %add3A, %add3A_64 : i32
    %dma_start3A_66 = arith.constant 0 : i32
    %dma_start3A_67 = arith.constant 0 : i32
    %dma_start3A_68 = tpu.memref_slice %arg3[%add3A_65, %dma_start3A_66, %dma_start3A_67] : memref<2500x2x128xi32, #tpu.memory_space<hbm>> -> memref<1x2x128xi32, #tpu.memory_space<hbm>>
    %dma_start3A_69 = tpu.memref_squeeze %dma_start3A_68 : memref<1x2x128xi32, #tpu.memory_space<hbm>> -> memref<2x128xi32, #tpu.memory_space<hbm>>
    %dma_start3A_70 = arith.constant 0 : i32
    %dma_start3A_71 = arith.constant 0 : i32
    %dma_start3A_72 = tpu.memref_slice %arg3[%add3A_65, %dma_start3A_70, %dma_start3A_71] : memref<2500x2x128xi32, #tpu.memory_space<hbm>> -> memref<1x2x128xi32, #tpu.memory_space<hbm>>
    %dma_start3A_73 = tpu.memref_squeeze %dma_start3A_72 : memref<1x2x128xi32, #tpu.memory_space<hbm>> -> memref<2x128xi32, #tpu.memory_space<hbm>>
    tpu.enqueue_dma source(%dma_start3A_73 : memref<2x128xi32, #tpu.memory_space<hbm>>) target(%arg8 : memref<2x128xi32, #tpu.memory_space<vmem>>) target_semaphore(%arg12 : memref<!tpu.dma_semaphore, #tpu.memory_space<semaphore_mem>>)
    %scan3A_74 = arith.constant 0 : i32
    %scan3A_75 = arith.constant 40 : i32
    %scan3A_76 = arith.addi %scan3A_74, %scan3A_75 : i32
    %scan3A_77 = arith.constant 1 : i32
    scf.for %scan3A_85 = %scan3A_74 to %scan3A_76 step %scan3A_77  : i32 {
      %mul3A_86 = arith.constant 2 : i32
      %mul3A_87 = arith.muli %scan3A_85, %mul3A_86 : i32
      %add3A_88 = arith.constant 0 : i32
      %add3A_89 = arith.addi %add3A_88, %mul3A_87 : i32
      %add3A_90 = arith.constant 0 : i32
      %add3A_91 = arith.addi %add3A_89, %add3A_90 : i32
      %mul3A_92 = arith.constant 32 : i32
      %mul3A_93 = arith.muli %add3A_91, %mul3A_92 : i32
      %add3A_94 = arith.addi %add3A, %mul3A_93 : i32
      %add3A_95 = arith.constant 64 : i32
      %add3A_96 = arith.addi %add3A_94, %add3A_95 : i32
      %lt3A = arith.constant 2500 : i32
      %lt3A_97 = arith.cmpi slt, %add3A_94, %lt3A : i32
      %convert_element_type3A = arith.extui %lt3A_97 : i1 to i32
      %cond3A = arith.constant 0 : i32
      %cond3A_98 = arith.cmpi ne, %convert_element_type3A, %cond3A : i32
      scf.if %cond3A_98 {
        %dma_wait3A = arith.constant 0 : i32
        %dma_wait3A_121 = arith.constant 0 : i32
        %dma_wait3A_122 = tpu.memref_slice %arg3[%add3A_94, %dma_wait3A, %dma_wait3A_121] : memref<2500x2x128xi32, #tpu.memory_space<hbm>> -> memref<1x2x128xi32, #tpu.memory_space<hbm>>
        %dma_wait3A_123 = tpu.memref_squeeze %dma_wait3A_122 : memref<1x2x128xi32, #tpu.memory_space<hbm>> -> memref<2x128xi32, #tpu.memory_space<hbm>>
        %dma_wait3A_124 = arith.constant 0 : i32
        %dma_wait3A_125 = arith.constant 0 : i32
        %dma_wait3A_126 = tpu.memref_slice %arg3[%add3A_94, %dma_wait3A_124, %dma_wait3A_125] : memref<2500x2x128xi32, #tpu.memory_space<hbm>> -> memref<1x2x128xi32, #tpu.memory_space<hbm>>
        %dma_wait3A_127 = tpu.memref_squeeze %dma_wait3A_126 : memref<1x2x128xi32, #tpu.memory_space<hbm>> -> memref<2x128xi32, #tpu.memory_space<hbm>>
        tpu.wait_dma2 semaphore(%arg11 : memref<!tpu.dma_semaphore, #tpu.memory_space<semaphore_mem>>) src(%dma_wait3A_127 : memref<2x128xi32, #tpu.memory_space<hbm>>) dst(%arg7 : memref<2x128xi32, #tpu.memory_space<vmem>>)
        %run_scoped3A = arith.constant 1 : i32
        "tpu.region"() ({
          %run_scoped3A_128 = tpu.sem_alloc : memref<!tpu.dma_semaphore, #tpu.memory_space<semaphore_mem>>
          %dma_start3A_129 = arith.constant 0 : i32
          %dma_start3A_130 = tpu.memref_slice %arg7[%run_scoped3A, %dma_start3A_129] : memref<2x128xi32, #tpu.memory_space<vmem>> -> memref<1x128xi32, #tpu.memory_space<vmem>>
          %dma_start3A_131 = tpu.memref_squeeze %dma_start3A_130 : memref<1x128xi32, #tpu.memory_space<vmem>> -> memref<128xi32, #tpu.memory_space<vmem>>
          %dma_start3A_132 = arith.constant 0 : i32
          %dma_start3A_133 = arith.constant 0 : i32
          %dma_start3A_134 = tpu.memref_slice %arg6[%dma_start3A_132, %dma_start3A_133] : memref<10240x128xf32, #tpu.memory_space<vmem_shared>> -> memref<10240x128xf32, #tpu.memory_space<vmem_shared>>
          tpu.enqueue_indirect_dma source(%arg10 : memref<128x128xf32, #tpu.memory_space<vmem>>) target(%dma_start3A_134 : memref<10240x128xf32, #tpu.memory_space<vmem_shared>>) offsets(%dma_start3A_131 : memref<128xi32, #tpu.memory_space<vmem>>) semaphore(%run_scoped3A_128 : memref<!tpu.dma_semaphore, #tpu.memory_space<semaphore_mem>>) {add = true}
          %dma_wait3A_135 = arith.constant 0 : i32
          %dma_wait3A_136 = tpu.memref_slice %arg7[%run_scoped3A, %dma_wait3A_135] : memref<2x128xi32, #tpu.memory_space<vmem>> -> memref<1x128xi32, #tpu.memory_space<vmem>>
          %dma_wait3A_137 = tpu.memref_squeeze %dma_wait3A_136 : memref<1x128xi32, #tpu.memory_space<vmem>> -> memref<128xi32, #tpu.memory_space<vmem>>
          %dma_wait3A_138 = arith.constant 0 : i32
          %dma_wait3A_139 = arith.constant 0 : i32
          %dma_wait3A_140 = tpu.memref_slice %arg6[%dma_wait3A_138, %dma_wait3A_139] : memref<10240x128xf32, #tpu.memory_space<vmem_shared>> -> memref<10240x128xf32, #tpu.memory_space<vmem_shared>>
          tpu.wait_indirect_dma semaphore(%run_scoped3A_128 : memref<!tpu.dma_semaphore, #tpu.memory_space<semaphore_mem>>) src(%arg10 : memref<128x128xf32, #tpu.memory_space<vmem>>) dst(%dma_wait3A_140 : memref<10240x128xf32, #tpu.memory_space<vmem_shared>>)
          tpu.yield
        }) : () -> ()
      } else {
      }
      %lt3A_99 = arith.constant 2500 : i32
      %lt3A_100 = arith.cmpi slt, %add3A_96, %lt3A_99 : i32
      %convert_element_type3A_101 = arith.extui %lt3A_100 : i1 to i32
      %cond3A_102 = arith.constant 0 : i32
      %cond3A_103 = arith.cmpi ne, %convert_element_type3A_101, %cond3A_102 : i32
      scf.if %cond3A_103 {
        %dma_start3A_121 = arith.constant 0 : i32
        %dma_start3A_122 = arith.constant 0 : i32
        %dma_start3A_123 = tpu.memref_slice %arg3[%add3A_96, %dma_start3A_121, %dma_start3A_122] : memref<2500x2x128xi32, #tpu.memory_space<hbm>> -> memref<1x2x128xi32, #tpu.memory_space<hbm>>
        %dma_start3A_124 = tpu.memref_squeeze %dma_start3A_123 : memref<1x2x128xi32, #tpu.memory_space<hbm>> -> memref<2x128xi32, #tpu.memory_space<hbm>>
        %dma_start3A_125 = arith.constant 0 : i32
        %dma_start3A_126 = arith.constant 0 : i32
        %dma_start3A_127 = tpu.memref_slice %arg3[%add3A_96, %dma_start3A_125, %dma_start3A_126] : memref<2500x2x128xi32, #tpu.memory_space<hbm>> -> memref<1x2x128xi32, #tpu.memory_space<hbm>>
        %dma_start3A_128 = tpu.memref_squeeze %dma_start3A_127 : memref<1x2x128xi32, #tpu.memory_space<hbm>> -> memref<2x128xi32, #tpu.memory_space<hbm>>
        tpu.enqueue_dma source(%dma_start3A_128 : memref<2x128xi32, #tpu.memory_space<hbm>>) target(%arg7 : memref<2x128xi32, #tpu.memory_space<vmem>>) target_semaphore(%arg11 : memref<!tpu.dma_semaphore, #tpu.memory_space<semaphore_mem>>)
      } else {
      }
      %add3A_104 = arith.constant 1 : i32
      %add3A_105 = arith.addi %add3A_89, %add3A_104 : i32
      %mul3A_106 = arith.constant 32 : i32
      %mul3A_107 = arith.muli %add3A_105, %mul3A_106 : i32
      %add3A_108 = arith.addi %add3A, %mul3A_107 : i32
      %add3A_109 = arith.constant 64 : i32
      %add3A_110 = arith.addi %add3A_108, %add3A_109 : i32
      %lt3A_111 = arith.constant 2500 : i32
      %lt3A_112 = arith.cmpi slt, %add3A_108, %lt3A_111 : i32
      %convert_element_type3A_113 = arith.extui %lt3A_112 : i1 to i32
      %cond3A_114 = arith.constant 0 : i32
      %cond3A_115 = arith.cmpi ne, %convert_element_type3A_113, %cond3A_114 : i32
      scf.if %cond3A_115 {
        %dma_wait3A = arith.constant 0 : i32
        %dma_wait3A_121 = arith.constant 0 : i32
        %dma_wait3A_122 = tpu.memref_slice %arg3[%add3A_108, %dma_wait3A, %dma_wait3A_121] : memref<2500x2x128xi32, #tpu.memory_space<hbm>> -> memref<1x2x128xi32, #tpu.memory_space<hbm>>
        %dma_wait3A_123 = tpu.memref_squeeze %dma_wait3A_122 : memref<1x2x128xi32, #tpu.memory_space<hbm>> -> memref<2x128xi32, #tpu.memory_space<hbm>>
        %dma_wait3A_124 = arith.constant 0 : i32
        %dma_wait3A_125 = arith.constant 0 : i32
        %dma_wait3A_126 = tpu.memref_slice %arg3[%add3A_108, %dma_wait3A_124, %dma_wait3A_125] : memref<2500x2x128xi32, #tpu.memory_space<hbm>> -> memref<1x2x128xi32, #tpu.memory_space<hbm>>
        %dma_wait3A_127 = tpu.memref_squeeze %dma_wait3A_126 : memref<1x2x128xi32, #tpu.memory_space<hbm>> -> memref<2x128xi32, #tpu.memory_space<hbm>>
        tpu.wait_dma2 semaphore(%arg12 : memref<!tpu.dma_semaphore, #tpu.memory_space<semaphore_mem>>) src(%dma_wait3A_127 : memref<2x128xi32, #tpu.memory_space<hbm>>) dst(%arg8 : memref<2x128xi32, #tpu.memory_space<vmem>>)
        %run_scoped3A = arith.constant 1 : i32
        "tpu.region"() ({
          %run_scoped3A_128 = tpu.sem_alloc : memref<!tpu.dma_semaphore, #tpu.memory_space<semaphore_mem>>
          %dma_start3A_129 = arith.constant 0 : i32
          %dma_start3A_130 = tpu.memref_slice %arg8[%run_scoped3A, %dma_start3A_129] : memref<2x128xi32, #tpu.memory_space<vmem>> -> memref<1x128xi32, #tpu.memory_space<vmem>>
          %dma_start3A_131 = tpu.memref_squeeze %dma_start3A_130 : memref<1x128xi32, #tpu.memory_space<vmem>> -> memref<128xi32, #tpu.memory_space<vmem>>
          %dma_start3A_132 = arith.constant 0 : i32
          %dma_start3A_133 = arith.constant 0 : i32
          %dma_start3A_134 = tpu.memref_slice %arg6[%dma_start3A_132, %dma_start3A_133] : memref<10240x128xf32, #tpu.memory_space<vmem_shared>> -> memref<10240x128xf32, #tpu.memory_space<vmem_shared>>
          tpu.enqueue_indirect_dma source(%arg10 : memref<128x128xf32, #tpu.memory_space<vmem>>) target(%dma_start3A_134 : memref<10240x128xf32, #tpu.memory_space<vmem_shared>>) offsets(%dma_start3A_131 : memref<128xi32, #tpu.memory_space<vmem>>) semaphore(%run_scoped3A_128 : memref<!tpu.dma_semaphore, #tpu.memory_space<semaphore_mem>>) {add = true}
          %dma_wait3A_135 = arith.constant 0 : i32
          %dma_wait3A_136 = tpu.memref_slice %arg8[%run_scoped3A, %dma_wait3A_135] : memref<2x128xi32, #tpu.memory_space<vmem>> -> memref<1x128xi32, #tpu.memory_space<vmem>>
          %dma_wait3A_137 = tpu.memref_squeeze %dma_wait3A_136 : memref<1x128xi32, #tpu.memory_space<vmem>> -> memref<128xi32, #tpu.memory_space<vmem>>
          %dma_wait3A_138 = arith.constant 0 : i32
          %dma_wait3A_139 = arith.constant 0 : i32
          %dma_wait3A_140 = tpu.memref_slice %arg6[%dma_wait3A_138, %dma_wait3A_139] : memref<10240x128xf32, #tpu.memory_space<vmem_shared>> -> memref<10240x128xf32, #tpu.memory_space<vmem_shared>>
          tpu.wait_indirect_dma semaphore(%run_scoped3A_128 : memref<!tpu.dma_semaphore, #tpu.memory_space<semaphore_mem>>) src(%arg10 : memref<128x128xf32, #tpu.memory_space<vmem>>) dst(%dma_wait3A_140 : memref<10240x128xf32, #tpu.memory_space<vmem_shared>>)
          tpu.yield
        }) : () -> ()
      } else {
      }
      %lt3A_116 = arith.constant 2500 : i32
      %lt3A_117 = arith.cmpi slt, %add3A_110, %lt3A_116 : i32
      %convert_element_type3A_118 = arith.extui %lt3A_117 : i1 to i32
      %cond3A_119 = arith.constant 0 : i32
      %cond3A_120 = arith.cmpi ne, %convert_element_type3A_118, %cond3A_119 : i32
      scf.if %cond3A_120 {
        %dma_start3A_121 = arith.constant 0 : i32
        %dma_start3A_122 = arith.constant 0 : i32
        %dma_start3A_123 = tpu.memref_slice %arg3[%add3A_110, %dma_start3A_121, %dma_start3A_122] : memref<2500x2x128xi32, #tpu.memory_space<hbm>> -> memref<1x2x128xi32, #tpu.memory_space<hbm>>
        %dma_start3A_124 = tpu.memref_squeeze %dma_start3A_123 : memref<1x2x128xi32, #tpu.memory_space<hbm>> -> memref<2x128xi32, #tpu.memory_space<hbm>>
        %dma_start3A_125 = arith.constant 0 : i32
        %dma_start3A_126 = arith.constant 0 : i32
        %dma_start3A_127 = tpu.memref_slice %arg3[%add3A_110, %dma_start3A_125, %dma_start3A_126] : memref<2500x2x128xi32, #tpu.memory_space<hbm>> -> memref<1x2x128xi32, #tpu.memory_space<hbm>>
        %dma_start3A_128 = tpu.memref_squeeze %dma_start3A_127 : memref<1x2x128xi32, #tpu.memory_space<hbm>> -> memref<2x128xi32, #tpu.memory_space<hbm>>
        tpu.enqueue_dma source(%dma_start3A_128 : memref<2x128xi32, #tpu.memory_space<hbm>>) target(%arg8 : memref<2x128xi32, #tpu.memory_space<vmem>>) target_semaphore(%arg12 : memref<!tpu.dma_semaphore, #tpu.memory_space<semaphore_mem>>)
      } else {
      }
    }
    %scan3A_78 = arith.constant 40 : i32
    %barrier3A_79 = arith.constant 0 : index
    tpu.barrier barrier_id(%barrier3A_79)
    %scan3A_80 = arith.constant 0 : i32
    %scan3A_81 = arith.constant 5 : i32
    %scan3A_82 = arith.addi %scan3A_80, %scan3A_81 : i32
    %scan3A_83 = arith.constant 1 : i32
    scf.for %scan3A_85 = %scan3A_80 to %scan3A_82 step %scan3A_83  : i32 {
      %mul3A_86 = arith.constant 1 : i32
      %mul3A_87 = arith.muli %scan3A_85, %mul3A_86 : i32
      %add3A_88 = arith.constant 0 : i32
      %add3A_89 = arith.addi %add3A_88, %mul3A_87 : i32
      %mul3A_90 = arith.constant 640 : i32
      %mul3A_91 = arith.muli %arg1, %mul3A_90 : i32
      %mul3A_92 = arith.constant 128 : i32
      %mul3A_93 = arith.muli %add3A_89, %mul3A_92 : i32
      %add3A_94 = arith.addi %mul3A_91, %mul3A_93 : i32
      "tpu.region"() ({
        %run_scoped3A = tpu.sem_alloc : memref<!tpu.dma_semaphore, #tpu.memory_space<semaphore_mem>>
        %dma_start3A_95 = arith.constant 0 : i32
        %dma_start3A_96 = arith.constant 0 : i32
        %dma_start3A_97 = tpu.memref_slice %arg5[%arg0, %dma_start3A_95, %dma_start3A_96] : memref<2x10240x128xf32, #tpu.memory_space<hbm>> -> memref<1x10240x128xf32, #tpu.memory_space<hbm>>
        %dma_start3A_98 = tpu.memref_squeeze %dma_start3A_97 : memref<1x10240x128xf32, #tpu.memory_space<hbm>> -> memref<10240x128xf32, #tpu.memory_space<hbm>>
        %dma_start3A_99 = arith.constant 0 : i32
        %dma_start3A_100 = tpu.memref_slice %dma_start3A_98[%add3A_94, %dma_start3A_99] : memref<10240x128xf32, #tpu.memory_space<hbm>> -> memref<128x128xf32, #tpu.memory_space<hbm>>
        %dma_start3A_101 = arith.constant 0 : i32
        %dma_start3A_102 = tpu.memref_slice %arg6[%add3A_94, %dma_start3A_101] : memref<10240x128xf32, #tpu.memory_space<vmem_shared>> -> memref<128x128xf32, #tpu.memory_space<vmem_shared>>
        tpu.enqueue_dma source(%dma_start3A_102 : memref<128x128xf32, #tpu.memory_space<vmem_shared>>) target(%dma_start3A_100 : memref<128x128xf32, #tpu.memory_space<hbm>>) target_semaphore(%run_scoped3A : memref<!tpu.dma_semaphore, #tpu.memory_space<semaphore_mem>>)
        %dma_wait3A = arith.constant 0 : i32
        %dma_wait3A_103 = arith.constant 0 : i32
        %dma_wait3A_104 = tpu.memref_slice %arg5[%arg0, %dma_wait3A, %dma_wait3A_103] : memref<2x10240x128xf32, #tpu.memory_space<hbm>> -> memref<1x10240x128xf32, #tpu.memory_space<hbm>>
        %dma_wait3A_105 = tpu.memref_squeeze %dma_wait3A_104 : memref<1x10240x128xf32, #tpu.memory_space<hbm>> -> memref<10240x128xf32, #tpu.memory_space<hbm>>
        %dma_wait3A_106 = arith.constant 0 : i32
        %dma_wait3A_107 = tpu.memref_slice %dma_wait3A_105[%add3A_94, %dma_wait3A_106] : memref<10240x128xf32, #tpu.memory_space<hbm>> -> memref<128x128xf32, #tpu.memory_space<hbm>>
        %dma_wait3A_108 = arith.constant 0 : i32
        %dma_wait3A_109 = tpu.memref_slice %arg6[%add3A_94, %dma_wait3A_108] : memref<10240x128xf32, #tpu.memory_space<vmem_shared>> -> memref<128x128xf32, #tpu.memory_space<vmem_shared>>
        tpu.wait_dma2 semaphore(%run_scoped3A : memref<!tpu.dma_semaphore, #tpu.memory_space<semaphore_mem>>) src(%dma_wait3A_109 : memref<128x128xf32, #tpu.memory_space<vmem_shared>>) dst(%dma_wait3A_107 : memref<128x128xf32, #tpu.memory_space<hbm>>)
        tpu.yield
      }) : () -> ()
    }
    %scan3A_84 = arith.constant 5 : i32
    return
  }
}

module attributes {stable_mosaic.version = 14 : i64} {
  func.func @_init_body(%arg0: i32, %arg1: memref<2000x32xf32, #tpu.memory_space<vmem>>, %arg2: memref<2000x64xf32, #tpu.memory_space<vmem>>, %arg3: memref<32x128xf32, #tpu.memory_space<vmem>>, %arg4: memref<1x128xf32, #tpu.memory_space<vmem>>, %arg5: memref<64x128xf32, #tpu.memory_space<vmem>>, %arg6: memref<1x128xf32, #tpu.memory_space<vmem>>, %arg7: memref<128x128xf32, #tpu.memory_space<vmem>>, %arg8: memref<1x128xf32, #tpu.memory_space<vmem>>, %arg9: memref<128x128xf32, #tpu.memory_space<vmem>>, %arg10: memref<1x128xf32, #tpu.memory_space<vmem>>, %arg11: memref<2000x128xf32, #tpu.memory_space<vmem>>) attributes {dimension_semantics = [#tpu.dimension_semantics<arbitrary>], iteration_bounds = array<i64: 5>, scalar_prefetch = 0 : i64, scratch_operands = 0 : i64, tpu.core_type = #tpu.core_type<tc>, window_params = [{transform_indices = @transform_0, window_bounds = array<i64: 2000, 32>}, {transform_indices = @transform_1, window_bounds = array<i64: 2000, 64>}, {pipeline_mode = #tpu.pipeline_mode<synchronous>, transform_indices = @transform_2, window_bounds = array<i64: 32, 128>}, {pipeline_mode = #tpu.pipeline_mode<synchronous>, transform_indices = @transform_3, window_bounds = array<i64: 1, 128>}, {pipeline_mode = #tpu.pipeline_mode<synchronous>, transform_indices = @transform_4, window_bounds = array<i64: 64, 128>}, {pipeline_mode = #tpu.pipeline_mode<synchronous>, transform_indices = @transform_5, window_bounds = array<i64: 1, 128>}, {pipeline_mode = #tpu.pipeline_mode<synchronous>, transform_indices = @transform_6, window_bounds = array<i64: 128, 128>}, {pipeline_mode = #tpu.pipeline_mode<synchronous>, transform_indices = @transform_7, window_bounds = array<i64: 1, 128>}, {pipeline_mode = #tpu.pipeline_mode<synchronous>, transform_indices = @transform_8, window_bounds = array<i64: 128, 128>}, {pipeline_mode = #tpu.pipeline_mode<synchronous>, transform_indices = @transform_9, window_bounds = array<i64: 1, 128>}, {transform_indices = @transform_10, window_bounds = array<i64: 2000, 128>}]} {
    %get3A = arith.constant 0 : index
    %get3A_0 = arith.constant 0 : index
    %get3A_1 = vector.load %arg1[%get3A, %get3A_0] : memref<2000x32xf32, #tpu.memory_space<vmem>>, vector<2000x32xf32>
    %get3A_2 = arith.constant 0 : index
    %get3A_3 = arith.constant 0 : index
    %get3A_4 = vector.load %arg3[%get3A_2, %get3A_3] : memref<32x128xf32, #tpu.memory_space<vmem>>, vector<32x128xf32>
    %dot_general3A = arith.constant dense<0.000000e+00> : vector<2000x128xf32>
    %dot_general3A_5 = tpu.matmul %get3A_1, %get3A_4, %dot_general3A {dimension_numbers = #tpu.dot_dimension_numbers<[1], [0], [0], [1], [0, 0, 1, 1], [], []>, transpose_lhs_hint = false} : vector<2000x32xf32>, vector<32x128xf32>, vector<2000x128xf32> -> vector<2000x128xf32>
    %get3A_6 = arith.constant 0 : index
    %get3A_7 = arith.constant 0 : index
    %get3A_8 = vector.load %arg4[%get3A_6, %get3A_7] : memref<1x128xf32, #tpu.memory_space<vmem>>, vector<1x128xf32>
    %add3A = vector.broadcast %get3A_8 : vector<1x128xf32> to vector<2000x128xf32>
    %add3A_9 = arith.addf %dot_general3A_5, %add3A : vector<2000x128xf32>
    %gt3A = arith.constant 0.000000e+00 : f32
    %gt3A_10 = vector.broadcast %gt3A : f32 to vector<2000x128xf32>
    %gt3A_11 = arith.cmpf ogt, %add3A_9, %gt3A_10 : vector<2000x128xf32>
    %mul3A = arith.constant 1.000000e-01 : f32
    %mul3A_12 = vector.broadcast %mul3A : f32 to vector<2000x128xf32>
    %mul3A_13 = arith.mulf %mul3A_12, %add3A_9 : vector<2000x128xf32>
    %select_n3A = arith.select %gt3A_11, %add3A_9, %mul3A_13 : vector<2000x128xi1>, vector<2000x128xf32>
    %get3A_14 = arith.constant 0 : index
    %get3A_15 = arith.constant 0 : index
    %get3A_16 = vector.load %arg2[%get3A_14, %get3A_15] : memref<2000x64xf32, #tpu.memory_space<vmem>>, vector<2000x64xf32>
    %get3A_17 = arith.constant 0 : index
    %get3A_18 = arith.constant 0 : index
    %get3A_19 = vector.load %arg5[%get3A_17, %get3A_18] : memref<64x128xf32, #tpu.memory_space<vmem>>, vector<64x128xf32>
    %dot_general3A_20 = arith.constant dense<0.000000e+00> : vector<2000x128xf32>
    %dot_general3A_21 = tpu.matmul %get3A_16, %get3A_19, %dot_general3A_20 {dimension_numbers = #tpu.dot_dimension_numbers<[1], [0], [0], [1], [0, 0, 1, 1], [], []>, transpose_lhs_hint = false} : vector<2000x64xf32>, vector<64x128xf32>, vector<2000x128xf32> -> vector<2000x128xf32>
    %get3A_22 = arith.constant 0 : index
    %get3A_23 = arith.constant 0 : index
    %get3A_24 = vector.load %arg6[%get3A_22, %get3A_23] : memref<1x128xf32, #tpu.memory_space<vmem>>, vector<1x128xf32>
    %add3A_25 = vector.broadcast %get3A_24 : vector<1x128xf32> to vector<2000x128xf32>
    %add3A_26 = arith.addf %dot_general3A_21, %add3A_25 : vector<2000x128xf32>
    %gt3A_27 = arith.constant 0.000000e+00 : f32
    %gt3A_28 = vector.broadcast %gt3A_27 : f32 to vector<2000x128xf32>
    %gt3A_29 = arith.cmpf ogt, %add3A_26, %gt3A_28 : vector<2000x128xf32>
    %mul3A_30 = arith.constant 0.00999999977 : f32
    %mul3A_31 = vector.broadcast %mul3A_30 : f32 to vector<2000x128xf32>
    %mul3A_32 = arith.mulf %mul3A_31, %add3A_26 : vector<2000x128xf32>
    %select_n3A_33 = arith.select %gt3A_29, %add3A_26, %mul3A_32 : vector<2000x128xi1>, vector<2000x128xf32>
    %get3A_34 = arith.constant 0 : index
    %get3A_35 = arith.constant 0 : index
    %get3A_36 = vector.load %arg7[%get3A_34, %get3A_35] : memref<128x128xf32, #tpu.memory_space<vmem>>, vector<128x128xf32>
    %dot_general3A_37 = arith.constant dense<0.000000e+00> : vector<2000x128xf32>
    %dot_general3A_38 = tpu.matmul %select_n3A_33, %get3A_36, %dot_general3A_37 {dimension_numbers = #tpu.dot_dimension_numbers<[1], [0], [0], [1], [0, 0, 1, 1], [], []>, transpose_lhs_hint = false} : vector<2000x128xf32>, vector<128x128xf32>, vector<2000x128xf32> -> vector<2000x128xf32>
    %get3A_39 = arith.constant 0 : index
    %get3A_40 = arith.constant 0 : index
    %get3A_41 = vector.load %arg8[%get3A_39, %get3A_40] : memref<1x128xf32, #tpu.memory_space<vmem>>, vector<1x128xf32>
    %add3A_42 = vector.broadcast %get3A_41 : vector<1x128xf32> to vector<2000x128xf32>
    %add3A_43 = arith.addf %dot_general3A_38, %add3A_42 : vector<2000x128xf32>
    %gt3A_44 = arith.constant 0.000000e+00 : f32
    %gt3A_45 = vector.broadcast %gt3A_44 : f32 to vector<2000x128xf32>
    %gt3A_46 = arith.cmpf ogt, %add3A_43, %gt3A_45 : vector<2000x128xf32>
    %mul3A_47 = arith.constant 1.000000e-01 : f32
    %mul3A_48 = vector.broadcast %mul3A_47 : f32 to vector<2000x128xf32>
    %mul3A_49 = arith.mulf %mul3A_48, %add3A_43 : vector<2000x128xf32>
    %select_n3A_50 = arith.select %gt3A_46, %add3A_43, %mul3A_49 : vector<2000x128xi1>, vector<2000x128xf32>
    %get3A_51 = arith.constant 0 : index
    %get3A_52 = arith.constant 0 : index
    %get3A_53 = vector.load %arg9[%get3A_51, %get3A_52] : memref<128x128xf32, #tpu.memory_space<vmem>>, vector<128x128xf32>
    %dot_general3A_54 = arith.constant dense<0.000000e+00> : vector<2000x128xf32>
    %dot_general3A_55 = tpu.matmul %select_n3A_50, %get3A_53, %dot_general3A_54 {dimension_numbers = #tpu.dot_dimension_numbers<[1], [0], [0], [1], [0, 0, 1, 1], [], []>, transpose_lhs_hint = false} : vector<2000x128xf32>, vector<128x128xf32>, vector<2000x128xf32> -> vector<2000x128xf32>
    %get3A_56 = arith.constant 0 : index
    %get3A_57 = arith.constant 0 : index
    %get3A_58 = vector.load %arg10[%get3A_56, %get3A_57] : memref<1x128xf32, #tpu.memory_space<vmem>>, vector<1x128xf32>
    %add3A_59 = vector.broadcast %get3A_58 : vector<1x128xf32> to vector<2000x128xf32>
    %add3A_60 = arith.addf %dot_general3A_55, %add3A_59 : vector<2000x128xf32>
    %gt3A_61 = arith.constant 0.000000e+00 : f32
    %gt3A_62 = vector.broadcast %gt3A_61 : f32 to vector<2000x128xf32>
    %gt3A_63 = arith.cmpf ogt, %add3A_60, %gt3A_62 : vector<2000x128xf32>
    %mul3A_64 = arith.constant 1.000000e-01 : f32
    %mul3A_65 = vector.broadcast %mul3A_64 : f32 to vector<2000x128xf32>
    %mul3A_66 = arith.mulf %mul3A_65, %add3A_60 : vector<2000x128xf32>
    %select_n3A_67 = arith.select %gt3A_63, %add3A_60, %mul3A_66 : vector<2000x128xi1>, vector<2000x128xf32>
    %add3A_68 = arith.addf %select_n3A, %select_n3A_67 : vector<2000x128xf32>
    %swap3A = arith.constant 0 : index
    %swap3A_69 = arith.constant 0 : index
    %swap3A_70 = vector.load %arg11[%swap3A, %swap3A_69] : memref<2000x128xf32, #tpu.memory_space<vmem>>, vector<2000x128xf32>
    tpu.vector_store %arg11[%swap3A, %swap3A_69], %add3A_68 {strides = array<i32>} : memref<2000x128xf32, #tpu.memory_space<vmem>>, vector<2000x128xf32>,
    return
  }
  func.func @transform_0(%arg0: i32) -> (i32, i32) {
    %c0_i32 = arith.constant 0 : i32
    %c0_i32_0 = arith.constant 0 : i32
    return %arg0, %c0_i32 : i32, i32
  }
  func.func @transform_1(%arg0: i32) -> (i32, i32) {
    %c0_i32 = arith.constant 0 : i32
    %c0_i32_0 = arith.constant 0 : i32
    return %arg0, %c0_i32 : i32, i32
  }
  func.func @transform_2(%arg0: i32) -> (i32, i32) {
    %c0_i32 = arith.constant 0 : i32
    %c0_i32_0 = arith.constant 0 : i32
    %c0_i32_1 = arith.constant 0 : i32
    return %c0_i32, %c0_i32_0 : i32, i32
  }
  func.func @transform_3(%arg0: i32) -> (i32, i32) {
    %c0_i32 = arith.constant 0 : i32
    %c0_i32_0 = arith.constant 0 : i32
    %c0_i32_1 = arith.constant 0 : i32
    return %c0_i32, %c0_i32_0 : i32, i32
  }
  func.func @transform_4(%arg0: i32) -> (i32, i32) {
    %c0_i32 = arith.constant 0 : i32
    %c0_i32_0 = arith.constant 0 : i32
    %c0_i32_1 = arith.constant 0 : i32
    return %c0_i32, %c0_i32_0 : i32, i32
  }
  func.func @transform_5(%arg0: i32) -> (i32, i32) {
    %c0_i32 = arith.constant 0 : i32
    %c0_i32_0 = arith.constant 0 : i32
    %c0_i32_1 = arith.constant 0 : i32
    return %c0_i32, %c0_i32_0 : i32, i32
  }
  func.func @transform_6(%arg0: i32) -> (i32, i32) {
    %c0_i32 = arith.constant 0 : i32
    %c0_i32_0 = arith.constant 0 : i32
    %c0_i32_1 = arith.constant 0 : i32
    return %c0_i32, %c0_i32_0 : i32, i32
  }
  func.func @transform_7(%arg0: i32) -> (i32, i32) {
    %c0_i32 = arith.constant 0 : i32
    %c0_i32_0 = arith.constant 0 : i32
    %c0_i32_1 = arith.constant 0 : i32
    return %c0_i32, %c0_i32_0 : i32, i32
  }
  func.func @transform_8(%arg0: i32) -> (i32, i32) {
    %c0_i32 = arith.constant 0 : i32
    %c0_i32_0 = arith.constant 0 : i32
    %c0_i32_1 = arith.constant 0 : i32
    return %c0_i32, %c0_i32_0 : i32, i32
  }
  func.func @transform_9(%arg0: i32) -> (i32, i32) {
    %c0_i32 = arith.constant 0 : i32
    %c0_i32_0 = arith.constant 0 : i32
    %c0_i32_1 = arith.constant 0 : i32
    return %c0_i32, %c0_i32_0 : i32, i32
  }
  func.func @transform_10(%arg0: i32) -> (i32, i32) {
    %c0_i32 = arith.constant 0 : i32
    %c0_i32_0 = arith.constant 0 : i32
    return %arg0, %c0_i32 : i32, i32
  }
}

module attributes {stable_mosaic.version = 14 : i64} {
  func.func @_layer_body(%arg0: i32, %arg1: memref<2000x128xf32, #tpu.memory_space<vmem>>, %arg2: memref<2x2000x128xf32, #tpu.memory_space<vmem>>, %arg3: memref<2x2000x128xf32, #tpu.memory_space<vmem>>, %arg4: memref<128x128xf32, #tpu.memory_space<vmem>>, %arg5: memref<128x128xf32, #tpu.memory_space<vmem>>, %arg6: memref<1x128xf32, #tpu.memory_space<vmem>>, %arg7: memref<128x128xf32, #tpu.memory_space<vmem>>, %arg8: memref<1x128xf32, #tpu.memory_space<vmem>>, %arg9: memref<2000x128xf32, #tpu.memory_space<vmem>>) attributes {dimension_semantics = [#tpu.dimension_semantics<arbitrary>], iteration_bounds = array<i64: 5>, scalar_prefetch = 0 : i64, scratch_operands = 0 : i64, tpu.core_type = #tpu.core_type<tc>, window_params = [{transform_indices = @transform_0, window_bounds = array<i64: 2000, 128>}, {transform_indices = @transform_1, window_bounds = array<i64: 2, 2000, 128>}, {transform_indices = @transform_2, window_bounds = array<i64: 2, 2000, 128>}, {pipeline_mode = #tpu.pipeline_mode<synchronous>, transform_indices = @transform_3, window_bounds = array<i64: 128, 128>}, {pipeline_mode = #tpu.pipeline_mode<synchronous>, transform_indices = @transform_4, window_bounds = array<i64: 128, 128>}, {pipeline_mode = #tpu.pipeline_mode<synchronous>, transform_indices = @transform_5, window_bounds = array<i64: 1, 128>}, {pipeline_mode = #tpu.pipeline_mode<synchronous>, transform_indices = @transform_6, window_bounds = array<i64: 128, 128>}, {pipeline_mode = #tpu.pipeline_mode<synchronous>, transform_indices = @transform_7, window_bounds = array<i64: 1, 128>}, {transform_indices = @transform_8, window_bounds = array<i64: 2000, 128>}]} {
    %get3A = arith.constant 0 : index
    %get3A_0 = arith.constant 0 : index
    %get3A_1 = arith.constant 0 : index
    %get3A_2 = vector.load %arg3[%get3A, %get3A_0, %get3A_1] : memref<2x2000x128xf32, #tpu.memory_space<vmem>>, vector<1x2000x1xf32>
    %get3A_3 = vector.shape_cast %get3A_2 : vector<1x2000x1xf32> to vector<2000x1xf32>
    %get3A_4 = arith.constant 1 : index
    %get3A_5 = arith.constant 0 : index
    %get3A_6 = arith.constant 0 : index
    %get3A_7 = vector.load %arg3[%get3A_4, %get3A_5, %get3A_6] : memref<2x2000x128xf32, #tpu.memory_space<vmem>>, vector<1x2000x1xf32>
    %get3A_8 = vector.shape_cast %get3A_7 : vector<1x2000x1xf32> to vector<2000x1xf32>
    %add3A = arith.addf %get3A_3, %get3A_8 : vector<2000x1xf32>
    %max3A = arith.constant 1.000000e+00 : f32
    %max3A_9 = vector.broadcast %max3A : f32 to vector<2000x1xf32>
    %max3A_10 = arith.maximumf %add3A, %max3A_9 : vector<2000x1xf32>
    %div3A = arith.constant 1.000000e+00 : f32
    %div3A_11 = vector.broadcast %div3A : f32 to vector<2000x1xf32>
    %div3A_12 = arith.divf %div3A_11, %max3A_10 : vector<2000x1xf32>
    %get3A_13 = arith.constant 0 : index
    %get3A_14 = arith.constant 0 : index
    %get3A_15 = arith.constant 0 : index
    %get3A_16 = vector.load %arg2[%get3A_13, %get3A_14, %get3A_15] : memref<2x2000x128xf32, #tpu.memory_space<vmem>>, vector<1x2000x128xf32>
    %get3A_17 = vector.shape_cast %get3A_16 : vector<1x2000x128xf32> to vector<2000x128xf32>
    %get3A_18 = arith.constant 1 : index
    %get3A_19 = arith.constant 0 : index
    %get3A_20 = arith.constant 0 : index
    %get3A_21 = vector.load %arg2[%get3A_18, %get3A_19, %get3A_20] : memref<2x2000x128xf32, #tpu.memory_space<vmem>>, vector<1x2000x128xf32>
    %get3A_22 = vector.shape_cast %get3A_21 : vector<1x2000x128xf32> to vector<2000x128xf32>
    %add3A_23 = arith.addf %get3A_17, %get3A_22 : vector<2000x128xf32>
    %mul3A = vector.broadcast %div3A_12 : vector<2000x1xf32> to vector<2000x128xf32>
    %mul3A_24 = arith.mulf %add3A_23, %mul3A : vector<2000x128xf32>
    %get3A_25 = arith.constant 0 : index
    %get3A_26 = arith.constant 0 : index
    %get3A_27 = vector.load %arg1[%get3A_25, %get3A_26] : memref<2000x128xf32, #tpu.memory_space<vmem>>, vector<2000x128xf32>
    %get3A_28 = arith.constant 0 : index
    %get3A_29 = arith.constant 0 : index
    %get3A_30 = vector.load %arg4[%get3A_28, %get3A_29] : memref<128x128xf32, #tpu.memory_space<vmem>>, vector<128x128xf32>
    %dot_general3A = arith.constant dense<0.000000e+00> : vector<2000x128xf32>
    %dot_general3A_31 = tpu.matmul %get3A_27, %get3A_30, %dot_general3A {dimension_numbers = #tpu.dot_dimension_numbers<[1], [0], [0], [1], [0, 0, 1, 1], [], []>, transpose_lhs_hint = false} : vector<2000x128xf32>, vector<128x128xf32>, vector<2000x128xf32> -> vector<2000x128xf32>
    %get3A_32 = arith.constant 0 : index
    %get3A_33 = arith.constant 0 : index
    %get3A_34 = vector.load %arg5[%get3A_32, %get3A_33] : memref<128x128xf32, #tpu.memory_space<vmem>>, vector<128x128xf32>
    %dot_general3A_35 = arith.constant dense<0.000000e+00> : vector<2000x128xf32>
    %dot_general3A_36 = tpu.matmul %mul3A_24, %get3A_34, %dot_general3A_35 {dimension_numbers = #tpu.dot_dimension_numbers<[1], [0], [0], [1], [0, 0, 1, 1], [], []>, transpose_lhs_hint = false} : vector<2000x128xf32>, vector<128x128xf32>, vector<2000x128xf32> -> vector<2000x128xf32>
    %add3A_37 = arith.addf %dot_general3A_31, %dot_general3A_36 : vector<2000x128xf32>
    %get3A_38 = arith.constant 0 : index
    %get3A_39 = arith.constant 0 : index
    %get3A_40 = vector.load %arg6[%get3A_38, %get3A_39] : memref<1x128xf32, #tpu.memory_space<vmem>>, vector<1x128xf32>
    %add3A_41 = vector.broadcast %get3A_40 : vector<1x128xf32> to vector<2000x128xf32>
    %add3A_42 = arith.addf %add3A_37, %add3A_41 : vector<2000x128xf32>
    %gt3A = arith.constant 0.000000e+00 : f32
    %gt3A_43 = vector.broadcast %gt3A : f32 to vector<2000x128xf32>
    %gt3A_44 = arith.cmpf ogt, %add3A_42, %gt3A_43 : vector<2000x128xf32>
    %mul3A_45 = arith.constant 1.000000e-01 : f32
    %mul3A_46 = vector.broadcast %mul3A_45 : f32 to vector<2000x128xf32>
    %mul3A_47 = arith.mulf %mul3A_46, %add3A_42 : vector<2000x128xf32>
    %select_n3A = arith.select %gt3A_44, %add3A_42, %mul3A_47 : vector<2000x128xi1>, vector<2000x128xf32>
    %get3A_48 = arith.constant 0 : index
    %get3A_49 = arith.constant 0 : index
    %get3A_50 = vector.load %arg7[%get3A_48, %get3A_49] : memref<128x128xf32, #tpu.memory_space<vmem>>, vector<128x128xf32>
    %dot_general3A_51 = arith.constant dense<0.000000e+00> : vector<2000x128xf32>
    %dot_general3A_52 = tpu.matmul %select_n3A, %get3A_50, %dot_general3A_51 {dimension_numbers = #tpu.dot_dimension_numbers<[1], [0], [0], [1], [0, 0, 1, 1], [], []>, transpose_lhs_hint = false} : vector<2000x128xf32>, vector<128x128xf32>, vector<2000x128xf32> -> vector<2000x128xf32>
    %get3A_53 = arith.constant 0 : index
    %get3A_54 = arith.constant 0 : index
    %get3A_55 = vector.load %arg8[%get3A_53, %get3A_54] : memref<1x128xf32, #tpu.memory_space<vmem>>, vector<1x128xf32>
    %add3A_56 = vector.broadcast %get3A_55 : vector<1x128xf32> to vector<2000x128xf32>
    %add3A_57 = arith.addf %dot_general3A_52, %add3A_56 : vector<2000x128xf32>
    %gt3A_58 = arith.constant 0.000000e+00 : f32
    %gt3A_59 = vector.broadcast %gt3A_58 : f32 to vector<2000x128xf32>
    %gt3A_60 = arith.cmpf ogt, %add3A_57, %gt3A_59 : vector<2000x128xf32>
    %mul3A_61 = arith.constant 1.000000e-01 : f32
    %mul3A_62 = vector.broadcast %mul3A_61 : f32 to vector<2000x128xf32>
    %mul3A_63 = arith.mulf %mul3A_62, %add3A_57 : vector<2000x128xf32>
    %select_n3A_64 = arith.select %gt3A_60, %add3A_57, %mul3A_63 : vector<2000x128xi1>, vector<2000x128xf32>
    %swap3A = arith.constant 0 : index
    %swap3A_65 = arith.constant 0 : index
    %swap3A_66 = vector.load %arg9[%swap3A, %swap3A_65] : memref<2000x128xf32, #tpu.memory_space<vmem>>, vector<2000x128xf32>
    tpu.vector_store %arg9[%swap3A, %swap3A_65], %select_n3A_64 {strides = array<i32>} : memref<2000x128xf32, #tpu.memory_space<vmem>>, vector<2000x128xf32>,
    return
  }
  func.func @transform_0(%arg0: i32) -> (i32, i32) {
    %c0_i32 = arith.constant 0 : i32
    %c0_i32_0 = arith.constant 0 : i32
    return %arg0, %c0_i32 : i32, i32
  }
  func.func @transform_1(%arg0: i32) -> (i32, i32, i32) {
    %c0_i32 = arith.constant 0 : i32
    %c0_i32_0 = arith.constant 0 : i32
    %c0_i32_1 = arith.constant 0 : i32
    return %c0_i32, %arg0, %c0_i32_0 : i32, i32, i32
  }
  func.func @transform_2(%arg0: i32) -> (i32, i32, i32) {
    %c0_i32 = arith.constant 0 : i32
    %c0_i32_0 = arith.constant 0 : i32
    %c0_i32_1 = arith.constant 0 : i32
    return %c0_i32, %arg0, %c0_i32_0 : i32, i32, i32
  }
  func.func @transform_3(%arg0: i32) -> (i32, i32) {
    %c0_i32 = arith.constant 0 : i32
    %c0_i32_0 = arith.constant 0 : i32
    %c0_i32_1 = arith.constant 0 : i32
    return %c0_i32, %c0_i32_0 : i32, i32
  }
  func.func @transform_4(%arg0: i32) -> (i32, i32) {
    %c0_i32 = arith.constant 0 : i32
    %c0_i32_0 = arith.constant 0 : i32
    %c0_i32_1 = arith.constant 0 : i32
    return %c0_i32, %c0_i32_0 : i32, i32
  }
  func.func @transform_5(%arg0: i32) -> (i32, i32) {
    %c0_i32 = arith.constant 0 : i32
    %c0_i32_0 = arith.constant 0 : i32
    %c0_i32_1 = arith.constant 0 : i32
    return %c0_i32, %c0_i32_0 : i32, i32
  }
  func.func @transform_6(%arg0: i32) -> (i32, i32) {
    %c0_i32 = arith.constant 0 : i32
    %c0_i32_0 = arith.constant 0 : i32
    %c0_i32_1 = arith.constant 0 : i32
    return %c0_i32, %c0_i32_0 : i32, i32
  }
  func.func @transform_7(%arg0: i32) -> (i32, i32) {
    %c0_i32 = arith.constant 0 : i32
    %c0_i32_0 = arith.constant 0 : i32
    %c0_i32_1 = arith.constant 0 : i32
    return %c0_i32, %c0_i32_0 : i32, i32
  }
  func.func @transform_8(%arg0: i32) -> (i32, i32) {
    %c0_i32 = arith.constant 0 : i32
    %c0_i32_0 = arith.constant 0 : i32
    return %arg0, %c0_i32 : i32, i32
  }
}

module attributes {stable_mosaic.version = 14 : i64} {
  func.func @_layer_body(%arg0: i32, %arg1: memref<2000x128xf32, #tpu.memory_space<vmem>>, %arg2: memref<2x2000x128xf32, #tpu.memory_space<vmem>>, %arg3: memref<2x2000x128xf32, #tpu.memory_space<vmem>>, %arg4: memref<128x128xf32, #tpu.memory_space<vmem>>, %arg5: memref<128x128xf32, #tpu.memory_space<vmem>>, %arg6: memref<1x128xf32, #tpu.memory_space<vmem>>, %arg7: memref<128x128xf32, #tpu.memory_space<vmem>>, %arg8: memref<1x128xf32, #tpu.memory_space<vmem>>, %arg9: memref<2000x128xf32, #tpu.memory_space<vmem>>) attributes {dimension_semantics = [#tpu.dimension_semantics<arbitrary>], iteration_bounds = array<i64: 5>, scalar_prefetch = 0 : i64, scratch_operands = 0 : i64, tpu.core_type = #tpu.core_type<tc>, window_params = [{transform_indices = @transform_0, window_bounds = array<i64: 2000, 128>}, {transform_indices = @transform_1, window_bounds = array<i64: 2, 2000, 128>}, {transform_indices = @transform_2, window_bounds = array<i64: 2, 2000, 128>}, {pipeline_mode = #tpu.pipeline_mode<synchronous>, transform_indices = @transform_3, window_bounds = array<i64: 128, 128>}, {pipeline_mode = #tpu.pipeline_mode<synchronous>, transform_indices = @transform_4, window_bounds = array<i64: 128, 128>}, {pipeline_mode = #tpu.pipeline_mode<synchronous>, transform_indices = @transform_5, window_bounds = array<i64: 1, 128>}, {pipeline_mode = #tpu.pipeline_mode<synchronous>, transform_indices = @transform_6, window_bounds = array<i64: 128, 128>}, {pipeline_mode = #tpu.pipeline_mode<synchronous>, transform_indices = @transform_7, window_bounds = array<i64: 1, 128>}, {transform_indices = @transform_8, window_bounds = array<i64: 2000, 128>}]} {
    %get3A = arith.constant 0 : index
    %get3A_0 = arith.constant 0 : index
    %get3A_1 = arith.constant 0 : index
    %get3A_2 = vector.load %arg3[%get3A, %get3A_0, %get3A_1] : memref<2x2000x128xf32, #tpu.memory_space<vmem>>, vector<1x2000x1xf32>
    %get3A_3 = vector.shape_cast %get3A_2 : vector<1x2000x1xf32> to vector<2000x1xf32>
    %get3A_4 = arith.constant 1 : index
    %get3A_5 = arith.constant 0 : index
    %get3A_6 = arith.constant 0 : index
    %get3A_7 = vector.load %arg3[%get3A_4, %get3A_5, %get3A_6] : memref<2x2000x128xf32, #tpu.memory_space<vmem>>, vector<1x2000x1xf32>
    %get3A_8 = vector.shape_cast %get3A_7 : vector<1x2000x1xf32> to vector<2000x1xf32>
    %add3A = arith.addf %get3A_3, %get3A_8 : vector<2000x1xf32>
    %max3A = arith.constant 1.000000e+00 : f32
    %max3A_9 = vector.broadcast %max3A : f32 to vector<2000x1xf32>
    %max3A_10 = arith.maximumf %add3A, %max3A_9 : vector<2000x1xf32>
    %div3A = arith.constant 1.000000e+00 : f32
    %div3A_11 = vector.broadcast %div3A : f32 to vector<2000x1xf32>
    %div3A_12 = arith.divf %div3A_11, %max3A_10 : vector<2000x1xf32>
    %get3A_13 = arith.constant 0 : index
    %get3A_14 = arith.constant 0 : index
    %get3A_15 = arith.constant 0 : index
    %get3A_16 = vector.load %arg2[%get3A_13, %get3A_14, %get3A_15] : memref<2x2000x128xf32, #tpu.memory_space<vmem>>, vector<1x2000x128xf32>
    %get3A_17 = vector.shape_cast %get3A_16 : vector<1x2000x128xf32> to vector<2000x128xf32>
    %get3A_18 = arith.constant 1 : index
    %get3A_19 = arith.constant 0 : index
    %get3A_20 = arith.constant 0 : index
    %get3A_21 = vector.load %arg2[%get3A_18, %get3A_19, %get3A_20] : memref<2x2000x128xf32, #tpu.memory_space<vmem>>, vector<1x2000x128xf32>
    %get3A_22 = vector.shape_cast %get3A_21 : vector<1x2000x128xf32> to vector<2000x128xf32>
    %add3A_23 = arith.addf %get3A_17, %get3A_22 : vector<2000x128xf32>
    %mul3A = vector.broadcast %div3A_12 : vector<2000x1xf32> to vector<2000x128xf32>
    %mul3A_24 = arith.mulf %add3A_23, %mul3A : vector<2000x128xf32>
    %get3A_25 = arith.constant 0 : index
    %get3A_26 = arith.constant 0 : index
    %get3A_27 = vector.load %arg1[%get3A_25, %get3A_26] : memref<2000x128xf32, #tpu.memory_space<vmem>>, vector<2000x128xf32>
    %get3A_28 = arith.constant 0 : index
    %get3A_29 = arith.constant 0 : index
    %get3A_30 = vector.load %arg4[%get3A_28, %get3A_29] : memref<128x128xf32, #tpu.memory_space<vmem>>, vector<128x128xf32>
    %dot_general3A = arith.constant dense<0.000000e+00> : vector<2000x128xf32>
    %dot_general3A_31 = tpu.matmul %get3A_27, %get3A_30, %dot_general3A {dimension_numbers = #tpu.dot_dimension_numbers<[1], [0], [0], [1], [0, 0, 1, 1], [], []>, transpose_lhs_hint = false} : vector<2000x128xf32>, vector<128x128xf32>, vector<2000x128xf32> -> vector<2000x128xf32>
    %get3A_32 = arith.constant 0 : index
    %get3A_33 = arith.constant 0 : index
    %get3A_34 = vector.load %arg5[%get3A_32, %get3A_33] : memref<128x128xf32, #tpu.memory_space<vmem>>, vector<128x128xf32>
    %dot_general3A_35 = arith.constant dense<0.000000e+00> : vector<2000x128xf32>
    %dot_general3A_36 = tpu.matmul %mul3A_24, %get3A_34, %dot_general3A_35 {dimension_numbers = #tpu.dot_dimension_numbers<[1], [0], [0], [1], [0, 0, 1, 1], [], []>, transpose_lhs_hint = false} : vector<2000x128xf32>, vector<128x128xf32>, vector<2000x128xf32> -> vector<2000x128xf32>
    %add3A_37 = arith.addf %dot_general3A_31, %dot_general3A_36 : vector<2000x128xf32>
    %get3A_38 = arith.constant 0 : index
    %get3A_39 = arith.constant 0 : index
    %get3A_40 = vector.load %arg6[%get3A_38, %get3A_39] : memref<1x128xf32, #tpu.memory_space<vmem>>, vector<1x128xf32>
    %add3A_41 = vector.broadcast %get3A_40 : vector<1x128xf32> to vector<2000x128xf32>
    %add3A_42 = arith.addf %add3A_37, %add3A_41 : vector<2000x128xf32>
    %gt3A = arith.constant 0.000000e+00 : f32
    %gt3A_43 = vector.broadcast %gt3A : f32 to vector<2000x128xf32>
    %gt3A_44 = arith.cmpf ogt, %add3A_42, %gt3A_43 : vector<2000x128xf32>
    %mul3A_45 = arith.constant 1.000000e-01 : f32
    %mul3A_46 = vector.broadcast %mul3A_45 : f32 to vector<2000x128xf32>
    %mul3A_47 = arith.mulf %mul3A_46, %add3A_42 : vector<2000x128xf32>
    %select_n3A = arith.select %gt3A_44, %add3A_42, %mul3A_47 : vector<2000x128xi1>, vector<2000x128xf32>
    %get3A_48 = arith.constant 0 : index
    %get3A_49 = arith.constant 0 : index
    %get3A_50 = vector.load %arg7[%get3A_48, %get3A_49] : memref<128x128xf32, #tpu.memory_space<vmem>>, vector<128x128xf32>
    %dot_general3A_51 = arith.constant dense<0.000000e+00> : vector<2000x128xf32>
    %dot_general3A_52 = tpu.matmul %select_n3A, %get3A_50, %dot_general3A_51 {dimension_numbers = #tpu.dot_dimension_numbers<[1], [0], [0], [1], [0, 0, 1, 1], [], []>, transpose_lhs_hint = false} : vector<2000x128xf32>, vector<128x128xf32>, vector<2000x128xf32> -> vector<2000x128xf32>
    %get3A_53 = arith.constant 0 : index
    %get3A_54 = arith.constant 0 : index
    %get3A_55 = vector.load %arg8[%get3A_53, %get3A_54] : memref<1x128xf32, #tpu.memory_space<vmem>>, vector<1x128xf32>
    %add3A_56 = vector.broadcast %get3A_55 : vector<1x128xf32> to vector<2000x128xf32>
    %add3A_57 = arith.addf %dot_general3A_52, %add3A_56 : vector<2000x128xf32>
    %gt3A_58 = arith.constant 0.000000e+00 : f32
    %gt3A_59 = vector.broadcast %gt3A_58 : f32 to vector<2000x128xf32>
    %gt3A_60 = arith.cmpf ogt, %add3A_57, %gt3A_59 : vector<2000x128xf32>
    %mul3A_61 = arith.constant 1.000000e-01 : f32
    %mul3A_62 = vector.broadcast %mul3A_61 : f32 to vector<2000x128xf32>
    %mul3A_63 = arith.mulf %mul3A_62, %add3A_57 : vector<2000x128xf32>
    %select_n3A_64 = arith.select %gt3A_60, %add3A_57, %mul3A_63 : vector<2000x128xi1>, vector<2000x128xf32>
    %mul3A_65 = arith.mulf %select_n3A_64, %select_n3A_64 : vector<2000x128xf32>
    %reduce_sum3A = arith.constant dense<0.000000e+00> : vector<2000xf32>
    %reduce_sum3A_66 = vector.multi_reduction <add>, %mul3A_65, %reduce_sum3A [1] : vector<2000x128xf32> to vector<2000xf32>
    %broadcast_in_dim3A = vector.shape_cast %reduce_sum3A_66 : vector<2000xf32> to vector<2000x1xf32>
    %sqrt3A = math.sqrt %broadcast_in_dim3A : vector<2000x1xf32>
    %max3A_67 = arith.constant 9.99999997E-7 : f32
    %max3A_68 = vector.broadcast %max3A_67 : f32 to vector<2000x1xf32>
    %max3A_69 = arith.maximumf %sqrt3A, %max3A_68 : vector<2000x1xf32>
    %div3A_70 = vector.broadcast %max3A_69 : vector<2000x1xf32> to vector<2000x128xf32>
    %div3A_71 = arith.divf %select_n3A_64, %div3A_70 : vector<2000x128xf32>
    %swap3A = arith.constant 0 : index
    %swap3A_72 = arith.constant 0 : index
    %swap3A_73 = vector.load %arg9[%swap3A, %swap3A_72] : memref<2000x128xf32, #tpu.memory_space<vmem>>, vector<2000x128xf32>
    tpu.vector_store %arg9[%swap3A, %swap3A_72], %div3A_71 {strides = array<i32>} : memref<2000x128xf32, #tpu.memory_space<vmem>>, vector<2000x128xf32>,
    return
  }
  func.func @transform_0(%arg0: i32) -> (i32, i32) {
    %c0_i32 = arith.constant 0 : i32
    %c0_i32_0 = arith.constant 0 : i32
    return %arg0, %c0_i32 : i32, i32
  }
  func.func @transform_1(%arg0: i32) -> (i32, i32, i32) {
    %c0_i32 = arith.constant 0 : i32
    %c0_i32_0 = arith.constant 0 : i32
    %c0_i32_1 = arith.constant 0 : i32
    return %c0_i32, %arg0, %c0_i32_0 : i32, i32, i32
  }
  func.func @transform_2(%arg0: i32) -> (i32, i32, i32) {
    %c0_i32 = arith.constant 0 : i32
    %c0_i32_0 = arith.constant 0 : i32
    %c0_i32_1 = arith.constant 0 : i32
    return %c0_i32, %arg0, %c0_i32_0 : i32, i32, i32
  }
  func.func @transform_3(%arg0: i32) -> (i32, i32) {
    %c0_i32 = arith.constant 0 : i32
    %c0_i32_0 = arith.constant 0 : i32
    %c0_i32_1 = arith.constant 0 : i32
    return %c0_i32, %c0_i32_0 : i32, i32
  }
  func.func @transform_4(%arg0: i32) -> (i32, i32) {
    %c0_i32 = arith.constant 0 : i32
    %c0_i32_0 = arith.constant 0 : i32
    %c0_i32_1 = arith.constant 0 : i32
    return %c0_i32, %c0_i32_0 : i32, i32
  }
  func.func @transform_5(%arg0: i32) -> (i32, i32) {
    %c0_i32 = arith.constant 0 : i32
    %c0_i32_0 = arith.constant 0 : i32
    %c0_i32_1 = arith.constant 0 : i32
    return %c0_i32, %c0_i32_0 : i32, i32
  }
  func.func @transform_6(%arg0: i32) -> (i32, i32) {
    %c0_i32 = arith.constant 0 : i32
    %c0_i32_0 = arith.constant 0 : i32
    %c0_i32_1 = arith.constant 0 : i32
    return %c0_i32, %c0_i32_0 : i32, i32
  }
  func.func @transform_7(%arg0: i32) -> (i32, i32) {
    %c0_i32 = arith.constant 0 : i32
    %c0_i32_0 = arith.constant 0 : i32
    %c0_i32_1 = arith.constant 0 : i32
    return %c0_i32, %c0_i32_0 : i32, i32
  }
  func.func @transform_8(%arg0: i32) -> (i32, i32) {
    %c0_i32 = arith.constant 0 : i32
    %c0_i32_0 = arith.constant 0 : i32
    return %arg0, %c0_i32 : i32, i32
  }
}

</mosaic_0001>

<sc_bundles>
// kernel: kernel.12.cloned.1.call-start
scs
__scs_entry_jumppad:
0x0: {  	(pc) =	sbr.rel $0x88, $3  }
0x1: {  	(tag) =	ssettag $0x0;
	lr =	simm.s32 $0x1  }
0x2: {  	[smem:$0x3F92] =	sst lr;
	_ =	strace $0xD0000000  }
0x3: {  	_ = 	snop  }
0x4: {  	_ = 	snop  }
0x5: {  	_ = 	snop  }
0x6: {  	_ = 	snop  }
0x7: {  	_ = 	snop  }
__scs_overlays_trampoline_lowered:
0x8: {  	[smem:$0x3FA1] =	sst s0  }
0x9: {  	[smem:$0x3FA2] =	sst s1  }
0xa: {  	[smem:$0x3FA3] =	sst s2  }
0xb: {  	[smem:$0x3FA4] =	sst s3  }
0xc: {  	[smem:$0x3FA5] =	sst s4  }
0xd: {  	[smem:$0x3FA6] =	sst s5  }
0xe: {  	[smem:$0x3FA7] =	sst s6  }
0xf: {  	[smem:$0x3FA8] =	sst s7  }
0x10: {  	[smem:$0x3FA9] =	sst s8  }
0x11: {  	[smem:$0x3FAA] =	sst s9;
	s0 =	simm.s32 @!p0 $0x0  }
0x12: {  	s1 =	sld [smem:$0x3F90];
	s0 =	simm.s32 @p0 $0x1  }
0x13: {  	[smem:$0x3FAB] =	sst s0;
	s0 =	simm.s32 @!p1 $0x0  }
0x14: {  	s2 =	sld [smem:$0x3F8F];
	s0 =	simm.s32 @p1 $0x1  }
0x15: {  	[smem:$0x3FAC] =	sst s0;
	s0 =	simm.s32 @!p2 $0x0  }
0x16: {  	s3 =	sld [smem:$0x3FDB];
	s0 =	simm.s32 @p2 $0x1  }
0x17: {  	s4 =	simm.s32 $0x1BF5;
	[smem:$0x3FAE] =	sst s0  }
0x18: {  	s0 =	sld [smem:$0x3F91];
	_ =	swait.ge [sflag:s4], $0x0  }
0x19: {  	s7 =	sld [smem:$0x3F92]  }
0x1a: {  	s8 =	sadd.s32 $0xFFFFE003, lr  }
0x1b: {  	s9 =	sadd.s32 $0xFFFFFEF7, lr;
	s5 =	simm.s32 $0xFFFFFFFF;
	p2 =	slt.u32 s8, $0xFFFFF086  }
0x1c: {  	p1 =	slt.u32 s9, $0xF7A;
	s5 =	simm.s32 @!p2 $0x0  }
0x1d: {  	s5 =	simm.s32 @p1 $0x1;
	p0 =	seq.s32 s7, s2  }
0x1e: {  	s7 =	smul.u32 @!p0 $0xF7A, s2;
	p2 =	seq.s32 @!p0 s5, $0x0  }
0x1f: {  	s9 =	smul.u32 $0xF7A, s1;
	s8 =	simm.s32 @!p0 $0x1BF5;
	p2 =	por !p2, p0  }
0x20: {  	[sflag:s8] =	ssyncset.s32 @!p0 $0xFFFFF086;
	s6 =	sadd.s32 @!p0 s3, s7;
	s7 =	simm.s32 @!p0 $0x108  }
0x21: {  	s3 =	sadd.s32 s3, s9;
	s6 =	sadd.s32 @!p0 $0x88, s6;
	s7 =	simm.s32 @p2 $0x1082  }
0x22: {  	[simem:s7], [sflag:s8] =	dma.local @!p0 [hbm:s6], $0xF7A  }
0x23: {  	s9 =	sor.u32 $0xD0000000, s2;
	s6 =	simm.s32 $0x108;
	_ =	swait.ge @!p0 [sflag:s8], $0x0  }
0x24: {  	s3 =	sadd.s32 $0x88, s3;
	s6 =	simm.s32 @!p1 $0x1082;
	[sflag:s4] =	ssyncset.s32 $0xFFFFF086  }
0x25: {  	[simem:s6], [sflag:s4] =	dma.local [hbm:s3], $0xF7A  }
0x26: {  	[smem:$0x3F92] =	sst s1;
	(tag) =	ssettag s2;
	_ =	strace s9  }
0x27: {  	s1 =	sld [smem:$0x3FA2]  }
0x28: {  	s2 =	sld [smem:$0x3FA3]  }
0x29: {  	s4 =	sld [smem:$0x3FA5]  }
0x2a: {  	p0 =	seq.s32 s5, $0x0;
	s5 =	sld [smem:$0x3FA6]  }
0x2b: {  	s6 =	sld [smem:$0x3FA7]  }
0x2c: {  	s7 =	sld [smem:$0x3FA8]  }
0x2d: {  	s3 =	simm.s32 $0x108;
	s8 =	sld [smem:$0x3FA9]  }
0x2e: {  	s3 =	simm.s32 @!p0 $0x1082;
	s9 =	sld [smem:$0x3FAA]  }
0x2f: {  	lr =	sadd.s32 s0, s3;
	s0 =	sld [smem:$0x3FA1]  }
0x30: {  	s3 =	sld [smem:$0x3FA4]  }
0x31: {  	[smem:$0x3FAD] =	sst s10  }
0x32: {  	s10 =	sld [smem:$0x3FAB];
	_ =	sdelay $0x3  }
0x33: {  	p0 =	seq.s32 s10, $0x1;
	s10 =	sld [smem:$0x3FAD];
	_ =	sdelay $0x3  }
0x34: {  	[smem:$0x3FAD] =	sst s10  }
0x35: {  	s10 =	sld [smem:$0x3FAC];
	_ =	sdelay $0x3  }
0x36: {  	p1 =	seq.s32 s10, $0x1;
	s10 =	sld [smem:$0x3FAD];
	_ =	sdelay $0x3  }
0x37: {  	[smem:$0x3FAD] =	sst s10  }
0x38: {  	s10 =	sld [smem:$0x3FAE]  }
0x39: {  	_ = 	snop;
	(pc) =	sbr.ind lr, $3  }
0x3a: {  	_ = 	snop  }
0x3b: {  	_ = 	snop  }
0x3c: {  	p2 =	seq.s32 s10, $0x1;
	s10 =	sld [smem:$0x3FAD]  }
0x3d: {  	_ =	shalt  }
0x3e: {  	_ =	shalt  }
0x3f: {  	_ =	shalt  }
0x40: {  	_ =	shalt  }
0x41: {  	_ =	shalt  }
0x42: {  	_ =	shalt  }
0x43: {  	_ =	shalt  }
0x44: {  	_ =	shalt  }
0x45: {  	_ =	shalt  }
0x46: {  	_ =	shalt  }
0x47: {  	_ =	shalt  }
0x48: {  	_ =	shalt  }
0x49: {  	_ =	shalt  }
0x4a: {  	_ =	shalt  }
0x4b: {  	_ =	shalt  }
0x4c: {  	_ =	shalt  }
0x4d: {  	_ =	shalt  }
0x4e: {  	_ =	shalt  }
0x4f: {  	_ =	shalt  }
0x50: {  	_ =	shalt  }
0x51: {  	_ =	shalt  }
0x52: {  	_ =	shalt  }
0x53: {  	_ =	shalt  }
0x54: {  	_ =	shalt  }
0x55: {  	_ =	shalt  }
0x56: {  	_ =	shalt  }
0x57: {  	_ =	shalt  }
0x58: {  	_ =	shalt  }
0x59: {  	_ =	shalt  }
0x5a: {  	_ =	shalt  }
0x5b: {  	_ =	shalt  }
0x5c: {  	_ =	shalt  }
0x5d: {  	_ =	shalt  }
0x5e: {  	_ =	shalt  }
0x5f: {  	_ =	shalt  }
0x60: {  	_ =	shalt  }
0x61: {  	_ =	shalt  }
0x62: {  	_ =	shalt  }
0x63: {  	_ =	shalt  }
0x64: {  	_ =	shalt  }
0x65: {  	_ =	shalt  }
0x66: {  	_ =	shalt  }
0x67: {  	_ =	shalt  }
0x68: {  	_ =	shalt  }
0x69: {  	_ =	shalt  }
0x6a: {  	_ =	shalt  }
0x6b: {  	_ =	shalt  }
0x6c: {  	_ =	shalt  }
0x6d: {  	_ =	shalt  }
0x6e: {  	_ =	shalt  }
0x6f: {  	_ =	shalt  }
0x70: {  	_ =	shalt  }
0x71: {  	_ =	shalt  }
0x72: {  	_ =	shalt  }
0x73: {  	_ =	shalt  }
0x74: {  	_ =	shalt  }
0x75: {  	_ =	shalt  }
0x76: {  	_ =	shalt  }
0x77: {  	_ =	shalt  }
0x78: {  	_ =	shalt  }
0x79: {  	_ =	shalt  }
0x7a: {  	_ =	shalt  }
0x7b: {  	_ =	shalt  }
0x7c: {  	_ =	shalt  }
0x7d: {  	_ =	shalt  }
0x7e: {  	_ =	shalt  }
0x7f: {  	_ =	shalt  }
0x80: {  	_ =	shalt  }
0x81: {  	_ =	shalt  }
0x82: {  	_ =	shalt  }
0x83: {  	_ =	shalt  }
0x84: {  	_ =	shalt  }
0x85: {  	_ =	shalt  }
0x86: {  	_ =	shalt  }
0x87: {  	_ =	shalt  }
.Lfunc_end0:
.L_simem_size_0:
called_computation.1_lowered:
.L_overlay_start_0:
0x88: {  	s2 =	sld [smem:$0x3FD9]  }
0x89: {  	s3 =	sld [smem:$0x3FFE];
	_ =	sdelay $0x1  }
0x8a: {  	s1 =	srdreg.scid  }
0x8b: {  	s0 =	sand.u32 $0x1, s1  }
0x8c: {  	s17 =	sshll.u32 s0, $0xA;
	s2 =	sadd.s32 s3, s2  }
0x8d: {  	s2 =	sadd.s32 s2, s17  }
0x8e: {  	[smem:$0x3FB9] =	sst s2  }
0x8f: {  	_ = 	snop  }
0x90: {  	s2 =	sld [smem:$0x3FC8]  }
0x91: {  	s18 =	sld [smem:$0x3FD0];
	(tm) =	ssettm $0x1  }
0x92: {  	s4 =	sld [smem:$0x3FFB];
	_ =	sdelay $0x3  }
0x93: {  	_ =	strace s4  }
0x94: {  	s4 =	sld [smem:$0x3FFC];
	_ =	sdelay $0x3  }
0x95: {  	_ =	strace s4  }
0x96: {  	s4 =	sld [smem:$0x3FFD];
	_ =	sdelay $0x3  }
0x97: {  	_ =	strace s4  }
0x98: {  	_ =	strace $0x8FFFFFFF  }
0x99: {  	s19 =	sld [smem:$0x3FDB];
	_ =	sdelay $0x1  }
0x9a: {  	s5 =	simm.s32 $_scs_section_size  }
0x9b: {  	s6 =	simm.s32 $_size__tile_overlayer_lowered;
	s7 =	simm.s32 $_tile_overlayer_lowered  }
0x9c: {  	s22 =	simm.s32 $0x1BFF;
	s21 =	sshll.u32 s7, $0x1;
	s4 =	sadd.s32 s5, s19  }
0x9d: {  	s8 =	simm.s32 $0x0;
	s20 =	sshll.u32 s6, $0x1;
	s6 =	sadd.s32 s21, s4  }
0x9e: {  	[timem:s8], [sflag:s22] =	dma.local [hbm:s6], s20  }
0x9f: {  	_ =	swait.ge [sflag:s22], s20  }
0xa0: {  	s5 =	ssub.s32 $0x0, s20;
	[sflag:s22] =	ssyncset.done $0x0  }
0xa1: {  	[sflag:s22] =	ssyncadd.s32 s5;
	_ =	sdelay $0x1  }
0xa2: {  	s23 =	simm.s32 $0x1B8B  }
0xa3: {  	_ =	swait.ge [sflag:s23], $0x1  }
0xa4: {  	[sflag:s23] =	ssyncset.done $0x0  }
0xa5: {  	s25 =	simm.s32 $0x1B8E;
	s24 =	sld [smem:$0x3FFE];
	[sflag:s23] =	ssyncadd.s32 $0xFFFFFFFF  }
0xa6: {  	s26 =	simm.s32 $execute0_lowered;
	[smem:$0x3FD2] =	sst s25  }
0xa7: {  	s6 =	sshll.u32 s26, $0x1;
	_ =	strace $0x80000049;
	[dreg:$0x1] =	wrdreg $0xFFFFFFFF  }
0xa8: {  	s28 =	simm.s32 $_size_execute0_lowered;
	s4 =	sadd.s32 s4, s6;
	[dreg:$0x0] =	wrdreg $0x0  }
0xa9: {  	s6 =	sshll.u32 s28, $0x1;
	[dreg:$0x2] =	wrdreg s4  }
0xaa: {  	[dreg:$0x3] =	wrdreg s6  }
0xab: {  	[dreg:$0x4] =	wrdreg $0xC0  }
0xac: {  	_ =	task [dreg:s8], $0x5FFFF  }
0xad: {  	[dreg:$0x1] =	wrdreg $0xFFFFFFFF  }
0xae: {  	[dreg:$0x0] =	wrdreg $0x60  }
0xaf: {  	[dreg:$0x2] =	wrdreg s18  }
0xb0: {  	[dreg:$0x3] =	wrdreg s2  }
0xb1: {  	[dreg:$0x4] =	wrdreg s24  }
0xb2: {  	[dreg:$0x5] =	wrdreg $0x0  }
0xb3: {  	[dreg:$0x6] =	wrdreg $0x9  }
0xb4: {  	_ =	task.clear_ibuf [dreg:s8], $0x7FFFF;
	_ =	strace $0x90000049  }
0xb5: {  	s29 =	simm.s32 $0x9;
	_ =	strace $0x8000004B  }
0xb6: {  	_ =	swait.ge [sflag:s29], $0x1  }
0xb7: {  	[sflag:s29] =	ssyncadd.s32 $0xFFFFFFFF  }
0xb8: {  	_ =	strace $0x9000004B  }
0xb9: {  	_ =	sfence  }
0xba: {  	s30 =	sld [smem:$0x0];
	_ =	sdelay $0x2  }
0xbb: {  	s31 =	sshll.u32 s1, $0xD;
	s1 =	sshrl.u32 s1, $0x2  }
0xbc: {  	s3 =	sand.u32 $0x4000, s31;
	s1 =	sadd.s32 s1, s30  }
0xbd: {  	s0 =	sor.u32 s3, s0;
	s1 =	sshll.u32 s1, $0x11  }
0xbe: {  	s0 =	sor.u32 s1, s0  }
0xbf: {  	s0 =	sadd.s32 $0x8F2B, s0  }
0xc0: {  	[sflag:s0] =	ssyncadd.remote.s32 $0x1  }
0xc1: {  	_ =	sfence.sel $0xFFFF  }
0xc2: {  	[dreg:$0x0] =	wrdreg $0xFFFFFFFF;
	(pc) =	sbr.abs _section_cstart, $3  }
0xc3: {  	[dreg:$0x1] =	wrdreg $0xFFFFFFFF  }
0xc4: {  	_ =	task.clear_ibuf [dreg:s8], $0x2FFFF;
	_ =	strace $0x9FFFFFFF  }
0xc5: {  	(tm) =	ssettm $0x7FFFFFFF  }
tec
execute0_lowered:
.L_overlay_start_1:
0x0: {  	(tag) =	ssettag $0x1  }
0x1: {  	s1 =	rddreg [dreg:$0x0]  }
0x2: {  	s0 =	rddreg [dreg:$0x1]  }
0x3: {  	s4 =	rddreg [dreg:$0x2]  }
0x4: {  	s2 =	rddreg [dreg:$0x3];
	s3 =	simm.s32 $0x0  }
0x5: {  	s5 =	srdreg.scid;
	s12 =	stileid.u32;
	s28 =	simm.s32 $0x80  }
0x6: {  	s29 =	simm.s32 $0x14100;
	s30 =	simm.s32 $0x2;
	s10 =	smul.u32 $0x50000, s12  }
0x7: {  	s31 =	simm.s32 $0x18200;
	[smem:$0x7FF] =	sst s3;
	s26 =	smul.u32 $0x280, s12  }
0x8: {  	s5 =	sand.u32 $0x1, s5;
	s16 =	smul.u32 $0x2800, s12;
	s20 =	sshll.u32 s12, $0x5  }
0x9: {  	_ =	strace $0x8000004A;
	s6 =	smul.u32 $0x28000, s5;
	s7 =	ssub.s32 $0x2, s5  }
0xa: {  	s8 =	sshll.u32 s5, $0x4;
	s5 =	sshll.u32 s5, $0x9;
	s9 =	sshrl.u32 s7, $0x1  }
0xb: {  	s8 =	sor.u32 s12, s8;
	s23 =	sshrl.u32 s10, $0x2;
	s17 =	sadd.s32 $0x80, s26  }
0xc: {  	s21 =	sadd.s32 $0x180, s26;
	s4 =	sadd.s32 s6, s4;
	s7 =	ssub.s32 s7, s9  }
0xd: {  	s22 =	sshll.u32 s8, $0x5;
	s10 =	sor.u32 $0x980, s8;
	s6 =	sadd.s32 s23, s2  }
0xe: {  	s18 =	sshll.u32 s17, $0x7;
	s11 =	sadd.s32 s0, s22;
	s25 =	sshll.u32 s10, $0x5  }
0xf: {  	s4 =	sadd.s32 $0x4000, s4;
	s7 =	smax.u32 s7, $0x1;
	[dreg:$0x5] =	wrdreg s11  }
0x10: {  	s13 =	sadd.s32 $0x4000, s6;
	s14 =	sadd.s32 $0x8000, s6;
	[dreg:$0x7] =	wrdreg s7  }
0x11: {  	s15 =	sadd.s32 $0xC000, s6;
	s22 =	sadd.s32 s18, s2;
	[dreg:$0x8] =	wrdreg s13  }
0x12: {  	p0 =	sgt.u32 s10, $0x983;
	s24 =	sadd.s32 $0x400, s11;
	[dreg:$0x9] =	wrdreg s14  }
0x13: {  	s9 =	sadd.s32 s25, s0;
	[dreg:$0xa] =	wrdreg s15;
	s13 =	sadd.s32 $0x10000, s6  }
0x14: {  	s14 =	sadd.s32 $0x100, s26;
	s15 =	sor.u32 $0x9C0, s8;
	s7 =	sshll.u32 s17, $0x4  }
0x15: {  	s0 =	sadd.s32 s5, s0;
	s25 =	sadd.s32 $0x200, s26;
	s8 =	sor.u32 $0x9A0, s8  }
0x16: {  	s16 =	sadd.s32 s16, s4;
	s22 =	sshrl.u32 s22, $0x3;
	[dreg:$0x6] =	wrdreg s24  }
0x17: {  	[dreg:$0xb] =	wrdreg s13;
	s19 =	sshll.u32 s14, $0x7;
	s18 =	sshll.u32 s14, $0x4  }
0x18: {  	s13 =	sadd.s32 s20, s0;
	s24 =	sshll.u32 s21, $0x7;
	p1 =	sgt.u32 s8, $0x9A3  }
0x19: {  	s26 =	sshll.u32 s25, $0x7;
	s0 =	sshll.u32 s21, $0x4;
	s10 =	sshll.u32 s25, $0x4  }
0x1a: {  	s14 =	sadd.s32 $0x800, s9;
	p2 =	sgt.u32 s15, $0x9C3;
	s15 =	simm.s32 $0x14200  }
0x1b: {  	s17 =	sadd.s32 s7, s4;
	s21 =	simm.s32 $0x5;
	s7 =	simm.s32 $0x1  }
0x1c: {  	s9 =	simm.s32 $0x0;
	s23 =	sadd.s32 s19, s2;
	s5 =	sadd.s32 s24, s2  }
0x1d: {  	s8 =	sadd.s32 s26, s2;
	s18 =	sadd.s32 s18, s4;
	s19 =	sadd.s32 s0, s4  }
0x1e: {  	s20 =	sadd.s32 s10, s4;
	s26 =	simm.s32 $0x14000;
	s0 =	simm.s32 $0x3  }
0x1f: {  	s4 =	simm.s32 $0x14080;
	s23 =	sshrl.u32 s23, $0x3;
	s24 =	sshrl.u32 s5, $0x3  }
0x20: {  	v0 =	vimm.f32 $0.0e+00;
	s25 =	sshrl.u32 s8, $0x3;
	s5 =	simm.s32 $0x4;
	s8 =	simm.s32 $0x14180  }
.LBB2_1:
0x21: {  	s10 =	simm.s32 $0x0;
	s11 =	simm.s32 $0x200  }
.LBB2_2:
0x22: {  	p3 =	sne.s32 s11, $0xFE00;
	[tilespmem:s10+$0x14270] =	vst v0  }
0x23: {  	[tilespmem:s10+$0x14200] =	vst v0  }
0x24: {  	[tilespmem:s10+$0x14210] =	vst v0  }
.Ltmp0:
0x25: {  	[tilespmem:s10+$0x14220] =	vst v0;
	(pc) =	sbr.rel @p3 .LBB2_2-.Ltmp0, $4  }
0x26: {  	[tilespmem:s10+$0x14230] =	vst v0  }
0x27: {  	[tilespmem:s10+$0x14240] =	vst v0  }
0x28: {  	[tilespmem:s10+$0x14250] =	vst v0  }
0x29: {  	[tilespmem:s10+$0x14260] =	vst v0;
	s10 =	sshra.s32 s11, $0x2;
	s11 =	sadd.s32 $0x200, s11  }
0x2a: {  	[tilespmem:s10+$0x14270] =	vst v0  }
0x2b: {  	[tilespmem:s10+$0x14200] =	vst v0  }
0x2c: {  	[tilespmem:s10+$0x14210] =	vst v0  }
0x2d: {  	[tilespmem:s10+$0x14220] =	vst v0  }
0x2e: {  	[tilespmem:s10+$0x14230] =	vst v0  }
0x2f: {  	[tilespmem:s10+$0x14240] =	vst v0  }
0x30: {  	[tilespmem:s10+$0x14250] =	vst v0  }
0x31: {  	[tilespmem:s10+$0x14260] =	vst v0  }
0x32: {  	[spmem:s6] =	stream.linear.scatter [tilespmem:s15], [sflag:$0x5], $0x4000, $0x38;
	[tilespmem:$0x1C200] =	vst v63  }
0x33: {  	_ =	swait.ge [sflag:s21], $0x4000  }
0x34: {  	[sflag:s21] =	ssyncset.done $0x0  }
0x35: {  	s12 =	rddreg [dreg:$0x8];
	[sflag:s21] =	ssyncadd.s32 $0xFFFFC000  }
0x36: {  	[spmem:s12] =	stream.linear.scatter [tilespmem:s15], [sflag:$0x5], $0x4000, $0x38;
	[tilespmem:$0x1C200] =	vst v63  }
0x37: {  	_ =	swait.ge [sflag:s21], $0x4000  }
0x38: {  	[sflag:s21] =	ssyncset.done $0x0  }
0x39: {  	s11 =	rddreg [dreg:$0x9];
	[sflag:s21] =	ssyncadd.s32 $0xFFFFC000  }
0x3a: {  	[spmem:s11] =	stream.linear.scatter [tilespmem:s15], [sflag:$0x5], $0x4000, $0x38;
	[tilespmem:$0x1C200] =	vst v63  }
0x3b: {  	_ =	swait.ge [sflag:s21], $0x4000  }
0x3c: {  	[sflag:s21] =	ssyncset.done $0x0  }
0x3d: {  	s12 =	rddreg [dreg:$0xa];
	[sflag:s21] =	ssyncadd.s32 $0xFFFFC000  }
0x3e: {  	[spmem:s12] =	stream.linear.scatter [tilespmem:s15], [sflag:$0x5], $0x4000, $0x38;
	[tilespmem:$0x1C200] =	vst v63  }
0x3f: {  	_ =	swait.ge [sflag:s21], $0x4000  }
0x40: {  	[sflag:s21] =	ssyncset.done $0x0  }
0x41: {  	s11 =	rddreg [dreg:$0xb];
	[sflag:s21] =	ssyncadd.s32 $0xFFFFC000  }
0x42: {  	[spmem:s11] =	stream.linear.scatter [tilespmem:s15], [sflag:$0x5], $0x4000, $0x38;
	[tilespmem:$0x1C200] =	vst v63  }
0x43: {  	_ =	swait.ge [sflag:s21], $0x4000  }
0x44: {  	[sflag:s21] =	ssyncset.done $0x0  }
0x45: {  	[sflag:s21] =	ssyncadd.s32 $0xFFFFC000  }
0x46: {  	[bflag:$0x0] =	sbarrier.arrive $0xFFFF  }
0x47: {  	s12 =	rddreg [dreg:$0x5]  }
0x48: {  	[tilespmem:s26], [sflag:$0x5] =	stream.linear.gather [hbm4b:s12+s3], $0x100, $0x38;
	[tilespmem:$0x1C200] =	vst v63  }
0x49: {  	_ =	swait.ge [sflag:s21], $0x100  }
0x4a: {  	[sflag:s21] =	ssyncset.done $0x0  }
0x4b: {  	[sflag:s21] =	ssyncadd.s32 $0xFFFFFF00  }
0x4c: {  	[tilespmem:s15], [sflag:$0x3] =	stream.indirect.gather [hbm4b:s1+s28], $0x80, s26, s28, $0xb8;
	[tilespmem:$0x1C200] =	vst v63  }
0x4d: {  	s11 =	rddreg [dreg:$0x6]  }
0x4e: {  	[tilespmem:s29], [sflag:$0x2] =	stream.linear.gather [hbm4b:s11+s3], $0x100, $0x38;
	[tilespmem:$0x1C200] =	vst v63  }
0x4f: {  	_ =	swait.ge [sflag:s30], $0x100  }
0x50: {  	[sflag:s30] =	ssyncset.done $0x0  }
0x51: {  	[sflag:s30] =	ssyncadd.s32 $0xFFFFFF00  }
0x52: {  	[tilespmem:s31], [sflag:$0x4] =	stream.indirect.gather [hbm4b:s1+s28], $0x80, s29, s28, $0xb8;
	[tilespmem:$0x1C200] =	vst v63  }
0x53: {  	_ =	swait.ge [sflag:s0], $0x4000  }
0x54: {  	[sflag:s0] =	ssyncset.done $0x0  }
0x55: {  	[sflag:s0] =	ssyncadd.s32 $0xFFFFC000  }
0x56: {  	[spmem:s2] =	stream.indirect.scatter.add.f32 [tilespmem:s15], [sflag:$0x5], $0x80, s4, s28, $0xb8;
	[tilespmem:$0x1C200] =	vst v63  }
0x57: {  	_ =	swait.ge [sflag:s21], $0x4000  }
0x58: {  	s11 =	sadd.s32 $0xFFFED000, s13;
	[sflag:s21] =	ssyncset.done $0x0  }
0x59: {  	s12 =	sadd.s32 $0x13800, s11;
	[sflag:s21] =	ssyncadd.s32 $0xFFFFC000  }
0x5a: {  	[tilespmem:s26], [sflag:$0x1] =	stream.linear.gather [hbm4b:s12+s3], $0x100, $0x38;
	[tilespmem:$0x1C200] =	vst v63  }
0x5b: {  	_ =	swait.ge [sflag:s7], $0x100  }
0x5c: {  	[sflag:s7] =	ssyncset.done $0x0  }
0x5d: {  	[sflag:s7] =	ssyncadd.s32 $0xFFFFFF00  }
0x5e: {  	[tilespmem:s15], [sflag:$0x3] =	stream.indirect.gather [hbm4b:s1+s28], $0x80, s26, s28, $0xb8;
	[tilespmem:$0x1C200] =	vst v63  }
0x5f: {  	_ =	swait.ge [sflag:s5], $0x4000  }
0x60: {  	[sflag:s5] =	ssyncset.done $0x0  }
0x61: {  	[sflag:s5] =	ssyncadd.s32 $0xFFFFC000  }
0x62: {  	[spmem:s2] =	stream.indirect.scatter.add.f32 [tilespmem:s31], [sflag:$0x5], $0x80, s8, s28, $0xb8;
	[tilespmem:$0x1C200] =	vst v63  }
0x63: {  	_ =	swait.ge [sflag:s21], $0x4000  }
0x64: {  	[sflag:s21] =	ssyncset.done $0x0  }
0x65: {  	s10 =	simm.s32 $0xFFFED800;
	s11 =	sadd.s32 $0x13C00, s11;
	[sflag:s21] =	ssyncadd.s32 $0xFFFFC000  }
.LBB2_4:
0x66: {  	[tilespmem:s29], [sflag:$0x2] =	stream.linear.gather [hbm4b:s11+s3], $0x100, $0x38;
	[tilespmem:$0x1C200] =	vst v63  }
0x67: {  	s11 =	smov.u32 s10  }
0x68: {  	p3 =	sne.s32 s10, $0xFFFFF800;
	s10 =	sadd.s32 $0x800, s10;
	_ =	swait.ge [sflag:s30], $0x100  }
0x69: {  	[sflag:s30] =	ssyncset.done $0x0  }
0x6a: {  	[sflag:s30] =	ssyncadd.s32 $0xFFFFFF00  }
0x6b: {  	[tilespmem:s31], [sflag:$0x4] =	stream.indirect.gather [hbm4b:s1+s28], $0x80, s29, s28, $0xb8;
	[tilespmem:$0x1C200] =	vst v63  }
0x6c: {  	_ =	swait.ge [sflag:s0], $0x4000  }
0x6d: {  	[sflag:s0] =	ssyncset.done $0x0  }
0x6e: {  	[sflag:s0] =	ssyncadd.s32 $0xFFFFC000  }
0x6f: {  	[spmem:s2] =	stream.indirect.scatter.add.f32 [tilespmem:s15], [sflag:$0x5], $0x80, s4, s28, $0xb8;
	[tilespmem:$0x1C200] =	vst v63  }
0x70: {  	_ =	swait.ge [sflag:s21], $0x4000  }
0x71: {  	s11 =	sadd.s32 s11, s13;
	[sflag:s21] =	ssyncset.done $0x0  }
0x72: {  	s12 =	sadd.s32 $0x13800, s11;
	[sflag:s21] =	ssyncadd.s32 $0xFFFFC000  }
0x73: {  	[tilespmem:s26], [sflag:$0x1] =	stream.linear.gather [hbm4b:s12+s3], $0x100, $0x38;
	[tilespmem:$0x1C200] =	vst v63  }
0x74: {  	_ =	swait.ge [sflag:s7], $0x100  }
0x75: {  	[sflag:s7] =	ssyncset.done $0x0  }
0x76: {  	[sflag:s7] =	ssyncadd.s32 $0xFFFFFF00  }
0x77: {  	[tilespmem:s15], [sflag:$0x3] =	stream.indirect.gather [hbm4b:s1+s28], $0x80, s26, s28, $0xb8;
	[tilespmem:$0x1C200] =	vst v63  }
0x78: {  	_ =	swait.ge [sflag:s5], $0x4000  }
0x79: {  	[sflag:s5] =	ssyncset.done $0x0  }
.Ltmp1:
0x7a: {  	[sflag:s5] =	ssyncadd.s32 $0xFFFFC000;
	(pc) =	sbr.rel @p3 .LBB2_4-.Ltmp1, $4  }
0x7b: {  	[spmem:s2] =	stream.indirect.scatter.add.f32 [tilespmem:s31], [sflag:$0x5], $0x80, s8, s28, $0xb8;
	[tilespmem:$0x1C200] =	vst v63  }
0x7c: {  	_ =	swait.ge [sflag:s21], $0x4000  }
0x7d: {  	[sflag:s21] =	ssyncset.done $0x0  }
0x7e: {  	s11 =	sadd.s32 $0x13C00, s11;
	[sflag:s21] =	ssyncadd.s32 $0xFFFFC000  }
0x7f: {  	[tilespmem:s29], [sflag:$0x2] =	stream.linear.gather [hbm4b:s11+s3], $0x100, $0x38;
	[tilespmem:$0x1C200] =	vst v63  }
0x80: {  	_ =	swait.ge [sflag:s30], $0x100  }
0x81: {  	[sflag:s30] =	ssyncset.done $0x0  }
0x82: {  	[sflag:s30] =	ssyncadd.s32 $0xFFFFFF00  }
0x83: {  	[tilespmem:s31], [sflag:$0x4] =	stream.indirect.gather [hbm4b:s1+s28], $0x80, s29, s28, $0xb8;
	[tilespmem:$0x1C200] =	vst v63  }
0x84: {  	_ =	swait.ge [sflag:s0], $0x4000  }
0x85: {  	[sflag:s0] =	ssyncset.done $0x0  }
0x86: {  	[sflag:s0] =	ssyncadd.s32 $0xFFFFC000  }
0x87: {  	[spmem:s2] =	stream.indirect.scatter.add.f32 [tilespmem:s15], [sflag:$0x5], $0x80, s4, s28, $0xb8;
	[tilespmem:$0x1C200] =	vst v63  }
0x88: {  	_ =	swait.ge [sflag:s21], $0x4000  }
0x89: {  	[sflag:s21] =	ssyncset.done $0x0  }
0x8a: {  	s10 =	simm.s32 @!p0 $0x0;
	s11 =	simm.s32 @!p0 $0x14000;
	[sflag:s21] =	ssyncadd.s32 $0xFFFFC000  }
0x8b: {  	[tilespmem:s11], [sflag:$0x1] =	stream.linear.gather @!p0 [hbm4b:s14+s10], $0x100, $0x38;
	[tilespmem:$0x1C200] =	vst v63  }
0x8c: {  	s10 =	simm.s32 @!p1 $0x1  }
0x8d: {  	_ =	swait.ge @!p1 [sflag:s10], $0x100  }
0x8e: {  	s12 =	simm.s32 @!p1 $0x14200;
	[sflag:s10] =	ssyncset.done @!p1 $0x0  }
0x8f: {  	s11 =	simm.s32 @!p1 $0x14000;
	[sflag:s10] =	ssyncadd.s32 @!p1 $0xFFFFFF00;
	s10 =	simm.s32 @!p1 $0x80  }
0x90: {  	[tilespmem:s12], [sflag:$0x3] =	stream.indirect.gather @!p1 [hbm4b:s1+s10], $0x80, s11, s10, $0xb8;
	[tilespmem:$0x1C200] =	vst v63  }
0x91: {  	_ =	swait.ge [sflag:s5], $0x4000  }
0x92: {  	[sflag:s5] =	ssyncset.done $0x0  }
0x93: {  	[sflag:s5] =	ssyncadd.s32 $0xFFFFC000  }
0x94: {  	[spmem:s2] =	stream.indirect.scatter.add.f32 [tilespmem:s31], [sflag:$0x5], $0x80, s8, s28, $0xb8;
	[tilespmem:$0x1C200] =	vst v63  }
0x95: {  	_ =	swait.ge [sflag:s21], $0x4000  }
0x96: {  	[sflag:s21] =	ssyncset.done $0x0  }
0x97: {  	s10 =	simm.s32 @!p2 $0x3;
	[sflag:s21] =	ssyncadd.s32 $0xFFFFC000  }
0x98: {  	_ =	swait.ge @!p2 [sflag:s10], $0x4000  }
0x99: {  	s11 =	simm.s32 @!p2 $0x14080;
	[sflag:s10] =	ssyncset.done @!p2 $0x0  }
0x9a: {  	s12 =	simm.s32 @!p2 $0x14200;
	[sflag:s10] =	ssyncadd.s32 @!p2 $0xFFFFC000;
	s10 =	simm.s32 @!p2 $0x80  }
0x9b: {  	[spmem:s2] =	stream.indirect.scatter.add.f32 @!p2 [tilespmem:s12], [sflag:$0x5], $0x80, s11, s10, $0xb8;
	[tilespmem:$0x1C200] =	vst v63  }
0x9c: {  	s10 =	simm.s32 @!p2 $0x5  }
0x9d: {  	_ =	swait.ge @!p2 [sflag:s10], $0x4000  }
0x9e: {  	s11 =	stileid.u32;
	[sflag:s10] =	ssyncset.done @!p2 $0x0  }
0x9f: {  	[sflag:s10] =	ssyncadd.s32 @!p2 $0xFFFFC000;
	s10 =	sshll.u32 s11, $0x6  }
0xa0: {  	s12 =	sshrl.u32 s6, $0x3;
	[bflag:$0x0] =	sbarrier.arrive $0xFFFF;
	s10 =	sor.u32 $0x1C05, s10  }
0xa1: {  	[hbm:s16], [sflag:s10] =	dma.local [spmem:s12], $0x800  }
0xa2: {  	_ =	swait.ge [sflag:s21], $0x800  }
0xa3: {  	[sflag:s21] =	ssyncset.done $0x0  }
0xa4: {  	[sflag:s21] =	ssyncadd.s32 $0xFFFFF800  }
0xa5: {  	[hbm:s17], [sflag:s10] =	dma.local [spmem:s22], $0x800  }
0xa6: {  	_ =	swait.ge [sflag:s21], $0x800  }
0xa7: {  	[sflag:s21] =	ssyncset.done $0x0  }
0xa8: {  	[sflag:s21] =	ssyncadd.s32 $0xFFFFF800  }
0xa9: {  	[hbm:s18], [sflag:s10] =	dma.local [spmem:s23], $0x800  }
0xaa: {  	_ =	swait.ge [sflag:s21], $0x800  }
0xab: {  	[sflag:s21] =	ssyncset.done $0x0  }
0xac: {  	[sflag:s21] =	ssyncadd.s32 $0xFFFFF800  }
0xad: {  	[hbm:s19], [sflag:s10] =	dma.local [spmem:s24], $0x800  }
0xae: {  	_ =	swait.ge [sflag:s21], $0x800  }
0xaf: {  	[sflag:s21] =	ssyncset.done $0x0  }
0xb0: {  	[sflag:s21] =	ssyncadd.s32 $0xFFFFF800  }
0xb1: {  	[hbm:s20], [sflag:s10] =	dma.local [spmem:s25], $0x800  }
0xb2: {  	_ =	swait.ge [sflag:s21], $0x800  }
0xb3: {  	s9 =	sadd.s32 $0x1, s9;
	s12 =	rddreg [dreg:$0x7]  }
0xb4: {  	p3 =	sne.s32 s9, s12  }
.Ltmp2:
0xb5: {  	_ = 	snop;
	(pc) =	sbr.rel @p3 .LBB2_1-.Ltmp2, $3  }
0xb6: {  	_ =	sdelay $0x1  }
0xb7: {  	[sflag:s21] =	ssyncset.done $0x0  }
0xb8: {  	[sflag:s21] =	ssyncadd.s32 $0xFFFFF800  }
0xb9: {  	_ =	sfence.sel $0x180000  }
0xba: {  	[bflag:$0x0] =	sbarrier.arrive $0xFFFF  }
0xbb: {  	_ =	strace $0x9000004A  }
0xbc: {  	s0 =	stileid.u32;
	[bflag:$0x2] =	sbarrier.arrive $0xFFFF  }
0xbd: {  	p0 =	sne.s32 s0, $0x0;
	s0 =	rddreg [dreg:$0x4]  }
0xbe: {  	s0 =	sadd.s32 @!p0 $0x100000, s0  }
0xbf: {  	[sflag:s0] =	ssyncadd.tile.s32 @!p0 $0x1;
	_ =	shalt  }
.Lfunc_end2:
_tile_overlayer_lowered:
.L_overlay_start_2:
0xc0: {  	(tag) =	ssettag $0x2  }
0xc1: {  	s0 =	rddreg [dreg:$0x0];
	s2 =	stileid.u32  }
0xc2: {  	s1 =	rddreg [dreg:$0x1];
	p0 =	sne.s32 s2, $0x0  }
0xc3: {  	s3 =	rddreg [dreg:$0x2];
	[bflag:$0x3] =	sbarrier.arrive $0xFFFF;
	s2 =	simm.s32 @!p0 $0x1C05  }
0xc4: {  	[timem:s3], [sflag:s2] =	dma.local @!p0 [hbm:s0], s1  }
0xc5: {  	s0 =	simm.s32 @!p0 $0x5  }
0xc6: {  	_ =	swait.ge @!p0 [sflag:s0], s1  }
0xc7: {  	s1 =	ssub.s32 @!p0 $0x0, s1;
	[sflag:s0] =	ssyncset.done @!p0 $0x0  }
0xc8: {  	[sflag:s0] =	ssyncadd.s32 @!p0 s1  }
0xc9: {  	[bflag:$0x3] =	sbarrier.arrive $0xFFFF  }
0xca: {  	_ =	shalt  }

// kernel: kernel.15.cloned.1.call-start
scs
__scs_entry_jumppad:
0x0: {  	(pc) =	sbr.rel $0x88, $3  }
0x1: {  	(tag) =	ssettag $0x0;
	lr =	simm.s32 $0x1  }
0x2: {  	[smem:$0x3F92] =	sst lr;
	_ =	strace $0xD0000000  }
0x3: {  	_ = 	snop  }
0x4: {  	_ = 	snop  }
0x5: {  	_ = 	snop  }
0x6: {  	_ = 	snop  }
0x7: {  	_ = 	snop  }
__scs_overlays_trampoline_lowered:
0x8: {  	[smem:$0x3FA1] =	sst s0  }
0x9: {  	[smem:$0x3FA2] =	sst s1  }
0xa: {  	[smem:$0x3FA3] =	sst s2  }
0xb: {  	[smem:$0x3FA4] =	sst s3  }
0xc: {  	[smem:$0x3FA5] =	sst s4  }
0xd: {  	[smem:$0x3FA6] =	sst s5  }
0xe: {  	[smem:$0x3FA7] =	sst s6  }
0xf: {  	[smem:$0x3FA8] =	sst s7  }
0x10: {  	[smem:$0x3FA9] =	sst s8  }
0x11: {  	[smem:$0x3FAA] =	sst s9;
	s0 =	simm.s32 @!p0 $0x0  }
0x12: {  	s1 =	sld [smem:$0x3F90];
	s0 =	simm.s32 @p0 $0x1  }
0x13: {  	[smem:$0x3FAB] =	sst s0;
	s0 =	simm.s32 @!p1 $0x0  }
0x14: {  	s2 =	sld [smem:$0x3F8F];
	s0 =	simm.s32 @p1 $0x1  }
0x15: {  	[smem:$0x3FAC] =	sst s0;
	s0 =	simm.s32 @!p2 $0x0  }
0x16: {  	s3 =	sld [smem:$0x3FDB];
	s0 =	simm.s32 @p2 $0x1  }
0x17: {  	s4 =	simm.s32 $0x1BF5;
	[smem:$0x3FAE] =	sst s0  }
0x18: {  	s0 =	sld [smem:$0x3F91];
	_ =	swait.ge [sflag:s4], $0x0  }
0x19: {  	s7 =	sld [smem:$0x3F92]  }
0x1a: {  	s8 =	sadd.s32 $0xFFFFE003, lr  }
0x1b: {  	s9 =	sadd.s32 $0xFFFFFEF7, lr;
	s5 =	simm.s32 $0xFFFFFFFF;
	p2 =	slt.u32 s8, $0xFFFFF086  }
0x1c: {  	p1 =	slt.u32 s9, $0xF7A;
	s5 =	simm.s32 @!p2 $0x0  }
0x1d: {  	s5 =	simm.s32 @p1 $0x1;
	p0 =	seq.s32 s7, s2  }
0x1e: {  	s7 =	smul.u32 @!p0 $0xF7A, s2;
	p2 =	seq.s32 @!p0 s5, $0x0  }
0x1f: {  	s9 =	smul.u32 $0xF7A, s1;
	s8 =	simm.s32 @!p0 $0x1BF5;
	p2 =	por !p2, p0  }
0x20: {  	[sflag:s8] =	ssyncset.s32 @!p0 $0xFFFFF086;
	s6 =	sadd.s32 @!p0 s3, s7;
	s7 =	simm.s32 @!p0 $0x108  }
0x21: {  	s3 =	sadd.s32 s3, s9;
	s6 =	sadd.s32 @!p0 $0x88, s6;
	s7 =	simm.s32 @p2 $0x1082  }
0x22: {  	[simem:s7], [sflag:s8] =	dma.local @!p0 [hbm:s6], $0xF7A  }
0x23: {  	s9 =	sor.u32 $0xD0000000, s2;
	s6 =	simm.s32 $0x108;
	_ =	swait.ge @!p0 [sflag:s8], $0x0  }
0x24: {  	s3 =	sadd.s32 $0x88, s3;
	s6 =	simm.s32 @!p1 $0x1082;
	[sflag:s4] =	ssyncset.s32 $0xFFFFF086  }
0x25: {  	[simem:s6], [sflag:s4] =	dma.local [hbm:s3], $0xF7A  }
0x26: {  	[smem:$0x3F92] =	sst s1;
	(tag) =	ssettag s2;
	_ =	strace s9  }
0x27: {  	s1 =	sld [smem:$0x3FA2]  }
0x28: {  	s2 =	sld [smem:$0x3FA3]  }
0x29: {  	s4 =	sld [smem:$0x3FA5]  }
0x2a: {  	p0 =	seq.s32 s5, $0x0;
	s5 =	sld [smem:$0x3FA6]  }
0x2b: {  	s6 =	sld [smem:$0x3FA7]  }
0x2c: {  	s7 =	sld [smem:$0x3FA8]  }
0x2d: {  	s3 =	simm.s32 $0x108;
	s8 =	sld [smem:$0x3FA9]  }
0x2e: {  	s3 =	simm.s32 @!p0 $0x1082;
	s9 =	sld [smem:$0x3FAA]  }
0x2f: {  	lr =	sadd.s32 s0, s3;
	s0 =	sld [smem:$0x3FA1]  }
0x30: {  	s3 =	sld [smem:$0x3FA4]  }
0x31: {  	[smem:$0x3FAD] =	sst s10  }
0x32: {  	s10 =	sld [smem:$0x3FAB];
	_ =	sdelay $0x3  }
0x33: {  	p0 =	seq.s32 s10, $0x1;
	s10 =	sld [smem:$0x3FAD];
	_ =	sdelay $0x3  }
0x34: {  	[smem:$0x3FAD] =	sst s10  }
0x35: {  	s10 =	sld [smem:$0x3FAC];
	_ =	sdelay $0x3  }
0x36: {  	p1 =	seq.s32 s10, $0x1;
	s10 =	sld [smem:$0x3FAD];
	_ =	sdelay $0x3  }
0x37: {  	[smem:$0x3FAD] =	sst s10  }
0x38: {  	s10 =	sld [smem:$0x3FAE]  }
0x39: {  	_ = 	snop;
	(pc) =	sbr.ind lr, $3  }
0x3a: {  	_ = 	snop  }
0x3b: {  	_ = 	snop  }
0x3c: {  	p2 =	seq.s32 s10, $0x1;
	s10 =	sld [smem:$0x3FAD]  }
0x3d: {  	_ =	shalt  }
0x3e: {  	_ =	shalt  }
0x3f: {  	_ =	shalt  }
0x40: {  	_ =	shalt  }
0x41: {  	_ =	shalt  }
0x42: {  	_ =	shalt  }
0x43: {  	_ =	shalt  }
0x44: {  	_ =	shalt  }
0x45: {  	_ =	shalt  }
0x46: {  	_ =	shalt  }
0x47: {  	_ =	shalt  }
0x48: {  	_ =	shalt  }
0x49: {  	_ =	shalt  }
0x4a: {  	_ =	shalt  }
0x4b: {  	_ =	shalt  }
0x4c: {  	_ =	shalt  }
0x4d: {  	_ =	shalt  }
0x4e: {  	_ =	shalt  }
0x4f: {  	_ =	shalt  }
0x50: {  	_ =	shalt  }
0x51: {  	_ =	shalt  }
0x52: {  	_ =	shalt  }
0x53: {  	_ =	shalt  }
0x54: {  	_ =	shalt  }
0x55: {  	_ =	shalt  }
0x56: {  	_ =	shalt  }
0x57: {  	_ =	shalt  }
0x58: {  	_ =	shalt  }
0x59: {  	_ =	shalt  }
0x5a: {  	_ =	shalt  }
0x5b: {  	_ =	shalt  }
0x5c: {  	_ =	shalt  }
0x5d: {  	_ =	shalt  }
0x5e: {  	_ =	shalt  }
0x5f: {  	_ =	shalt  }
0x60: {  	_ =	shalt  }
0x61: {  	_ =	shalt  }
0x62: {  	_ =	shalt  }
0x63: {  	_ =	shalt  }
0x64: {  	_ =	shalt  }
0x65: {  	_ =	shalt  }
0x66: {  	_ =	shalt  }
0x67: {  	_ =	shalt  }
0x68: {  	_ =	shalt  }
0x69: {  	_ =	shalt  }
0x6a: {  	_ =	shalt  }
0x6b: {  	_ =	shalt  }
0x6c: {  	_ =	shalt  }
0x6d: {  	_ =	shalt  }
0x6e: {  	_ =	shalt  }
0x6f: {  	_ =	shalt  }
0x70: {  	_ =	shalt  }
0x71: {  	_ =	shalt  }
0x72: {  	_ =	shalt  }
0x73: {  	_ =	shalt  }
0x74: {  	_ =	shalt  }
0x75: {  	_ =	shalt  }
0x76: {  	_ =	shalt  }
0x77: {  	_ =	shalt  }
0x78: {  	_ =	shalt  }
0x79: {  	_ =	shalt  }
0x7a: {  	_ =	shalt  }
0x7b: {  	_ =	shalt  }
0x7c: {  	_ =	shalt  }
0x7d: {  	_ =	shalt  }
0x7e: {  	_ =	shalt  }
0x7f: {  	_ =	shalt  }
0x80: {  	_ =	shalt  }
0x81: {  	_ =	shalt  }
0x82: {  	_ =	shalt  }
0x83: {  	_ =	shalt  }
0x84: {  	_ =	shalt  }
0x85: {  	_ =	shalt  }
0x86: {  	_ =	shalt  }
0x87: {  	_ =	shalt  }
.Lfunc_end0:
.L_simem_size_0:
called_computation.2_lowered:
.L_overlay_start_0:
0x88: {  	s2 =	sld [smem:$0x3FD9]  }
0x89: {  	s3 =	sld [smem:$0x3FFE];
	_ =	sdelay $0x1  }
0x8a: {  	s1 =	srdreg.scid  }
0x8b: {  	s0 =	sand.u32 $0x1, s1  }
0x8c: {  	s17 =	sshll.u32 s0, $0xA;
	s2 =	sadd.s32 s3, s2  }
0x8d: {  	s2 =	sadd.s32 s2, s17  }
0x8e: {  	[smem:$0x3FB9] =	sst s2  }
0x8f: {  	_ = 	snop  }
0x90: {  	s2 =	sld [smem:$0x3FC8]  }
0x91: {  	s18 =	sld [smem:$0x3FD0];
	(tm) =	ssettm $0x1  }
0x92: {  	s4 =	sld [smem:$0x3FFB];
	_ =	sdelay $0x3  }
0x93: {  	_ =	strace s4  }
0x94: {  	s4 =	sld [smem:$0x3FFC];
	_ =	sdelay $0x3  }
0x95: {  	_ =	strace s4  }
0x96: {  	s4 =	sld [smem:$0x3FFD];
	_ =	sdelay $0x3  }
0x97: {  	_ =	strace s4  }
0x98: {  	_ =	strace $0x8FFFFFFF  }
0x99: {  	s19 =	sld [smem:$0x3FDB];
	_ =	sdelay $0x1  }
0x9a: {  	s5 =	simm.s32 $_scs_section_size  }
0x9b: {  	s6 =	simm.s32 $_size__tile_overlayer_lowered;
	s7 =	simm.s32 $_tile_overlayer_lowered  }
0x9c: {  	s22 =	simm.s32 $0x1BFF;
	s21 =	sshll.u32 s7, $0x1;
	s4 =	sadd.s32 s5, s19  }
0x9d: {  	s8 =	simm.s32 $0x0;
	s20 =	sshll.u32 s6, $0x1;
	s6 =	sadd.s32 s21, s4  }
0x9e: {  	[timem:s8], [sflag:s22] =	dma.local [hbm:s6], s20  }
0x9f: {  	_ =	swait.ge [sflag:s22], s20  }
0xa0: {  	s5 =	ssub.s32 $0x0, s20;
	[sflag:s22] =	ssyncset.done $0x0  }
0xa1: {  	[sflag:s22] =	ssyncadd.s32 s5;
	_ =	sdelay $0x1  }
0xa2: {  	s23 =	simm.s32 $0x1B8B  }
0xa3: {  	_ =	swait.ge [sflag:s23], $0x1  }
0xa4: {  	[sflag:s23] =	ssyncset.done $0x0  }
0xa5: {  	s25 =	simm.s32 $0x1B8E;
	s24 =	sld [smem:$0x3FFE];
	[sflag:s23] =	ssyncadd.s32 $0xFFFFFFFF  }
0xa6: {  	s26 =	simm.s32 $execute0_lowered;
	[smem:$0x3FD2] =	sst s25  }
0xa7: {  	s6 =	sshll.u32 s26, $0x1;
	_ =	strace $0x8000004C;
	[dreg:$0x1] =	wrdreg $0xFFFFFFFF  }
0xa8: {  	s28 =	simm.s32 $_size_execute0_lowered;
	s4 =	sadd.s32 s4, s6;
	[dreg:$0x0] =	wrdreg $0x0  }
0xa9: {  	s6 =	sshll.u32 s28, $0x1;
	[dreg:$0x2] =	wrdreg s4  }
0xaa: {  	[dreg:$0x3] =	wrdreg s6  }
0xab: {  	[dreg:$0x4] =	wrdreg $0xC0  }
0xac: {  	_ =	task [dreg:s8], $0x5FFFF  }
0xad: {  	[dreg:$0x1] =	wrdreg $0xFFFFFFFF  }
0xae: {  	[dreg:$0x0] =	wrdreg $0x60  }
0xaf: {  	[dreg:$0x2] =	wrdreg s18  }
0xb0: {  	[dreg:$0x3] =	wrdreg s2  }
0xb1: {  	[dreg:$0x4] =	wrdreg s24  }
0xb2: {  	[dreg:$0x5] =	wrdreg $0x0  }
0xb3: {  	[dreg:$0x6] =	wrdreg $0x9  }
0xb4: {  	_ =	task.clear_ibuf [dreg:s8], $0x7FFFF;
	_ =	strace $0x9000004C  }
0xb5: {  	s29 =	simm.s32 $0x9;
	_ =	strace $0x8000004E  }
0xb6: {  	_ =	swait.ge [sflag:s29], $0x1  }
0xb7: {  	[sflag:s29] =	ssyncadd.s32 $0xFFFFFFFF  }
0xb8: {  	_ =	strace $0x9000004E  }
0xb9: {  	_ =	sfence  }
0xba: {  	s30 =	sld [smem:$0x0];
	_ =	sdelay $0x2  }
0xbb: {  	s31 =	sshll.u32 s1, $0xD;
	s1 =	sshrl.u32 s1, $0x2  }
0xbc: {  	s3 =	sand.u32 $0x4000, s31;
	s1 =	sadd.s32 s1, s30  }
0xbd: {  	s0 =	sor.u32 s3, s0;
	s1 =	sshll.u32 s1, $0x11  }
0xbe: {  	s0 =	sor.u32 s1, s0  }
0xbf: {  	s0 =	sadd.s32 $0x8F2B, s0  }
0xc0: {  	[sflag:s0] =	ssyncadd.remote.s32 $0x1  }
0xc1: {  	_ =	sfence.sel $0xFFFF  }
0xc2: {  	[dreg:$0x0] =	wrdreg $0xFFFFFFFF;
	(pc) =	sbr.abs _section_cstart, $3  }
0xc3: {  	[dreg:$0x1] =	wrdreg $0xFFFFFFFF  }
0xc4: {  	_ =	task.clear_ibuf [dreg:s8], $0x2FFFF;
	_ =	strace $0x9FFFFFFF  }
0xc5: {  	(tm) =	ssettm $0x7FFFFFFF  }
tec
execute0_lowered:
.L_overlay_start_1:
0x0: {  	(tag) =	ssettag $0x1  }
0x1: {  	s1 =	rddreg [dreg:$0x0]  }
0x2: {  	s0 =	rddreg [dreg:$0x1]  }
0x3: {  	s4 =	rddreg [dreg:$0x2]  }
0x4: {  	s2 =	rddreg [dreg:$0x3];
	s3 =	simm.s32 $0x0  }
0x5: {  	s5 =	srdreg.scid;
	s12 =	stileid.u32;
	s28 =	simm.s32 $0x80  }
0x6: {  	s29 =	simm.s32 $0x14100;
	s30 =	simm.s32 $0x2;
	s10 =	smul.u32 $0x50000, s12  }
0x7: {  	s31 =	simm.s32 $0x18200;
	[smem:$0x7FF] =	sst s3;
	s26 =	smul.u32 $0x280, s12  }
0x8: {  	s5 =	sand.u32 $0x1, s5;
	s16 =	smul.u32 $0x2800, s12;
	s20 =	sshll.u32 s12, $0x5  }
0x9: {  	_ =	strace $0x8000004D;
	s6 =	smul.u32 $0x28000, s5;
	s7 =	ssub.s32 $0x2, s5  }
0xa: {  	s8 =	sshll.u32 s5, $0x4;
	s5 =	sshll.u32 s5, $0x9;
	s9 =	sshrl.u32 s7, $0x1  }
0xb: {  	s8 =	sor.u32 s12, s8;
	s23 =	sshrl.u32 s10, $0x2;
	s17 =	sadd.s32 $0x80, s26  }
0xc: {  	s21 =	sadd.s32 $0x180, s26;
	s4 =	sadd.s32 s6, s4;
	s7 =	ssub.s32 s7, s9  }
0xd: {  	s22 =	sshll.u32 s8, $0x5;
	s10 =	sor.u32 $0x980, s8;
	s6 =	sadd.s32 s23, s2  }
0xe: {  	s18 =	sshll.u32 s17, $0x7;
	s11 =	sadd.s32 s0, s22;
	s25 =	sshll.u32 s10, $0x5  }
0xf: {  	s4 =	sadd.s32 $0x4000, s4;
	s7 =	smax.u32 s7, $0x1;
	[dreg:$0x5] =	wrdreg s11  }
0x10: {  	s13 =	sadd.s32 $0x4000, s6;
	s14 =	sadd.s32 $0x8000, s6;
	[dreg:$0x7] =	wrdreg s7  }
0x11: {  	s15 =	sadd.s32 $0xC000, s6;
	s22 =	sadd.s32 s18, s2;
	[dreg:$0x8] =	wrdreg s13  }
0x12: {  	p0 =	sgt.u32 s10, $0x983;
	s24 =	sadd.s32 $0x400, s11;
	[dreg:$0x9] =	wrdreg s14  }
0x13: {  	s9 =	sadd.s32 s25, s0;
	[dreg:$0xa] =	wrdreg s15;
	s13 =	sadd.s32 $0x10000, s6  }
0x14: {  	s14 =	sadd.s32 $0x100, s26;
	s15 =	sor.u32 $0x9C0, s8;
	s7 =	sshll.u32 s17, $0x4  }
0x15: {  	s0 =	sadd.s32 s5, s0;
	s25 =	sadd.s32 $0x200, s26;
	s8 =	sor.u32 $0x9A0, s8  }
0x16: {  	s16 =	sadd.s32 s16, s4;
	s22 =	sshrl.u32 s22, $0x3;
	[dreg:$0x6] =	wrdreg s24  }
0x17: {  	[dreg:$0xb] =	wrdreg s13;
	s19 =	sshll.u32 s14, $0x7;
	s18 =	sshll.u32 s14, $0x4  }
0x18: {  	s13 =	sadd.s32 s20, s0;
	s24 =	sshll.u32 s21, $0x7;
	p1 =	sgt.u32 s8, $0x9A3  }
0x19: {  	s26 =	sshll.u32 s25, $0x7;
	s0 =	sshll.u32 s21, $0x4;
	s10 =	sshll.u32 s25, $0x4  }
0x1a: {  	s14 =	sadd.s32 $0x800, s9;
	p2 =	sgt.u32 s15, $0x9C3;
	s15 =	simm.s32 $0x14200  }
0x1b: {  	s17 =	sadd.s32 s7, s4;
	s21 =	simm.s32 $0x5;
	s7 =	simm.s32 $0x1  }
0x1c: {  	s9 =	simm.s32 $0x0;
	s23 =	sadd.s32 s19, s2;
	s5 =	sadd.s32 s24, s2  }
0x1d: {  	s8 =	sadd.s32 s26, s2;
	s18 =	sadd.s32 s18, s4;
	s19 =	sadd.s32 s0, s4  }
0x1e: {  	s20 =	sadd.s32 s10, s4;
	s26 =	simm.s32 $0x14000;
	s0 =	simm.s32 $0x3  }
0x1f: {  	s4 =	simm.s32 $0x14080;
	s23 =	sshrl.u32 s23, $0x3;
	s24 =	sshrl.u32 s5, $0x3  }
0x20: {  	v0 =	vimm.f32 $0.0e+00;
	s25 =	sshrl.u32 s8, $0x3;
	s5 =	simm.s32 $0x4;
	s8 =	simm.s32 $0x14180  }
.LBB2_1:
0x21: {  	s10 =	simm.s32 $0x0;
	s11 =	simm.s32 $0x200  }
.LBB2_2:
0x22: {  	p3 =	sne.s32 s11, $0xFE00;
	[tilespmem:s10+$0x14270] =	vst v0  }
0x23: {  	[tilespmem:s10+$0x14200] =	vst v0  }
0x24: {  	[tilespmem:s10+$0x14210] =	vst v0  }
.Ltmp0:
0x25: {  	[tilespmem:s10+$0x14220] =	vst v0;
	(pc) =	sbr.rel @p3 .LBB2_2-.Ltmp0, $4  }
0x26: {  	[tilespmem:s10+$0x14230] =	vst v0  }
0x27: {  	[tilespmem:s10+$0x14240] =	vst v0  }
0x28: {  	[tilespmem:s10+$0x14250] =	vst v0  }
0x29: {  	[tilespmem:s10+$0x14260] =	vst v0;
	s10 =	sshra.s32 s11, $0x2;
	s11 =	sadd.s32 $0x200, s11  }
0x2a: {  	[tilespmem:s10+$0x14270] =	vst v0  }
0x2b: {  	[tilespmem:s10+$0x14200] =	vst v0  }
0x2c: {  	[tilespmem:s10+$0x14210] =	vst v0  }
0x2d: {  	[tilespmem:s10+$0x14220] =	vst v0  }
0x2e: {  	[tilespmem:s10+$0x14230] =	vst v0  }
0x2f: {  	[tilespmem:s10+$0x14240] =	vst v0  }
0x30: {  	[tilespmem:s10+$0x14250] =	vst v0  }
0x31: {  	[tilespmem:s10+$0x14260] =	vst v0  }
0x32: {  	[spmem:s6] =	stream.linear.scatter [tilespmem:s15], [sflag:$0x5], $0x4000, $0x38;
	[tilespmem:$0x1C200] =	vst v63  }
0x33: {  	_ =	swait.ge [sflag:s21], $0x4000  }
0x34: {  	[sflag:s21] =	ssyncset.done $0x0  }
0x35: {  	s12 =	rddreg [dreg:$0x8];
	[sflag:s21] =	ssyncadd.s32 $0xFFFFC000  }
0x36: {  	[spmem:s12] =	stream.linear.scatter [tilespmem:s15], [sflag:$0x5], $0x4000, $0x38;
	[tilespmem:$0x1C200] =	vst v63  }
0x37: {  	_ =	swait.ge [sflag:s21], $0x4000  }
0x38: {  	[sflag:s21] =	ssyncset.done $0x0  }
0x39: {  	s11 =	rddreg [dreg:$0x9];
	[sflag:s21] =	ssyncadd.s32 $0xFFFFC000  }
0x3a: {  	[spmem:s11] =	stream.linear.scatter [tilespmem:s15], [sflag:$0x5], $0x4000, $0x38;
	[tilespmem:$0x1C200] =	vst v63  }
0x3b: {  	_ =	swait.ge [sflag:s21], $0x4000  }
0x3c: {  	[sflag:s21] =	ssyncset.done $0x0  }
0x3d: {  	s12 =	rddreg [dreg:$0xa];
	[sflag:s21] =	ssyncadd.s32 $0xFFFFC000  }
0x3e: {  	[spmem:s12] =	stream.linear.scatter [tilespmem:s15], [sflag:$0x5], $0x4000, $0x38;
	[tilespmem:$0x1C200] =	vst v63  }
0x3f: {  	_ =	swait.ge [sflag:s21], $0x4000  }
0x40: {  	[sflag:s21] =	ssyncset.done $0x0  }
0x41: {  	s11 =	rddreg [dreg:$0xb];
	[sflag:s21] =	ssyncadd.s32 $0xFFFFC000  }
0x42: {  	[spmem:s11] =	stream.linear.scatter [tilespmem:s15], [sflag:$0x5], $0x4000, $0x38;
	[tilespmem:$0x1C200] =	vst v63  }
0x43: {  	_ =	swait.ge [sflag:s21], $0x4000  }
0x44: {  	[sflag:s21] =	ssyncset.done $0x0  }
0x45: {  	[sflag:s21] =	ssyncadd.s32 $0xFFFFC000  }
0x46: {  	[bflag:$0x0] =	sbarrier.arrive $0xFFFF  }
0x47: {  	s12 =	rddreg [dreg:$0x5]  }
0x48: {  	[tilespmem:s26], [sflag:$0x5] =	stream.linear.gather [hbm4b:s12+s3], $0x100, $0x38;
	[tilespmem:$0x1C200] =	vst v63  }
0x49: {  	_ =	swait.ge [sflag:s21], $0x100  }
0x4a: {  	[sflag:s21] =	ssyncset.done $0x0  }
0x4b: {  	[sflag:s21] =	ssyncadd.s32 $0xFFFFFF00  }
0x4c: {  	[tilespmem:s15], [sflag:$0x3] =	stream.indirect.gather [hbm4b:s1+s28], $0x80, s26, s28, $0xb8;
	[tilespmem:$0x1C200] =	vst v63  }
0x4d: {  	s11 =	rddreg [dreg:$0x6]  }
0x4e: {  	[tilespmem:s29], [sflag:$0x2] =	stream.linear.gather [hbm4b:s11+s3], $0x100, $0x38;
	[tilespmem:$0x1C200] =	vst v63  }
0x4f: {  	_ =	swait.ge [sflag:s30], $0x100  }
0x50: {  	[sflag:s30] =	ssyncset.done $0x0  }
0x51: {  	[sflag:s30] =	ssyncadd.s32 $0xFFFFFF00  }
0x52: {  	[tilespmem:s31], [sflag:$0x4] =	stream.indirect.gather [hbm4b:s1+s28], $0x80, s29, s28, $0xb8;
	[tilespmem:$0x1C200] =	vst v63  }
0x53: {  	_ =	swait.ge [sflag:s0], $0x4000  }
0x54: {  	[sflag:s0] =	ssyncset.done $0x0  }
0x55: {  	[sflag:s0] =	ssyncadd.s32 $0xFFFFC000  }
0x56: {  	[spmem:s2] =	stream.indirect.scatter.add.f32 [tilespmem:s15], [sflag:$0x5], $0x80, s4, s28, $0xb8;
	[tilespmem:$0x1C200] =	vst v63  }
0x57: {  	_ =	swait.ge [sflag:s21], $0x4000  }
0x58: {  	s11 =	sadd.s32 $0xFFFED000, s13;
	[sflag:s21] =	ssyncset.done $0x0  }
0x59: {  	s12 =	sadd.s32 $0x13800, s11;
	[sflag:s21] =	ssyncadd.s32 $0xFFFFC000  }
0x5a: {  	[tilespmem:s26], [sflag:$0x1] =	stream.linear.gather [hbm4b:s12+s3], $0x100, $0x38;
	[tilespmem:$0x1C200] =	vst v63  }
0x5b: {  	_ =	swait.ge [sflag:s7], $0x100  }
0x5c: {  	[sflag:s7] =	ssyncset.done $0x0  }
0x5d: {  	[sflag:s7] =	ssyncadd.s32 $0xFFFFFF00  }
0x5e: {  	[tilespmem:s15], [sflag:$0x3] =	stream.indirect.gather [hbm4b:s1+s28], $0x80, s26, s28, $0xb8;
	[tilespmem:$0x1C200] =	vst v63  }
0x5f: {  	_ =	swait.ge [sflag:s5], $0x4000  }
0x60: {  	[sflag:s5] =	ssyncset.done $0x0  }
0x61: {  	[sflag:s5] =	ssyncadd.s32 $0xFFFFC000  }
0x62: {  	[spmem:s2] =	stream.indirect.scatter.add.f32 [tilespmem:s31], [sflag:$0x5], $0x80, s8, s28, $0xb8;
	[tilespmem:$0x1C200] =	vst v63  }
0x63: {  	_ =	swait.ge [sflag:s21], $0x4000  }
0x64: {  	[sflag:s21] =	ssyncset.done $0x0  }
0x65: {  	s10 =	simm.s32 $0xFFFED800;
	s11 =	sadd.s32 $0x13C00, s11;
	[sflag:s21] =	ssyncadd.s32 $0xFFFFC000  }
.LBB2_4:
0x66: {  	[tilespmem:s29], [sflag:$0x2] =	stream.linear.gather [hbm4b:s11+s3], $0x100, $0x38;
	[tilespmem:$0x1C200] =	vst v63  }
0x67: {  	s11 =	smov.u32 s10  }
0x68: {  	p3 =	sne.s32 s10, $0xFFFFF800;
	s10 =	sadd.s32 $0x800, s10;
	_ =	swait.ge [sflag:s30], $0x100  }
0x69: {  	[sflag:s30] =	ssyncset.done $0x0  }
0x6a: {  	[sflag:s30] =	ssyncadd.s32 $0xFFFFFF00  }
0x6b: {  	[tilespmem:s31], [sflag:$0x4] =	stream.indirect.gather [hbm4b:s1+s28], $0x80, s29, s28, $0xb8;
	[tilespmem:$0x1C200] =	vst v63  }
0x6c: {  	_ =	swait.ge [sflag:s0], $0x4000  }
0x6d: {  	[sflag:s0] =	ssyncset.done $0x0  }
0x6e: {  	[sflag:s0] =	ssyncadd.s32 $0xFFFFC000  }
0x6f: {  	[spmem:s2] =	stream.indirect.scatter.add.f32 [tilespmem:s15], [sflag:$0x5], $0x80, s4, s28, $0xb8;
	[tilespmem:$0x1C200] =	vst v63  }
0x70: {  	_ =	swait.ge [sflag:s21], $0x4000  }
0x71: {  	s11 =	sadd.s32 s11, s13;
	[sflag:s21] =	ssyncset.done $0x0  }
0x72: {  	s12 =	sadd.s32 $0x13800, s11;
	[sflag:s21] =	ssyncadd.s32 $0xFFFFC000  }
0x73: {  	[tilespmem:s26], [sflag:$0x1] =	stream.linear.gather [hbm4b:s12+s3], $0x100, $0x38;
	[tilespmem:$0x1C200] =	vst v63  }
0x74: {  	_ =	swait.ge [sflag:s7], $0x100  }
0x75: {  	[sflag:s7] =	ssyncset.done $0x0  }
0x76: {  	[sflag:s7] =	ssyncadd.s32 $0xFFFFFF00  }
0x77: {  	[tilespmem:s15], [sflag:$0x3] =	stream.indirect.gather [hbm4b:s1+s28], $0x80, s26, s28, $0xb8;
	[tilespmem:$0x1C200] =	vst v63  }
0x78: {  	_ =	swait.ge [sflag:s5], $0x4000  }
0x79: {  	[sflag:s5] =	ssyncset.done $0x0  }
.Ltmp1:
0x7a: {  	[sflag:s5] =	ssyncadd.s32 $0xFFFFC000;
	(pc) =	sbr.rel @p3 .LBB2_4-.Ltmp1, $4  }
0x7b: {  	[spmem:s2] =	stream.indirect.scatter.add.f32 [tilespmem:s31], [sflag:$0x5], $0x80, s8, s28, $0xb8;
	[tilespmem:$0x1C200] =	vst v63  }
0x7c: {  	_ =	swait.ge [sflag:s21], $0x4000  }
0x7d: {  	[sflag:s21] =	ssyncset.done $0x0  }
0x7e: {  	s11 =	sadd.s32 $0x13C00, s11;
	[sflag:s21] =	ssyncadd.s32 $0xFFFFC000  }
0x7f: {  	[tilespmem:s29], [sflag:$0x2] =	stream.linear.gather [hbm4b:s11+s3], $0x100, $0x38;
	[tilespmem:$0x1C200] =	vst v63  }
0x80: {  	_ =	swait.ge [sflag:s30], $0x100  }
0x81: {  	[sflag:s30] =	ssyncset.done $0x0  }
0x82: {  	[sflag:s30] =	ssyncadd.s32 $0xFFFFFF00  }
0x83: {  	[tilespmem:s31], [sflag:$0x4] =	stream.indirect.gather [hbm4b:s1+s28], $0x80, s29, s28, $0xb8;
	[tilespmem:$0x1C200] =	vst v63  }
0x84: {  	_ =	swait.ge [sflag:s0], $0x4000  }
0x85: {  	[sflag:s0] =	ssyncset.done $0x0  }
0x86: {  	[sflag:s0] =	ssyncadd.s32 $0xFFFFC000  }
0x87: {  	[spmem:s2] =	stream.indirect.scatter.add.f32 [tilespmem:s15], [sflag:$0x5], $0x80, s4, s28, $0xb8;
	[tilespmem:$0x1C200] =	vst v63  }
0x88: {  	_ =	swait.ge [sflag:s21], $0x4000  }
0x89: {  	[sflag:s21] =	ssyncset.done $0x0  }
0x8a: {  	s10 =	simm.s32 @!p0 $0x0;
	s11 =	simm.s32 @!p0 $0x14000;
	[sflag:s21] =	ssyncadd.s32 $0xFFFFC000  }
0x8b: {  	[tilespmem:s11], [sflag:$0x1] =	stream.linear.gather @!p0 [hbm4b:s14+s10], $0x100, $0x38;
	[tilespmem:$0x1C200] =	vst v63  }
0x8c: {  	s10 =	simm.s32 @!p1 $0x1  }
0x8d: {  	_ =	swait.ge @!p1 [sflag:s10], $0x100  }
0x8e: {  	s12 =	simm.s32 @!p1 $0x14200;
	[sflag:s10] =	ssyncset.done @!p1 $0x0  }
0x8f: {  	s11 =	simm.s32 @!p1 $0x14000;
	[sflag:s10] =	ssyncadd.s32 @!p1 $0xFFFFFF00;
	s10 =	simm.s32 @!p1 $0x80  }
0x90: {  	[tilespmem:s12], [sflag:$0x3] =	stream.indirect.gather @!p1 [hbm4b:s1+s10], $0x80, s11, s10, $0xb8;
	[tilespmem:$0x1C200] =	vst v63  }
0x91: {  	_ =	swait.ge [sflag:s5], $0x4000  }
0x92: {  	[sflag:s5] =	ssyncset.done $0x0  }
0x93: {  	[sflag:s5] =	ssyncadd.s32 $0xFFFFC000  }
0x94: {  	[spmem:s2] =	stream.indirect.scatter.add.f32 [tilespmem:s31], [sflag:$0x5], $0x80, s8, s28, $0xb8;
	[tilespmem:$0x1C200] =	vst v63  }
0x95: {  	_ =	swait.ge [sflag:s21], $0x4000  }
0x96: {  	[sflag:s21] =	ssyncset.done $0x0  }
0x97: {  	s10 =	simm.s32 @!p2 $0x3;
	[sflag:s21] =	ssyncadd.s32 $0xFFFFC000  }
0x98: {  	_ =	swait.ge @!p2 [sflag:s10], $0x4000  }
0x99: {  	s11 =	simm.s32 @!p2 $0x14080;
	[sflag:s10] =	ssyncset.done @!p2 $0x0  }
0x9a: {  	s12 =	simm.s32 @!p2 $0x14200;
	[sflag:s10] =	ssyncadd.s32 @!p2 $0xFFFFC000;
	s10 =	simm.s32 @!p2 $0x80  }
0x9b: {  	[spmem:s2] =	stream.indirect.scatter.add.f32 @!p2 [tilespmem:s12], [sflag:$0x5], $0x80, s11, s10, $0xb8;
	[tilespmem:$0x1C200] =	vst v63  }
0x9c: {  	s10 =	simm.s32 @!p2 $0x5  }
0x9d: {  	_ =	swait.ge @!p2 [sflag:s10], $0x4000  }
0x9e: {  	s11 =	stileid.u32;
	[sflag:s10] =	ssyncset.done @!p2 $0x0  }
0x9f: {  	[sflag:s10] =	ssyncadd.s32 @!p2 $0xFFFFC000;
	s10 =	sshll.u32 s11, $0x6  }
0xa0: {  	s12 =	sshrl.u32 s6, $0x3;
	[bflag:$0x0] =	sbarrier.arrive $0xFFFF;
	s10 =	sor.u32 $0x1C05, s10  }
0xa1: {  	[hbm:s16], [sflag:s10] =	dma.local [spmem:s12], $0x800  }
0xa2: {  	_ =	swait.ge [sflag:s21], $0x800  }
0xa3: {  	[sflag:s21] =	ssyncset.done $0x0  }
0xa4: {  	[sflag:s21] =	ssyncadd.s32 $0xFFFFF800  }
0xa5: {  	[hbm:s17], [sflag:s10] =	dma.local [spmem:s22], $0x800  }
0xa6: {  	_ =	swait.ge [sflag:s21], $0x800  }
0xa7: {  	[sflag:s21] =	ssyncset.done $0x0  }
0xa8: {  	[sflag:s21] =	ssyncadd.s32 $0xFFFFF800  }
0xa9: {  	[hbm:s18], [sflag:s10] =	dma.local [spmem:s23], $0x800  }
0xaa: {  	_ =	swait.ge [sflag:s21], $0x800  }
0xab: {  	[sflag:s21] =	ssyncset.done $0x0  }
0xac: {  	[sflag:s21] =	ssyncadd.s32 $0xFFFFF800  }
0xad: {  	[hbm:s19], [sflag:s10] =	dma.local [spmem:s24], $0x800  }
0xae: {  	_ =	swait.ge [sflag:s21], $0x800  }
0xaf: {  	[sflag:s21] =	ssyncset.done $0x0  }
0xb0: {  	[sflag:s21] =	ssyncadd.s32 $0xFFFFF800  }
0xb1: {  	[hbm:s20], [sflag:s10] =	dma.local [spmem:s25], $0x800  }
0xb2: {  	_ =	swait.ge [sflag:s21], $0x800  }
0xb3: {  	s9 =	sadd.s32 $0x1, s9;
	s12 =	rddreg [dreg:$0x7]  }
0xb4: {  	p3 =	sne.s32 s9, s12  }
.Ltmp2:
0xb5: {  	_ = 	snop;
	(pc) =	sbr.rel @p3 .LBB2_1-.Ltmp2, $3  }
0xb6: {  	_ =	sdelay $0x1  }
0xb7: {  	[sflag:s21] =	ssyncset.done $0x0  }
0xb8: {  	[sflag:s21] =	ssyncadd.s32 $0xFFFFF800  }
0xb9: {  	_ =	sfence.sel $0x180000  }
0xba: {  	[bflag:$0x0] =	sbarrier.arrive $0xFFFF  }
0xbb: {  	_ =	strace $0x9000004D  }
0xbc: {  	s0 =	stileid.u32;
	[bflag:$0x2] =	sbarrier.arrive $0xFFFF  }
0xbd: {  	p0 =	sne.s32 s0, $0x0;
	s0 =	rddreg [dreg:$0x4]  }
0xbe: {  	s0 =	sadd.s32 @!p0 $0x100000, s0  }
0xbf: {  	[sflag:s0] =	ssyncadd.tile.s32 @!p0 $0x1;
	_ =	shalt  }
.Lfunc_end2:
_tile_overlayer_lowered:
.L_overlay_start_2:
0xc0: {  	(tag) =	ssettag $0x2  }
0xc1: {  	s0 =	rddreg [dreg:$0x0];
	s2 =	stileid.u32  }
0xc2: {  	s1 =	rddreg [dreg:$0x1];
	p0 =	sne.s32 s2, $0x0  }
0xc3: {  	s3 =	rddreg [dreg:$0x2];
	[bflag:$0x3] =	sbarrier.arrive $0xFFFF;
	s2 =	simm.s32 @!p0 $0x1C05  }
0xc4: {  	[timem:s3], [sflag:s2] =	dma.local @!p0 [hbm:s0], s1  }
0xc5: {  	s0 =	simm.s32 @!p0 $0x5  }
0xc6: {  	_ =	swait.ge @!p0 [sflag:s0], s1  }
0xc7: {  	s1 =	ssub.s32 @!p0 $0x0, s1;
	[sflag:s0] =	ssyncset.done @!p0 $0x0  }
0xc8: {  	[sflag:s0] =	ssyncadd.s32 @!p0 s1  }
0xc9: {  	[bflag:$0x3] =	sbarrier.arrive $0xFFFF  }
0xca: {  	_ =	shalt  }

// kernel: kernel.9.cloned.1.call-start
scs
__scs_entry_jumppad:
0x0: {  	(pc) =	sbr.rel $0x88, $3  }
0x1: {  	(tag) =	ssettag $0x0;
	lr =	simm.s32 $0x1  }
0x2: {  	[smem:$0x3F92] =	sst lr;
	_ =	strace $0xD0000000  }
0x3: {  	_ = 	snop  }
0x4: {  	_ = 	snop  }
0x5: {  	_ = 	snop  }
0x6: {  	_ = 	snop  }
0x7: {  	_ = 	snop  }
__scs_overlays_trampoline_lowered:
0x8: {  	[smem:$0x3FA1] =	sst s0  }
0x9: {  	[smem:$0x3FA2] =	sst s1  }
0xa: {  	[smem:$0x3FA3] =	sst s2  }
0xb: {  	[smem:$0x3FA4] =	sst s3  }
0xc: {  	[smem:$0x3FA5] =	sst s4  }
0xd: {  	[smem:$0x3FA6] =	sst s5  }
0xe: {  	[smem:$0x3FA7] =	sst s6  }
0xf: {  	[smem:$0x3FA8] =	sst s7  }
0x10: {  	[smem:$0x3FA9] =	sst s8  }
0x11: {  	[smem:$0x3FAA] =	sst s9;
	s0 =	simm.s32 @!p0 $0x0  }
0x12: {  	s1 =	sld [smem:$0x3F90];
	s0 =	simm.s32 @p0 $0x1  }
0x13: {  	[smem:$0x3FAB] =	sst s0;
	s0 =	simm.s32 @!p1 $0x0  }
0x14: {  	s2 =	sld [smem:$0x3F8F];
	s0 =	simm.s32 @p1 $0x1  }
0x15: {  	[smem:$0x3FAC] =	sst s0;
	s0 =	simm.s32 @!p2 $0x0  }
0x16: {  	s3 =	sld [smem:$0x3FDB];
	s0 =	simm.s32 @p2 $0x1  }
0x17: {  	s4 =	simm.s32 $0x1BF5;
	[smem:$0x3FAE] =	sst s0  }
0x18: {  	s0 =	sld [smem:$0x3F91];
	_ =	swait.ge [sflag:s4], $0x0  }
0x19: {  	s7 =	sld [smem:$0x3F92]  }
0x1a: {  	s8 =	sadd.s32 $0xFFFFE003, lr  }
0x1b: {  	s9 =	sadd.s32 $0xFFFFFEF7, lr;
	s5 =	simm.s32 $0xFFFFFFFF;
	p2 =	slt.u32 s8, $0xFFFFF086  }
0x1c: {  	p1 =	slt.u32 s9, $0xF7A;
	s5 =	simm.s32 @!p2 $0x0  }
0x1d: {  	s5 =	simm.s32 @p1 $0x1;
	p0 =	seq.s32 s7, s2  }
0x1e: {  	s7 =	smul.u32 @!p0 $0xF7A, s2;
	p2 =	seq.s32 @!p0 s5, $0x0  }
0x1f: {  	s9 =	smul.u32 $0xF7A, s1;
	s8 =	simm.s32 @!p0 $0x1BF5;
	p2 =	por !p2, p0  }
0x20: {  	[sflag:s8] =	ssyncset.s32 @!p0 $0xFFFFF086;
	s6 =	sadd.s32 @!p0 s3, s7;
	s7 =	simm.s32 @!p0 $0x108  }
0x21: {  	s3 =	sadd.s32 s3, s9;
	s6 =	sadd.s32 @!p0 $0x88, s6;
	s7 =	simm.s32 @p2 $0x1082  }
0x22: {  	[simem:s7], [sflag:s8] =	dma.local @!p0 [hbm:s6], $0xF7A  }
0x23: {  	s9 =	sor.u32 $0xD0000000, s2;
	s6 =	simm.s32 $0x108;
	_ =	swait.ge @!p0 [sflag:s8], $0x0  }
0x24: {  	s3 =	sadd.s32 $0x88, s3;
	s6 =	simm.s32 @!p1 $0x1082;
	[sflag:s4] =	ssyncset.s32 $0xFFFFF086  }
0x25: {  	[simem:s6], [sflag:s4] =	dma.local [hbm:s3], $0xF7A  }
0x26: {  	[smem:$0x3F92] =	sst s1;
	(tag) =	ssettag s2;
	_ =	strace s9  }
0x27: {  	s1 =	sld [smem:$0x3FA2]  }
0x28: {  	s2 =	sld [smem:$0x3FA3]  }
0x29: {  	s4 =	sld [smem:$0x3FA5]  }
0x2a: {  	p0 =	seq.s32 s5, $0x0;
	s5 =	sld [smem:$0x3FA6]  }
0x2b: {  	s6 =	sld [smem:$0x3FA7]  }
0x2c: {  	s7 =	sld [smem:$0x3FA8]  }
0x2d: {  	s3 =	simm.s32 $0x108;
	s8 =	sld [smem:$0x3FA9]  }
0x2e: {  	s3 =	simm.s32 @!p0 $0x1082;
	s9 =	sld [smem:$0x3FAA]  }
0x2f: {  	lr =	sadd.s32 s0, s3;
	s0 =	sld [smem:$0x3FA1]  }
0x30: {  	s3 =	sld [smem:$0x3FA4]  }
0x31: {  	[smem:$0x3FAD] =	sst s10  }
0x32: {  	s10 =	sld [smem:$0x3FAB];
	_ =	sdelay $0x3  }
0x33: {  	p0 =	seq.s32 s10, $0x1;
	s10 =	sld [smem:$0x3FAD];
	_ =	sdelay $0x3  }
0x34: {  	[smem:$0x3FAD] =	sst s10  }
0x35: {  	s10 =	sld [smem:$0x3FAC];
	_ =	sdelay $0x3  }
0x36: {  	p1 =	seq.s32 s10, $0x1;
	s10 =	sld [smem:$0x3FAD];
	_ =	sdelay $0x3  }
0x37: {  	[smem:$0x3FAD] =	sst s10  }
0x38: {  	s10 =	sld [smem:$0x3FAE]  }
0x39: {  	_ = 	snop;
	(pc) =	sbr.ind lr, $3  }
0x3a: {  	_ = 	snop  }
0x3b: {  	_ = 	snop  }
0x3c: {  	p2 =	seq.s32 s10, $0x1;
	s10 =	sld [smem:$0x3FAD]  }
0x3d: {  	_ =	shalt  }
0x3e: {  	_ =	shalt  }
0x3f: {  	_ =	shalt  }
0x40: {  	_ =	shalt  }
0x41: {  	_ =	shalt  }
0x42: {  	_ =	shalt  }
0x43: {  	_ =	shalt  }
0x44: {  	_ =	shalt  }
0x45: {  	_ =	shalt  }
0x46: {  	_ =	shalt  }
0x47: {  	_ =	shalt  }
0x48: {  	_ =	shalt  }
0x49: {  	_ =	shalt  }
0x4a: {  	_ =	shalt  }
0x4b: {  	_ =	shalt  }
0x4c: {  	_ =	shalt  }
0x4d: {  	_ =	shalt  }
0x4e: {  	_ =	shalt  }
0x4f: {  	_ =	shalt  }
0x50: {  	_ =	shalt  }
0x51: {  	_ =	shalt  }
0x52: {  	_ =	shalt  }
0x53: {  	_ =	shalt  }
0x54: {  	_ =	shalt  }
0x55: {  	_ =	shalt  }
0x56: {  	_ =	shalt  }
0x57: {  	_ =	shalt  }
0x58: {  	_ =	shalt  }
0x59: {  	_ =	shalt  }
0x5a: {  	_ =	shalt  }
0x5b: {  	_ =	shalt  }
0x5c: {  	_ =	shalt  }
0x5d: {  	_ =	shalt  }
0x5e: {  	_ =	shalt  }
0x5f: {  	_ =	shalt  }
0x60: {  	_ =	shalt  }
0x61: {  	_ =	shalt  }
0x62: {  	_ =	shalt  }
0x63: {  	_ =	shalt  }
0x64: {  	_ =	shalt  }
0x65: {  	_ =	shalt  }
0x66: {  	_ =	shalt  }
0x67: {  	_ =	shalt  }
0x68: {  	_ =	shalt  }
0x69: {  	_ =	shalt  }
0x6a: {  	_ =	shalt  }
0x6b: {  	_ =	shalt  }
0x6c: {  	_ =	shalt  }
0x6d: {  	_ =	shalt  }
0x6e: {  	_ =	shalt  }
0x6f: {  	_ =	shalt  }
0x70: {  	_ =	shalt  }
0x71: {  	_ =	shalt  }
0x72: {  	_ =	shalt  }
0x73: {  	_ =	shalt  }
0x74: {  	_ =	shalt  }
0x75: {  	_ =	shalt  }
0x76: {  	_ =	shalt  }
0x77: {  	_ =	shalt  }
0x78: {  	_ =	shalt  }
0x79: {  	_ =	shalt  }
0x7a: {  	_ =	shalt  }
0x7b: {  	_ =	shalt  }
0x7c: {  	_ =	shalt  }
0x7d: {  	_ =	shalt  }
0x7e: {  	_ =	shalt  }
0x7f: {  	_ =	shalt  }
0x80: {  	_ =	shalt  }
0x81: {  	_ =	shalt  }
0x82: {  	_ =	shalt  }
0x83: {  	_ =	shalt  }
0x84: {  	_ =	shalt  }
0x85: {  	_ =	shalt  }
0x86: {  	_ =	shalt  }
0x87: {  	_ =	shalt  }
.Lfunc_end0:
.L_simem_size_0:
called_computation_lowered:
.L_overlay_start_0:
0x88: {  	s2 =	sld [smem:$0x3FD9]  }
0x89: {  	s3 =	sld [smem:$0x3FFE];
	_ =	sdelay $0x1  }
0x8a: {  	s1 =	srdreg.scid  }
0x8b: {  	s0 =	sand.u32 $0x1, s1  }
0x8c: {  	s17 =	sshll.u32 s0, $0xA;
	s2 =	sadd.s32 s3, s2  }
0x8d: {  	s2 =	sadd.s32 s2, s17  }
0x8e: {  	[smem:$0x3FB9] =	sst s2  }
0x8f: {  	_ = 	snop  }
0x90: {  	s2 =	sld [smem:$0x3FC8]  }
0x91: {  	s18 =	sld [smem:$0x3FD0];
	(tm) =	ssettm $0x1  }
0x92: {  	s4 =	sld [smem:$0x3FFB];
	_ =	sdelay $0x3  }
0x93: {  	_ =	strace s4  }
0x94: {  	s4 =	sld [smem:$0x3FFC];
	_ =	sdelay $0x3  }
0x95: {  	_ =	strace s4  }
0x96: {  	s4 =	sld [smem:$0x3FFD];
	_ =	sdelay $0x3  }
0x97: {  	_ =	strace s4  }
0x98: {  	_ =	strace $0x8FFFFFFF  }
0x99: {  	s19 =	sld [smem:$0x3FDB];
	_ =	sdelay $0x1  }
0x9a: {  	s5 =	simm.s32 $_scs_section_size  }
0x9b: {  	s6 =	simm.s32 $_size__tile_overlayer_lowered;
	s7 =	simm.s32 $_tile_overlayer_lowered  }
0x9c: {  	s22 =	simm.s32 $0x1BFF;
	s21 =	sshll.u32 s7, $0x1;
	s4 =	sadd.s32 s5, s19  }
0x9d: {  	s8 =	simm.s32 $0x0;
	s20 =	sshll.u32 s6, $0x1;
	s6 =	sadd.s32 s21, s4  }
0x9e: {  	[timem:s8], [sflag:s22] =	dma.local [hbm:s6], s20  }
0x9f: {  	_ =	swait.ge [sflag:s22], s20  }
0xa0: {  	s5 =	ssub.s32 $0x0, s20;
	[sflag:s22] =	ssyncset.done $0x0  }
0xa1: {  	[sflag:s22] =	ssyncadd.s32 s5;
	_ =	sdelay $0x1  }
0xa2: {  	s23 =	simm.s32 $0x1B8B  }
0xa3: {  	_ =	swait.ge [sflag:s23], $0x1  }
0xa4: {  	[sflag:s23] =	ssyncset.done $0x0  }
0xa5: {  	s25 =	simm.s32 $0x1B8E;
	s24 =	sld [smem:$0x3FFE];
	[sflag:s23] =	ssyncadd.s32 $0xFFFFFFFF  }
0xa6: {  	s26 =	simm.s32 $execute0_lowered;
	[smem:$0x3FD2] =	sst s25  }
0xa7: {  	s6 =	sshll.u32 s26, $0x1;
	_ =	strace $0x80000046;
	[dreg:$0x1] =	wrdreg $0xFFFFFFFF  }
0xa8: {  	s28 =	simm.s32 $_size_execute0_lowered;
	s4 =	sadd.s32 s4, s6;
	[dreg:$0x0] =	wrdreg $0x0  }
0xa9: {  	s6 =	sshll.u32 s28, $0x1;
	[dreg:$0x2] =	wrdreg s4  }
0xaa: {  	[dreg:$0x3] =	wrdreg s6  }
0xab: {  	[dreg:$0x4] =	wrdreg $0xC0  }
0xac: {  	_ =	task [dreg:s8], $0x5FFFF  }
0xad: {  	[dreg:$0x1] =	wrdreg $0xFFFFFFFF  }
0xae: {  	[dreg:$0x0] =	wrdreg $0x60  }
0xaf: {  	[dreg:$0x2] =	wrdreg s18  }
0xb0: {  	[dreg:$0x3] =	wrdreg s2  }
0xb1: {  	[dreg:$0x4] =	wrdreg s24  }
0xb2: {  	[dreg:$0x5] =	wrdreg $0x0  }
0xb3: {  	[dreg:$0x6] =	wrdreg $0x9  }
0xb4: {  	_ =	task.clear_ibuf [dreg:s8], $0x7FFFF;
	_ =	strace $0x90000046  }
0xb5: {  	s29 =	simm.s32 $0x9;
	_ =	strace $0x80000048  }
0xb6: {  	_ =	swait.ge [sflag:s29], $0x1  }
0xb7: {  	[sflag:s29] =	ssyncadd.s32 $0xFFFFFFFF  }
0xb8: {  	_ =	strace $0x90000048  }
0xb9: {  	_ =	sfence  }
0xba: {  	s30 =	sld [smem:$0x0];
	_ =	sdelay $0x2  }
0xbb: {  	s31 =	sshll.u32 s1, $0xD;
	s1 =	sshrl.u32 s1, $0x2  }
0xbc: {  	s3 =	sand.u32 $0x4000, s31;
	s1 =	sadd.s32 s1, s30  }
0xbd: {  	s0 =	sor.u32 s3, s0;
	s1 =	sshll.u32 s1, $0x11  }
0xbe: {  	s0 =	sor.u32 s1, s0  }
0xbf: {  	s0 =	sadd.s32 $0x8F2B, s0  }
0xc0: {  	[sflag:s0] =	ssyncadd.remote.s32 $0x1  }
0xc1: {  	_ =	sfence.sel $0xFFFF  }
0xc2: {  	[dreg:$0x0] =	wrdreg $0xFFFFFFFF;
	(pc) =	sbr.abs _section_cstart, $3  }
0xc3: {  	[dreg:$0x1] =	wrdreg $0xFFFFFFFF  }
0xc4: {  	_ =	task.clear_ibuf [dreg:s8], $0x2FFFF;
	_ =	strace $0x9FFFFFFF  }
0xc5: {  	(tm) =	ssettm $0x7FFFFFFF  }
tec
execute0_lowered:
.L_overlay_start_1:
0x0: {  	(tag) =	ssettag $0x1  }
0x1: {  	s1 =	rddreg [dreg:$0x0]  }
0x2: {  	s0 =	rddreg [dreg:$0x1]  }
0x3: {  	s4 =	rddreg [dreg:$0x2]  }
0x4: {  	s3 =	srdreg.scid;
	s2 =	rddreg [dreg:$0x3]  }
0x5: {  	s15 =	stileid.u32;
	s28 =	simm.s32 $0x5;
	s29 =	simm.s32 $0x14000  }
0x6: {  	s30 =	simm.s32 $0x80;
	s31 =	simm.s32 $0x14100;
	s9 =	smul.u32 $0x50000, s15  }
0x7: {  	s5 =	sand.u32 $0x1, s3;
	s3 =	simm.s32 $0x0;
	s20 =	smul.u32 $0x2800, s15  }
0x8: {  	s21 =	sshll.u32 s15, $0x5;
	s6 =	smul.u32 $0x28000, s5;
	[smem:$0x7FF] =	sst s3  }
0x9: {  	s26 =	ssub.s32 $0x2, s5;
	s7 =	sshll.u32 s5, $0x4;
	s5 =	sshll.u32 s5, $0x9  }
0xa: {  	_ =	strace $0x80000047;
	s8 =	sshrl.u32 s26, $0x1;
	s7 =	sor.u32 s15, s7  }
0xb: {  	s9 =	sshrl.u32 s9, $0x2;
	[dreg:$0x7] =	wrdreg s20;
	s4 =	sadd.s32 s6, s4  }
0xc: {  	s10 =	ssub.s32 s26, s8;
	s8 =	sshll.u32 s7, $0x5;
	s11 =	sor.u32 $0x980, s7  }
0xd: {  	s6 =	sadd.s32 s9, s2;
	s22 =	sadd.s32 s0, s8;
	s12 =	sshll.u32 s11, $0x5  }
0xe: {  	s8 =	sadd.s32 $0x4000, s4;
	s9 =	sadd.s32 $0x54000, s4;
	s14 =	smax.u32 s10, $0x1  }
0xf: {  	s24 =	sadd.s32 $0x4000, s6;
	s16 =	sadd.s32 $0x8000, s6;
	s17 =	sadd.s32 $0xC000, s6  }
0x10: {  	s18 =	sadd.s32 $0x10000, s6;
	s4 =	sor.u32 $0x9C0, s7;
	[dreg:$0x6] =	wrdreg s14  }
0x11: {  	s10 =	sor.u32 $0x9A0, s7;
	p0 =	sgt.u32 s11, $0x983;
	[dreg:$0x8] =	wrdreg s16  }
0x12: {  	s11 =	simm.s32 $0x3;
	s7 =	simm.s32 $0x0;
	[dreg:$0x9] =	wrdreg s17  }
0x13: {  	s13 =	sadd.s32 $0x400, s22;
	s12 =	sadd.s32 s12, s0;
	[dreg:$0xa] =	wrdreg s18  }
0x14: {  	s0 =	sadd.s32 s5, s0;
	[dreg:$0x5] =	wrdreg s13;
	s13 =	smul.u32 $0x280, s15  }
0x15: {  	p1 =	sgt.u32 s10, $0x9A3;
	p2 =	sgt.u32 s4, $0x9C3;
	s4 =	simm.s32 $0x18200  }
0x16: {  	s16 =	sadd.s32 s21, s0;
	s19 =	sadd.s32 $0x80, s13;
	s14 =	sadd.s32 $0x100, s13  }
0x17: {  	s15 =	sadd.s32 $0x200, s13;
	s23 =	sshll.u32 s19, $0x7;
	s5 =	sshll.u32 s14, $0x4  }
0x18: {  	s25 =	sshll.u32 s14, $0x7;
	s18 =	sshll.u32 s19, $0x4;
	[dreg:$0xe] =	wrdreg s5  }
0x19: {  	s14 =	sadd.s32 $0x180, s13;
	s26 =	sadd.s32 s23, s2;
	[dreg:$0xc] =	wrdreg s18  }
0x1a: {  	s19 =	sshll.u32 s15, $0x7;
	s0 =	sadd.s32 s25, s2;
	[dreg:$0xb] =	wrdreg s26  }
0x1b: {  	s17 =	sshll.u32 s14, $0x7;
	s21 =	sshll.u32 s14, $0x4;
	[dreg:$0xd] =	wrdreg s0  }
0x1c: {  	s23 =	sadd.s32 s19, s2;
	s25 =	sshll.u32 s15, $0x4;
	[dreg:$0x10] =	wrdreg s21  }
0x1d: {  	s19 =	simm.s32 $0x1;
	s0 =	sadd.s32 s17, s2;
	[dreg:$0x11] =	wrdreg s23  }
0x1e: {  	[dreg:$0x12] =	wrdreg s25;
	s26 =	sadd.s32 $0x800, s12;
	s17 =	simm.s32 $0x14080  }
0x1f: {  	s21 =	simm.s32 $0x4;
	s23 =	simm.s32 $0x14180;
	[dreg:$0xf] =	wrdreg s0  }
0x20: {  	v0 =	vimm.f32 $0.0e+00;
	v1 =	vimm.f32 $1.000000000e+00;
	[dreg:$0x13] =	wrdreg s26;
	s26 =	simm.s32 $0x14200;
	s0 =	simm.s32 $0x2  }
.LBB2_1:
0x21: {  	s5 =	simm.s32 $0x0;
	s10 =	simm.s32 $0x200  }
.LBB2_2:
0x22: {  	p3 =	sne.s32 s10, $0xFE00;
	[tilespmem:s5+$0x14270] =	vst v0  }
0x23: {  	[tilespmem:s5+$0x14200] =	vst v0  }
0x24: {  	[tilespmem:s5+$0x14210] =	vst v0  }
.Ltmp0:
0x25: {  	[tilespmem:s5+$0x14220] =	vst v0;
	(pc) =	sbr.rel @p3 .LBB2_2-.Ltmp0, $4  }
0x26: {  	[tilespmem:s5+$0x14230] =	vst v0  }
0x27: {  	[tilespmem:s5+$0x14240] =	vst v0  }
0x28: {  	[tilespmem:s5+$0x14250] =	vst v0  }
0x29: {  	[tilespmem:s5+$0x14260] =	vst v0;
	s5 =	sshra.s32 s10, $0x2;
	s10 =	sadd.s32 $0x200, s10  }
0x2a: {  	[tilespmem:s5+$0x14270] =	vst v0  }
0x2b: {  	[tilespmem:s5+$0x14200] =	vst v0  }
0x2c: {  	[tilespmem:s5+$0x14210] =	vst v0  }
0x2d: {  	[tilespmem:s5+$0x14220] =	vst v0  }
0x2e: {  	[tilespmem:s5+$0x14230] =	vst v0  }
0x2f: {  	[tilespmem:s5+$0x14240] =	vst v0  }
0x30: {  	[tilespmem:s5+$0x14250] =	vst v0  }
0x31: {  	[tilespmem:s5+$0x14260] =	vst v0  }
0x32: {  	[spmem:s6] =	stream.linear.scatter [tilespmem:s26], [sflag:$0x5], $0x4000, $0x38;
	[tilespmem:$0x1C200] =	vst v63  }
0x33: {  	_ =	swait.ge [sflag:s28], $0x4000  }
0x34: {  	[sflag:s28] =	ssyncset.done $0x0  }
0x35: {  	[sflag:s28] =	ssyncadd.s32 $0xFFFFC000  }
0x36: {  	[spmem:s24] =	stream.linear.scatter [tilespmem:s26], [sflag:$0x5], $0x4000, $0x38;
	[tilespmem:$0x1C200] =	vst v63  }
0x37: {  	_ =	swait.ge [sflag:s28], $0x4000  }
0x38: {  	[sflag:s28] =	ssyncset.done $0x0  }
0x39: {  	s12 =	rddreg [dreg:$0x8];
	[sflag:s28] =	ssyncadd.s32 $0xFFFFC000  }
0x3a: {  	[spmem:s12] =	stream.linear.scatter [tilespmem:s26], [sflag:$0x5], $0x4000, $0x38;
	[tilespmem:$0x1C200] =	vst v63  }
0x3b: {  	_ =	swait.ge [sflag:s28], $0x4000  }
0x3c: {  	[sflag:s28] =	ssyncset.done $0x0  }
0x3d: {  	s13 =	rddreg [dreg:$0x9];
	[sflag:s28] =	ssyncadd.s32 $0xFFFFC000  }
0x3e: {  	[spmem:s13] =	stream.linear.scatter [tilespmem:s26], [sflag:$0x5], $0x4000, $0x38;
	[tilespmem:$0x1C200] =	vst v63  }
0x3f: {  	_ =	swait.ge [sflag:s28], $0x4000  }
0x40: {  	[sflag:s28] =	ssyncset.done $0x0  }
0x41: {  	s14 =	rddreg [dreg:$0xa];
	[sflag:s28] =	ssyncadd.s32 $0xFFFFC000  }
0x42: {  	[spmem:s14] =	stream.linear.scatter [tilespmem:s26], [sflag:$0x5], $0x4000, $0x38;
	[tilespmem:$0x1C200] =	vst v63  }
0x43: {  	_ =	swait.ge [sflag:s28], $0x4000  }
0x44: {  	[sflag:s28] =	ssyncset.done $0x0  }
0x45: {  	[sflag:s28] =	ssyncadd.s32 $0xFFFFC000  }
0x46: {  	[bflag:$0x0] =	sbarrier.arrive $0xFFFF  }
0x47: {  	[tilespmem:s29], [sflag:$0x5] =	stream.linear.gather [hbm4b:s22+s3], $0x100, $0x38;
	[tilespmem:$0x1C200] =	vst v63  }
0x48: {  	_ =	swait.ge [sflag:s28], $0x100  }
0x49: {  	[sflag:s28] =	ssyncset.done $0x0  }
0x4a: {  	[sflag:s28] =	ssyncadd.s32 $0xFFFFFF00  }
0x4b: {  	[tilespmem:s26], [sflag:$0x3] =	stream.indirect.gather [hbm4b:s1+s30], $0x80, s29, s30, $0xb8;
	[tilespmem:$0x1C200] =	vst v63  }
0x4c: {  	s15 =	rddreg [dreg:$0x5]  }
0x4d: {  	[tilespmem:s31], [sflag:$0x2] =	stream.linear.gather [hbm4b:s15+s3], $0x100, $0x38;
	[tilespmem:$0x1C200] =	vst v63  }
0x4e: {  	_ =	swait.ge [sflag:s0], $0x100  }
0x4f: {  	[sflag:s0] =	ssyncset.done $0x0  }
0x50: {  	[sflag:s0] =	ssyncadd.s32 $0xFFFFFF00  }
0x51: {  	[tilespmem:s4], [sflag:$0x4] =	stream.indirect.gather [hbm4b:s1+s30], $0x80, s31, s30, $0xb8;
	[tilespmem:$0x1C200] =	vst v63  }
0x52: {  	_ =	swait.ge [sflag:s11], $0x4000  }
0x53: {  	[sflag:s11] =	ssyncset.done $0x0  }
0x54: {  	[sflag:s11] =	ssyncadd.s32 $0xFFFFC000  }
0x55: {  	[spmem:s2] =	stream.indirect.scatter.add.f32 [tilespmem:s26], [sflag:$0x5], $0x80, s17, s30, $0xb8;
	[tilespmem:$0x1C200] =	vst v63  }
0x56: {  	_ =	swait.ge [sflag:s28], $0x4000  }
0x57: {  	s10 =	sadd.s32 $0xFFFED000, s16;
	[sflag:s28] =	ssyncset.done $0x0  }
0x58: {  	s25 =	sadd.s32 $0x13800, s10;
	[sflag:s28] =	ssyncadd.s32 $0xFFFFC000  }
0x59: {  	[tilespmem:s29], [sflag:$0x1] =	stream.linear.gather [hbm4b:s25+s3], $0x100, $0x38;
	[tilespmem:$0x1C200] =	vst v63  }
0x5a: {  	_ =	swait.ge [sflag:s19], $0x100  }
0x5b: {  	[sflag:s19] =	ssyncset.done $0x0  }
0x5c: {  	[sflag:s19] =	ssyncadd.s32 $0xFFFFFF00  }
0x5d: {  	[tilespmem:s26], [sflag:$0x3] =	stream.indirect.gather [hbm4b:s1+s30], $0x80, s29, s30, $0xb8;
	[tilespmem:$0x1C200] =	vst v63  }
0x5e: {  	_ =	swait.ge [sflag:s21], $0x4000  }
0x5f: {  	[sflag:s21] =	ssyncset.done $0x0  }
0x60: {  	[sflag:s21] =	ssyncadd.s32 $0xFFFFC000  }
0x61: {  	[spmem:s2] =	stream.indirect.scatter.add.f32 [tilespmem:s4], [sflag:$0x5], $0x80, s23, s30, $0xb8;
	[tilespmem:$0x1C200] =	vst v63  }
0x62: {  	_ =	swait.ge [sflag:s28], $0x4000  }
0x63: {  	[sflag:s28] =	ssyncset.done $0x0  }
0x64: {  	s5 =	simm.s32 $0xFFFED800;
	s10 =	sadd.s32 $0x13C00, s10;
	[sflag:s28] =	ssyncadd.s32 $0xFFFFC000  }
.LBB2_4:
0x65: {  	[tilespmem:s31], [sflag:$0x2] =	stream.linear.gather [hbm4b:s10+s3], $0x100, $0x38;
	[tilespmem:$0x1C200] =	vst v63  }
0x66: {  	s10 =	smov.u32 s5  }
0x67: {  	p3 =	sne.s32 s5, $0xFFFFF800;
	s5 =	sadd.s32 $0x800, s5;
	_ =	swait.ge [sflag:s0], $0x100  }
0x68: {  	[sflag:s0] =	ssyncset.done $0x0  }
0x69: {  	[sflag:s0] =	ssyncadd.s32 $0xFFFFFF00  }
0x6a: {  	[tilespmem:s4], [sflag:$0x4] =	stream.indirect.gather [hbm4b:s1+s30], $0x80, s31, s30, $0xb8;
	[tilespmem:$0x1C200] =	vst v63  }
0x6b: {  	_ =	swait.ge [sflag:s11], $0x4000  }
0x6c: {  	[sflag:s11] =	ssyncset.done $0x0  }
0x6d: {  	[sflag:s11] =	ssyncadd.s32 $0xFFFFC000  }
0x6e: {  	[spmem:s2] =	stream.indirect.scatter.add.f32 [tilespmem:s26], [sflag:$0x5], $0x80, s17, s30, $0xb8;
	[tilespmem:$0x1C200] =	vst v63  }
0x6f: {  	_ =	swait.ge [sflag:s28], $0x4000  }
0x70: {  	s10 =	sadd.s32 s10, s16;
	[sflag:s28] =	ssyncset.done $0x0  }
0x71: {  	s12 =	sadd.s32 $0x13800, s10;
	[sflag:s28] =	ssyncadd.s32 $0xFFFFC000  }
0x72: {  	[tilespmem:s29], [sflag:$0x1] =	stream.linear.gather [hbm4b:s12+s3], $0x100, $0x38;
	[tilespmem:$0x1C200] =	vst v63  }
0x73: {  	_ =	swait.ge [sflag:s19], $0x100  }
0x74: {  	[sflag:s19] =	ssyncset.done $0x0  }
0x75: {  	[sflag:s19] =	ssyncadd.s32 $0xFFFFFF00  }
0x76: {  	[tilespmem:s26], [sflag:$0x3] =	stream.indirect.gather [hbm4b:s1+s30], $0x80, s29, s30, $0xb8;
	[tilespmem:$0x1C200] =	vst v63  }
0x77: {  	_ =	swait.ge [sflag:s21], $0x4000  }
0x78: {  	[sflag:s21] =	ssyncset.done $0x0  }
.Ltmp1:
0x79: {  	[sflag:s21] =	ssyncadd.s32 $0xFFFFC000;
	(pc) =	sbr.rel @p3 .LBB2_4-.Ltmp1, $4  }
0x7a: {  	[spmem:s2] =	stream.indirect.scatter.add.f32 [tilespmem:s4], [sflag:$0x5], $0x80, s23, s30, $0xb8;
	[tilespmem:$0x1C200] =	vst v63  }
0x7b: {  	_ =	swait.ge [sflag:s28], $0x4000  }
0x7c: {  	[sflag:s28] =	ssyncset.done $0x0  }
0x7d: {  	s10 =	sadd.s32 $0x13C00, s10;
	[sflag:s28] =	ssyncadd.s32 $0xFFFFC000  }
0x7e: {  	[tilespmem:s31], [sflag:$0x2] =	stream.linear.gather [hbm4b:s10+s3], $0x100, $0x38;
	[tilespmem:$0x1C200] =	vst v63  }
0x7f: {  	_ =	swait.ge [sflag:s0], $0x100  }
0x80: {  	[sflag:s0] =	ssyncset.done $0x0  }
0x81: {  	[sflag:s0] =	ssyncadd.s32 $0xFFFFFF00  }
0x82: {  	[tilespmem:s4], [sflag:$0x4] =	stream.indirect.gather [hbm4b:s1+s30], $0x80, s31, s30, $0xb8;
	[tilespmem:$0x1C200] =	vst v63  }
0x83: {  	_ =	swait.ge [sflag:s11], $0x4000  }
0x84: {  	[sflag:s11] =	ssyncset.done $0x0  }
0x85: {  	[sflag:s11] =	ssyncadd.s32 $0xFFFFC000  }
0x86: {  	[spmem:s2] =	stream.indirect.scatter.add.f32 [tilespmem:s26], [sflag:$0x5], $0x80, s17, s30, $0xb8;
	[tilespmem:$0x1C200] =	vst v63  }
0x87: {  	_ =	swait.ge [sflag:s28], $0x4000  }
0x88: {  	s5 =	simm.s32 @!p0 $0x0;
	[sflag:s28] =	ssyncset.done $0x0  }
0x89: {  	s10 =	simm.s32 @!p0 $0x14000;
	s12 =	rddreg [dreg:$0x13];
	[sflag:s28] =	ssyncadd.s32 $0xFFFFC000  }
0x8a: {  	[tilespmem:s10], [sflag:$0x1] =	stream.linear.gather @!p0 [hbm4b:s12+s5], $0x100, $0x38;
	[tilespmem:$0x1C200] =	vst v63  }
0x8b: {  	s5 =	simm.s32 @!p1 $0x1  }
0x8c: {  	_ =	swait.ge @!p1 [sflag:s5], $0x100  }
0x8d: {  	s10 =	simm.s32 @!p1 $0x14000;
	[sflag:s5] =	ssyncset.done @!p1 $0x0  }
0x8e: {  	s12 =	simm.s32 @!p1 $0x14200;
	[sflag:s5] =	ssyncadd.s32 @!p1 $0xFFFFFF00;
	s5 =	simm.s32 @!p1 $0x80  }
0x8f: {  	[tilespmem:s12], [sflag:$0x3] =	stream.indirect.gather @!p1 [hbm4b:s1+s5], $0x80, s10, s5, $0xb8;
	[tilespmem:$0x1C200] =	vst v63  }
0x90: {  	_ =	swait.ge [sflag:s21], $0x4000  }
0x91: {  	[sflag:s21] =	ssyncset.done $0x0  }
0x92: {  	[sflag:s21] =	ssyncadd.s32 $0xFFFFC000  }
0x93: {  	[spmem:s2] =	stream.indirect.scatter.add.f32 [tilespmem:s4], [sflag:$0x5], $0x80, s23, s30, $0xb8;
	[tilespmem:$0x1C200] =	vst v63  }
0x94: {  	_ =	swait.ge [sflag:s28], $0x4000  }
0x95: {  	[sflag:s28] =	ssyncset.done $0x0  }
0x96: {  	s5 =	simm.s32 @!p2 $0x3;
	[sflag:s28] =	ssyncadd.s32 $0xFFFFC000  }
0x97: {  	_ =	swait.ge @!p2 [sflag:s5], $0x4000  }
0x98: {  	s10 =	simm.s32 @!p2 $0x14080;
	[sflag:s5] =	ssyncset.done @!p2 $0x0  }
0x99: {  	s12 =	simm.s32 @!p2 $0x14200;
	[sflag:s5] =	ssyncadd.s32 @!p2 $0xFFFFC000;
	s5 =	simm.s32 @!p2 $0x80  }
0x9a: {  	[spmem:s2] =	stream.indirect.scatter.add.f32 @!p2 [tilespmem:s12], [sflag:$0x5], $0x80, s10, s5, $0xb8;
	[tilespmem:$0x1C200] =	vst v63  }
0x9b: {  	s5 =	simm.s32 @!p2 $0x5  }
0x9c: {  	_ =	swait.ge @!p2 [sflag:s5], $0x4000  }
0x9d: {  	s12 =	stileid.u32;
	[sflag:s5] =	ssyncset.done @!p2 $0x0  }
0x9e: {  	s13 =	sadd.s32 s20, s8;
	[sflag:s5] =	ssyncadd.s32 @!p2 $0xFFFFC000;
	s5 =	sshll.u32 s12, $0x6  }
0x9f: {  	s10 =	sshrl.u32 s6, $0x3;
	[bflag:$0x0] =	sbarrier.arrive $0xFFFF;
	s5 =	sor.u32 $0x1C05, s5  }
0xa0: {  	[hbm:s13], [sflag:s5] =	dma.local [spmem:s10], $0x800  }
0xa1: {  	_ =	swait.ge [sflag:s28], $0x800  }
0xa2: {  	[sflag:s28] =	ssyncset.done $0x0;
	s14 =	rddreg [dreg:$0xb]  }
0xa3: {  	s13 =	sadd.s32 s18, s8;
	[sflag:s28] =	ssyncadd.s32 $0xFFFFF800;
	s12 =	sshrl.u32 s14, $0x3  }
0xa4: {  	[hbm:s13], [sflag:s5] =	dma.local [spmem:s12], $0x800  }
0xa5: {  	_ =	swait.ge [sflag:s28], $0x800  }
0xa6: {  	s15 =	rddreg [dreg:$0xe]  }
0xa7: {  	[sflag:s28] =	ssyncset.done $0x0;
	s18 =	rddreg [dreg:$0xd]  }
0xa8: {  	[sflag:s28] =	ssyncadd.s32 $0xFFFFF800;
	s14 =	sadd.s32 s15, s8;
	s13 =	sshrl.u32 s18, $0x3  }
0xa9: {  	[hbm:s14], [sflag:s5] =	dma.local [spmem:s13], $0x800  }
0xaa: {  	_ =	swait.ge [sflag:s28], $0x800  }
0xab: {  	s20 =	rddreg [dreg:$0x10]  }
0xac: {  	[sflag:s28] =	ssyncset.done $0x0;
	s25 =	rddreg [dreg:$0xf]  }
0xad: {  	[sflag:s28] =	ssyncadd.s32 $0xFFFFF800;
	s15 =	sadd.s32 s20, s8;
	s14 =	sshrl.u32 s25, $0x3  }
0xae: {  	[hbm:s15], [sflag:s5] =	dma.local [spmem:s14], $0x800  }
0xaf: {  	_ =	swait.ge [sflag:s28], $0x800  }
0xb0: {  	s18 =	rddreg [dreg:$0x12]  }
0xb1: {  	[sflag:s28] =	ssyncset.done $0x0;
	s25 =	rddreg [dreg:$0x11]  }
0xb2: {  	[sflag:s28] =	ssyncadd.s32 $0xFFFFF800;
	s20 =	sadd.s32 s18, s8;
	s15 =	sshrl.u32 s25, $0x3  }
0xb3: {  	[hbm:s20], [sflag:s5] =	dma.local [spmem:s15], $0x800  }
0xb4: {  	_ =	swait.ge [sflag:s28], $0x800  }
0xb5: {  	[sflag:s28] =	ssyncset.done $0x0  }
0xb6: {  	s18 =	simm.s32 $0x0;
	s20 =	simm.s32 $0x200;
	[sflag:s28] =	ssyncadd.s32 $0xFFFFF800  }
.LBB2_6:
0xb7: {  	p3 =	sne.s32 s20, $0xFE00;
	[tilespmem:s18+$0x14270] =	vst v0  }
0xb8: {  	[tilespmem:s18+$0x14200] =	vst v0  }
0xb9: {  	[tilespmem:s18+$0x14210] =	vst v0  }
.Ltmp2:
0xba: {  	[tilespmem:s18+$0x14220] =	vst v0;
	(pc) =	sbr.rel @p3 .LBB2_6-.Ltmp2, $4  }
0xbb: {  	[tilespmem:s18+$0x14230] =	vst v0  }
0xbc: {  	[tilespmem:s18+$0x14240] =	vst v0  }
0xbd: {  	[tilespmem:s18+$0x14250] =	vst v0  }
0xbe: {  	[tilespmem:s18+$0x14260] =	vst v0;
	s18 =	sshra.s32 s20, $0x2;
	s20 =	sadd.s32 $0x200, s20  }
0xbf: {  	[tilespmem:s18+$0x14270] =	vst v0  }
0xc0: {  	[tilespmem:s18+$0x14200] =	vst v0  }
0xc1: {  	[tilespmem:s18+$0x14210] =	vst v0  }
0xc2: {  	[tilespmem:s18+$0x14220] =	vst v0  }
0xc3: {  	[tilespmem:s18+$0x14230] =	vst v0  }
0xc4: {  	[tilespmem:s18+$0x14240] =	vst v0  }
0xc5: {  	[tilespmem:s18+$0x14250] =	vst v0  }
0xc6: {  	[tilespmem:s18+$0x14260] =	vst v0;
	s18 =	simm.s32 $0x0;
	s20 =	simm.s32 $0x200  }
.LBB2_8:
0xc7: {  	p3 =	sne.s32 s20, $0xFE00;
	[tilespmem:s18+$0x18270] =	vst v1  }
0xc8: {  	[tilespmem:s18+$0x18200] =	vst v1  }
0xc9: {  	[tilespmem:s18+$0x18210] =	vst v1  }
.Ltmp3:
0xca: {  	[tilespmem:s18+$0x18220] =	vst v1;
	(pc) =	sbr.rel @p3 .LBB2_8-.Ltmp3, $4  }
0xcb: {  	[tilespmem:s18+$0x18230] =	vst v1  }
0xcc: {  	[tilespmem:s18+$0x18240] =	vst v1  }
0xcd: {  	[tilespmem:s18+$0x18250] =	vst v1  }
0xce: {  	[tilespmem:s18+$0x18260] =	vst v1;
	s18 =	sshra.s32 s20, $0x2;
	s20 =	sadd.s32 $0x200, s20  }
0xcf: {  	[tilespmem:s18+$0x18270] =	vst v1  }
0xd0: {  	[tilespmem:s18+$0x18200] =	vst v1  }
0xd1: {  	[tilespmem:s18+$0x18210] =	vst v1  }
0xd2: {  	[tilespmem:s18+$0x18220] =	vst v1  }
0xd3: {  	[tilespmem:s18+$0x18230] =	vst v1  }
0xd4: {  	[tilespmem:s18+$0x18240] =	vst v1  }
0xd5: {  	[tilespmem:s18+$0x18250] =	vst v1  }
0xd6: {  	[tilespmem:s18+$0x18260] =	vst v1  }
0xd7: {  	[spmem:s6] =	stream.linear.scatter [tilespmem:s26], [sflag:$0x5], $0x4000, $0x38;
	[tilespmem:$0x1C200] =	vst v63  }
0xd8: {  	_ =	swait.ge [sflag:s28], $0x4000  }
0xd9: {  	[sflag:s28] =	ssyncset.done $0x0  }
0xda: {  	[sflag:s28] =	ssyncadd.s32 $0xFFFFC000  }
0xdb: {  	[spmem:s24] =	stream.linear.scatter [tilespmem:s26], [sflag:$0x5], $0x4000, $0x38;
	[tilespmem:$0x1C200] =	vst v63  }
0xdc: {  	_ =	swait.ge [sflag:s28], $0x4000  }
0xdd: {  	s25 =	smov.u32 s6;
	[sflag:s28] =	ssyncset.done $0x0  }
0xde: {  	s6 =	smov.u32 s24;
	s24 =	rddreg [dreg:$0x8];
	[sflag:s28] =	ssyncadd.s32 $0xFFFFC000  }
0xdf: {  	[spmem:s24] =	stream.linear.scatter [tilespmem:s26], [sflag:$0x5], $0x4000, $0x38;
	[tilespmem:$0x1C200] =	vst v63  }
0xe0: {  	_ =	swait.ge [sflag:s28], $0x4000  }
0xe1: {  	[sflag:s28] =	ssyncset.done $0x0  }
0xe2: {  	s20 =	rddreg [dreg:$0x9];
	[sflag:s28] =	ssyncadd.s32 $0xFFFFC000  }
0xe3: {  	[spmem:s20] =	stream.linear.scatter [tilespmem:s26], [sflag:$0x5], $0x4000, $0x38;
	[tilespmem:$0x1C200] =	vst v63  }
0xe4: {  	_ =	swait.ge [sflag:s28], $0x4000  }
0xe5: {  	[sflag:s28] =	ssyncset.done $0x0  }
0xe6: {  	s24 =	rddreg [dreg:$0xa];
	[sflag:s28] =	ssyncadd.s32 $0xFFFFC000  }
0xe7: {  	[spmem:s24] =	stream.linear.scatter [tilespmem:s26], [sflag:$0x5], $0x4000, $0x38;
	[tilespmem:$0x1C200] =	vst v63  }
0xe8: {  	_ =	swait.ge [sflag:s28], $0x4000  }
0xe9: {  	[sflag:s28] =	ssyncset.done $0x0  }
0xea: {  	[sflag:s28] =	ssyncadd.s32 $0xFFFFC000  }
0xeb: {  	[bflag:$0x0] =	sbarrier.arrive $0xFFFF  }
0xec: {  	[tilespmem:s29], [sflag:$0x1] =	stream.linear.gather [hbm4b:s22+s3], $0x100, $0x38;
	[tilespmem:$0x1C200] =	vst v63  }
0xed: {  	s20 =	rddreg [dreg:$0x5]  }
0xee: {  	[tilespmem:s31], [sflag:$0x2] =	stream.linear.gather [hbm4b:s20+s3], $0x100, $0x38;
	[tilespmem:$0x1C200] =	vst v63  }
0xef: {  	_ =	swait.ge [sflag:s19], $0x100  }
0xf0: {  	[sflag:s19] =	ssyncset.done $0x0  }
0xf1: {  	[sflag:s19] =	ssyncadd.s32 $0xFFFFFF00  }
0xf2: {  	[spmem:s2] =	stream.indirect.scatter.add.f32 [tilespmem:s4], [sflag:$0x5], $0x80, s17, s30, $0xb8;
	[tilespmem:$0x1C200] =	vst v63  }
0xf3: {  	_ =	swait.ge [sflag:s28], $0x4000  }
0xf4: {  	s20 =	sadd.s32 $0xFFFED000, s16;
	[sflag:s28] =	ssyncset.done $0x0  }
0xf5: {  	s24 =	smov.u32 s22;
	s22 =	sadd.s32 $0x13800, s20;
	[sflag:s28] =	ssyncadd.s32 $0xFFFFC000  }
0xf6: {  	[tilespmem:s29], [sflag:$0x1] =	stream.linear.gather [hbm4b:s22+s3], $0x100, $0x38;
	[tilespmem:$0x1C200] =	vst v63  }
0xf7: {  	_ =	swait.ge [sflag:s0], $0x100  }
0xf8: {  	[sflag:s0] =	ssyncset.done $0x0  }
0xf9: {  	[sflag:s0] =	ssyncadd.s32 $0xFFFFFF00  }
0xfa: {  	[spmem:s2] =	stream.indirect.scatter.add.f32 [tilespmem:s4], [sflag:$0x5], $0x80, s23, s30, $0xb8;
	[tilespmem:$0x1C200] =	vst v63  }
0xfb: {  	_ =	swait.ge [sflag:s28], $0x4000  }
0xfc: {  	[sflag:s28] =	ssyncset.done $0x0  }
0xfd: {  	s18 =	simm.s32 $0xFFFED800;
	s20 =	sadd.s32 $0x13C00, s20;
	[sflag:s28] =	ssyncadd.s32 $0xFFFFC000  }
.LBB2_10:
0xfe: {  	[tilespmem:s31], [sflag:$0x2] =	stream.linear.gather [hbm4b:s20+s3], $0x100, $0x38;
	[tilespmem:$0x1C200] =	vst v63  }
0xff: {  	s20 =	smov.u32 s18  }
0x100: {  	p3 =	sne.s32 s18, $0xFFFFF800;
	s18 =	sadd.s32 $0x800, s18;
	_ =	swait.ge [sflag:s19], $0x100  }
0x101: {  	[sflag:s19] =	ssyncset.done $0x0  }
0x102: {  	[sflag:s19] =	ssyncadd.s32 $0xFFFFFF00  }
0x103: {  	[spmem:s2] =	stream.indirect.scatter.add.f32 [tilespmem:s4], [sflag:$0x5], $0x80, s17, s30, $0xb8;
	[tilespmem:$0x1C200] =	vst v63  }
0x104: {  	_ =	swait.ge [sflag:s28], $0x4000  }
0x105: {  	s20 =	sadd.s32 s20, s16;
	[sflag:s28] =	ssyncset.done $0x0  }
0x106: {  	s22 =	sadd.s32 $0x13800, s20;
	[sflag:s28] =	ssyncadd.s32 $0xFFFFC000  }
0x107: {  	[tilespmem:s29], [sflag:$0x1] =	stream.linear.gather [hbm4b:s22+s3], $0x100, $0x38;
	[tilespmem:$0x1C200] =	vst v63  }
0x108: {  	_ =	swait.ge [sflag:s0], $0x100  }
0x109: {  	[sflag:s0] =	ssyncset.done $0x0  }
.Ltmp4:
0x10a: {  	[sflag:s0] =	ssyncadd.s32 $0xFFFFFF00;
	(pc) =	sbr.rel @p3 .LBB2_10-.Ltmp4, $4  }
0x10b: {  	[spmem:s2] =	stream.indirect.scatter.add.f32 [tilespmem:s4], [sflag:$0x5], $0x80, s23, s30, $0xb8;
	[tilespmem:$0x1C200] =	vst v63  }
0x10c: {  	_ =	swait.ge [sflag:s28], $0x4000  }
0x10d: {  	[sflag:s28] =	ssyncset.done $0x0  }
0x10e: {  	s20 =	sadd.s32 $0x13C00, s20;
	[sflag:s28] =	ssyncadd.s32 $0xFFFFC000  }
0x10f: {  	[tilespmem:s31], [sflag:$0x2] =	stream.linear.gather [hbm4b:s20+s3], $0x100, $0x38;
	[tilespmem:$0x1C200] =	vst v63  }
0x110: {  	_ =	swait.ge [sflag:s19], $0x100  }
0x111: {  	[sflag:s19] =	ssyncset.done $0x0  }
0x112: {  	[sflag:s19] =	ssyncadd.s32 $0xFFFFFF00  }
0x113: {  	[spmem:s2] =	stream.indirect.scatter.add.f32 [tilespmem:s4], [sflag:$0x5], $0x80, s17, s30, $0xb8;
	[tilespmem:$0x1C200] =	vst v63  }
0x114: {  	_ =	swait.ge [sflag:s28], $0x4000  }
0x115: {  	s18 =	simm.s32 @!p0 $0x0;
	[sflag:s28] =	ssyncset.done $0x0  }
0x116: {  	s20 =	simm.s32 @!p0 $0x14000;
	s22 =	rddreg [dreg:$0x13];
	[sflag:s28] =	ssyncadd.s32 $0xFFFFC000  }
0x117: {  	[tilespmem:s20], [sflag:$0x1] =	stream.linear.gather @!p0 [hbm4b:s22+s18], $0x100, $0x38;
	[tilespmem:$0x1C200] =	vst v63  }
0x118: {  	_ =	swait.ge [sflag:s0], $0x100  }
0x119: {  	[sflag:s0] =	ssyncset.done $0x0  }
0x11a: {  	[sflag:s0] =	ssyncadd.s32 $0xFFFFFF00  }
0x11b: {  	[spmem:s2] =	stream.indirect.scatter.add.f32 [tilespmem:s4], [sflag:$0x5], $0x80, s23, s30, $0xb8;
	[tilespmem:$0x1C200] =	vst v63  }
0x11c: {  	_ =	swait.ge [sflag:s28], $0x4000  }
0x11d: {  	[sflag:s28] =	ssyncset.done $0x0  }
0x11e: {  	s18 =	simm.s32 @!p2 $0x1;
	[sflag:s28] =	ssyncadd.s32 $0xFFFFC000  }
0x11f: {  	_ =	swait.ge @!p2 [sflag:s18], $0x100  }
0x120: {  	s20 =	simm.s32 @!p2 $0x14080;
	[sflag:s18] =	ssyncset.done @!p2 $0x0  }
0x121: {  	s22 =	simm.s32 @!p2 $0x18200;
	[sflag:s18] =	ssyncadd.s32 @!p2 $0xFFFFFF00;
	s18 =	simm.s32 @!p2 $0x80  }
0x122: {  	[spmem:s2] =	stream.indirect.scatter.add.f32 @!p2 [tilespmem:s22], [sflag:$0x5], $0x80, s20, s18, $0xb8;
	[tilespmem:$0x1C200] =	vst v63  }
0x123: {  	s18 =	simm.s32 @!p2 $0x5  }
0x124: {  	_ =	swait.ge @!p2 [sflag:s18], $0x4000  }
0x125: {  	[sflag:s18] =	ssyncset.done @!p2 $0x0  }
0x126: {  	[sflag:s18] =	ssyncadd.s32 @!p2 $0xFFFFC000  }
0x127: {  	[bflag:$0x0] =	sbarrier.arrive $0xFFFF  }
0x128: {  	s20 =	rddreg [dreg:$0x7]  }
0x129: {  	s22 =	sadd.s32 s20, s9  }
0x12a: {  	[hbm:s22], [sflag:s5] =	dma.local [spmem:s10], $0x800  }
0x12b: {  	_ =	swait.ge [sflag:s28], $0x800  }
0x12c: {  	[sflag:s28] =	ssyncset.done $0x0;
	s18 =	rddreg [dreg:$0xc]  }
0x12d: {  	[sflag:s28] =	ssyncadd.s32 $0xFFFFF800;
	s22 =	sadd.s32 s18, s9  }
0x12e: {  	[hbm:s22], [sflag:s5] =	dma.local [spmem:s12], $0x800  }
0x12f: {  	_ =	swait.ge [sflag:s28], $0x800  }
0x130: {  	[sflag:s28] =	ssyncset.done $0x0;
	s12 =	rddreg [dreg:$0xe]  }
0x131: {  	[sflag:s28] =	ssyncadd.s32 $0xFFFFF800;
	s10 =	sadd.s32 s12, s9  }
0x132: {  	[hbm:s10], [sflag:s5] =	dma.local [spmem:s13], $0x800  }
0x133: {  	_ =	swait.ge [sflag:s28], $0x800  }
0x134: {  	[sflag:s28] =	ssyncset.done $0x0;
	s13 =	rddreg [dreg:$0x10]  }
0x135: {  	[sflag:s28] =	ssyncadd.s32 $0xFFFFF800;
	s10 =	sadd.s32 s13, s9  }
0x136: {  	[hbm:s10], [sflag:s5] =	dma.local [spmem:s14], $0x800  }
0x137: {  	_ =	swait.ge [sflag:s28], $0x800  }
0x138: {  	[sflag:s28] =	ssyncset.done $0x0;
	s14 =	rddreg [dreg:$0x12]  }
0x139: {  	[sflag:s28] =	ssyncadd.s32 $0xFFFFF800;
	s10 =	sadd.s32 s14, s9  }
0x13a: {  	[hbm:s10], [sflag:s5] =	dma.local [spmem:s15], $0x800  }
0x13b: {  	_ =	swait.ge [sflag:s28], $0x800  }
0x13c: {  	s7 =	sadd.s32 $0x1, s7;
	s22 =	rddreg [dreg:$0x6]  }
0x13d: {  	p3 =	sne.s32 s7, s22  }
.Ltmp5:
0x13e: {  	_ = 	snop;
	(pc) =	sbr.rel @p3 .LBB2_1-.Ltmp5, $4  }
0x13f: {  	_ = 	snop  }
0x140: {  	[sflag:s28] =	ssyncset.done $0x0  }
0x141: {  	[sflag:s28] =	ssyncadd.s32 $0xFFFFF800  }
0x142: {  	s22 =	smov.u32 s24;
	s24 =	smov.u32 s6;
	s6 =	smov.u32 s25  }
0x143: {  	_ =	sfence.sel $0x180000  }
0x144: {  	[bflag:$0x0] =	sbarrier.arrive $0xFFFF  }
0x145: {  	_ =	strace $0x90000047  }
0x146: {  	s0 =	stileid.u32;
	[bflag:$0x2] =	sbarrier.arrive $0xFFFF  }
0x147: {  	p0 =	sne.s32 s0, $0x0;
	s0 =	rddreg [dreg:$0x4]  }
0x148: {  	s0 =	sadd.s32 @!p0 $0x100000, s0  }
0x149: {  	[sflag:s0] =	ssyncadd.tile.s32 @!p0 $0x1;
	_ =	shalt  }
.Lfunc_end2:
_tile_overlayer_lowered:
.L_overlay_start_2:
0x14a: {  	(tag) =	ssettag $0x2  }
0x14b: {  	s0 =	rddreg [dreg:$0x0];
	s2 =	stileid.u32  }
0x14c: {  	s1 =	rddreg [dreg:$0x1];
	p0 =	sne.s32 s2, $0x0  }
0x14d: {  	s3 =	rddreg [dreg:$0x2];
	[bflag:$0x3] =	sbarrier.arrive $0xFFFF;
	s2 =	simm.s32 @!p0 $0x1C05  }
0x14e: {  	[timem:s3], [sflag:s2] =	dma.local @!p0 [hbm:s0], s1  }
0x14f: {  	s0 =	simm.s32 @!p0 $0x5  }
0x150: {  	_ =	swait.ge @!p0 [sflag:s0], s1  }
0x151: {  	s1 =	ssub.s32 @!p0 $0x0, s1;
	[sflag:s0] =	ssyncset.done @!p0 $0x0  }
0x152: {  	[sflag:s0] =	ssyncadd.s32 @!p0 s1  }
0x153: {  	[bflag:$0x3] =	sbarrier.arrive $0xFFFF  }
0x154: {  	_ =	shalt  }

</sc_bundles>
